<compile_context>
chip_gen: v7x
topology: tpu7x:2x2x1
jax: 0.10.2.dev20260603
libtpu: 0.0.44.dev20260713+nightly
codegen_flags: <defaults>
</compile_context>

<pallas_src>
import functools

import jax
import jax.numpy as jnp
import numpy as np
from jax import lax
from jax.experimental import pallas as pl
from jax.experimental.pallas import tpu as pltpu
from jax.experimental.pallas import tpu_sc as plsc

L = 16
NC, NS = 2, 16
NW = NC * NS
B, N = 4, 262144
NPTS = B * N
PPW = NPTS // NW
K = 2048
NCH = PPW // K
NIDX = 512
NG = K // NIDX
VOLSZ = 128 * 128 * 128
NTOT = B * VOLSZ

CLIP_LO = np.float32(0.001)
CLIP_HI = np.float32(128.0) - np.float32(1.001)

OFFS = (0, 16384, 128, 16512, 1, 16385, 129, 16513)

_mesh = plsc.VectorSubcoreMesh(core_axis_name="c", subcore_axis_name="s")

_one_buf = (
    [pltpu.VMEM((K,), jnp.float32) for _ in range(3)]
    + [pltpu.VMEM((K,), jnp.int32) for _ in range(8)]
    + [pltpu.VMEM((K,), jnp.float32) for _ in range(8)]
    + [pltpu.VMEM((K,), jnp.float32) for _ in range(6)]
    + [pltpu.VMEM((K,), jnp.float32)]
    + [pltpu.SemaphoreType.DMA]
)
_scratch = _one_buf + _one_buf
_NB = len(_one_buf)


@functools.partial(
    pl.kernel,
    mesh=_mesh,
    out_type=jax.ShapeDtypeStruct((NPTS,), jnp.float32),
    scratch_types=_scratch,
    compiler_params=pltpu.CompilerParams(
        needs_layout_passes=False, use_tc_tiling_on_sc=False
    ),
)
def _warp(vol, gx, gy, gz, out, *refs):
    bufs = []
    for p in (0, 1):
        r = refs[p * _NB : (p + 1) * _NB]
        bufs.append(
            dict(coords=r[0:3], idx=r[3:11], g=r[11:19], w=r[19:25],
                 o=r[25], sem=r[26])
        )
    gin = (gx, gy, gz)

    cid = lax.axis_index("c")
    sid = lax.axis_index("s")
    wid = sid * NC + cid
    base0 = wid * PPW
    vbase = (wid // (NW // B)) * VOLSZ

    def gen_fire(bf, ch):
        base = base0 + ch * K
        for a in range(3):
            pltpu.sync_copy(gin[a].at[pl.ds(base, K)], bf["coords"][a])

        def gen(i, c2):
            sl = pl.ds(i * L, L)

            def axis(a):
                t = bf["coords"][a][sl] * 128.0
                t = jnp.minimum(jnp.maximum(t, CLIP_LO), CLIP_HI)
                i1 = t.astype(jnp.int32)
                f1 = i1.astype(jnp.float32)
                w = t - f1
                up = jnp.where(w > 0.0, 1.0, 0.0).astype(jnp.float32)
                w2 = (f1 + up) - t
                return i1, w, w2

            ix, wx, wx2 = axis(0)
            iy, wy, wy2 = axis(1)
            iz, wz, wz2 = axis(2)
            ibase = ix * 16384 + iy * 128 + iz + vbase
            for c in range(8):
                bf["idx"][c][sl] = ibase + OFFS[c]
            for a, w in enumerate((wx, wx2, wy, wy2, wz, wz2)):
                bf["w"][a][sl] = w
            return c2

        lax.fori_loop(0, K // L, gen, 0)

        for c in range(8):
            for j in range(NG):
                pltpu.async_copy(
                    vol.at[bf["idx"][c].at[pl.ds(j * NIDX, NIDX)]],
                    bf["g"][c].at[pl.ds(j * NIDX, NIDX)],
                    bf["sem"],
                )

    def finish(bf, ch):
        base = base0 + ch * K
        for c in range(8):
            pltpu.make_async_copy(
                vol.at[pl.ds(0, K)], bf["g"][c], bf["sem"]
            ).wait()

        def blend(i, c2):
            sl = pl.ds(i * L, L)
            g = bf["g"]
            w = bf["w"]
            wx = w[0][sl]
            wx2 = w[1][sl]
            wy = w[2][sl]
            wy2 = w[3][sl]
            wz = w[4][sl]
            wz2 = w[5][sl]
            lx1 = g[1][sl] * wx + g[0][sl] * wx2
            lx2 = g[3][sl] * wx + g[2][sl] * wx2
            ly1 = lx2 * wy + lx1 * wy2
            lx1b = g[5][sl] * wx + g[4][sl] * wx2
            lx2b = g[7][sl] * wx + g[6][sl] * wx2
            ly2 = lx2b * wy + lx1b * wy2
            bf["o"][sl] = ly2 * wz + ly1 * wz2
            return c2

        lax.fori_loop(0, K // L, blend, 0)
        pltpu.sync_copy(bf["o"], out.at[pl.ds(base, K)])

    gen_fire(bufs[0], 0)

    def body(i, carry):
        for par in (0, 1):
            @pl.when((i & 1) == par)
            def _():
                nxt = bufs[1 - par]
                cur = bufs[par]

                @pl.when(i + 1 < NCH)
                def _():
                    gen_fire(nxt, i + 1)

                finish(cur, i)
        return carry

    lax.fori_loop(0, NCH, body, 0)


def kernel(image_inputs, image_grid):
    vol = image_inputs.reshape(NTOT)
    grid_t = jnp.transpose(image_grid, (2, 0, 1)).reshape(3, NPTS)
    out = _warp(vol, grid_t[0], grid_t[1], grid_t[2])
    return out.reshape(B, N, 1)

# --- scband reference (transcript-rebuilt; emitter-appended) ---
"""Pipeline reference for scband-image-warped-76854144795315 (READ-ONLY COPY).

The authoritative reference and input builder live on the scoring server;
editing this copy changes nothing except your own understanding.
"""

import jax, jax.numpy as jnp
import numpy as np

SIZE = (128.0, 128.0, 128.0)


def setup_inputs(seed: int = 0) -> dict:
    key = jax.random.key(seed)
    k1, k2 = jax.random.split(key)
    image_inputs = jax.random.normal(k1, (4, 128, 128, 128, 1), dtype=jnp.float32)
    image_grid = jax.random.uniform(k2, (4, 262144, 3), dtype=jnp.float32)
    return {"image_inputs": image_inputs, "image_grid": image_grid}


def _gather(features, ix, iy, iz):
    # features: [B, X, Y, Z, C]; ix/iy/iz: float [B, N] -> gather -> [B, N, C]
    B = features.shape[0]
    b = jnp.arange(B, dtype=jnp.int32)[:, None]
    return features[b, ix.astype(jnp.int32), iy.astype(jnp.int32), iz.astype(jnp.int32)]


def reference(image_inputs, image_grid):
    factor = jnp.array([[[SIZE[0], SIZE[1], SIZE[2]]]], dtype=jnp.float32)
    indices = image_grid * factor
    indices = jnp.clip(indices, 0.001, jnp.min(factor) - 1.001)
    x1 = jnp.floor(indices[:, :, 0])
    x2 = jnp.ceil(indices[:, :, 0])
    y1 = jnp.floor(indices[:, :, 1])
    y2 = jnp.ceil(indices[:, :, 1])
    z1 = jnp.floor(indices[:, :, 2])
    z2 = jnp.ceil(indices[:, :, 2])

    q11 = _gather(image_inputs, x1, y1, z1)
    q21 = _gather(image_inputs, x2, y1, z1)
    q12 = _gather(image_inputs, x1, y2, z1)
    q22 = _gather(image_inputs, x2, y2, z1)

    wx = (indices[:, :, 0] - x1)[..., None]
    wx2 = (x2 - indices[:, :, 0])[..., None]
    lerp_x1 = q21 * wx + q11 * wx2
    lerp_x2 = q22 * wx + q12 * wx2

    wy = (indices[:, :, 1] - y1)[..., None]
    wy2 = (y2 - indices[:, :, 1])[..., None]
    lerp_y1 = lerp_x2 * wy + lerp_x1 * wy2

    q11 = _gather(image_inputs, x1, y1, z2)
    q21 = _gather(image_inputs, x2, y1, z2)
    q12 = _gather(image_inputs, x1, y2, z2)
    q22 = _gather(image_inputs, x2, y2, z2)

    lerp_x1 = q21 * wx + q11 * wx2
    lerp_x2 = q22 * wx + q12 * wx2
    lerp_y2 = lerp_x2 * wy + lerp_x1 * wy2

    wz = (indices[:, :, 2] - z1)[..., None]
    wz2 = (z2 - indices[:, :, 2])[..., None]
    deformed = lerp_y2 * wz + lerp_y1 * wz2
    return deformed

if __name__ == "__main__":
    import jax
    _d = setup_inputs()
    print(jax.jit(kernel)(*tuple(_d.values())))

</pallas_src>

<mosaic_0001>
#map = affine_map<(d0, d1) -> (0)>
module attributes {stable_mosaic.version = 14 : i64} {
  func.func @_warp(%arg0: i32, %arg1: i32, %arg2: memref<8388608xf32, #tpu.memory_space<hbm>>, %arg3: memref<1048576xf32, #tpu.memory_space<hbm>>, %arg4: memref<1048576xf32, #tpu.memory_space<hbm>>, %arg5: memref<1048576xf32, #tpu.memory_space<hbm>>, %arg6: memref<1048576xf32, #tpu.memory_space<hbm>>, %arg7: memref<2048xf32, #tpu.memory_space<vmem>>, %arg8: memref<2048xf32, #tpu.memory_space<vmem>>, %arg9: memref<2048xf32, #tpu.memory_space<vmem>>, %arg10: memref<2048xi32, #tpu.memory_space<vmem>>, %arg11: memref<2048xi32, #tpu.memory_space<vmem>>, %arg12: memref<2048xi32, #tpu.memory_space<vmem>>, %arg13: memref<2048xi32, #tpu.memory_space<vmem>>, %arg14: memref<2048xi32, #tpu.memory_space<vmem>>, %arg15: memref<2048xi32, #tpu.memory_space<vmem>>, %arg16: memref<2048xi32, #tpu.memory_space<vmem>>, %arg17: memref<2048xi32, #tpu.memory_space<vmem>>, %arg18: memref<2048xf32, #tpu.memory_space<vmem>>, %arg19: memref<2048xf32, #tpu.memory_space<vmem>>, %arg20: memref<2048xf32, #tpu.memory_space<vmem>>, %arg21: memref<2048xf32, #tpu.memory_space<vmem>>, %arg22: memref<2048xf32, #tpu.memory_space<vmem>>, %arg23: memref<2048xf32, #tpu.memory_space<vmem>>, %arg24: memref<2048xf32, #tpu.memory_space<vmem>>, %arg25: memref<2048xf32, #tpu.memory_space<vmem>>, %arg26: memref<2048xf32, #tpu.memory_space<vmem>>, %arg27: memref<2048xf32, #tpu.memory_space<vmem>>, %arg28: memref<2048xf32, #tpu.memory_space<vmem>>, %arg29: memref<2048xf32, #tpu.memory_space<vmem>>, %arg30: memref<2048xf32, #tpu.memory_space<vmem>>, %arg31: memref<2048xf32, #tpu.memory_space<vmem>>, %arg32: memref<2048xf32, #tpu.memory_space<vmem>>, %arg33: memref<!tpu.dma_semaphore, #tpu.memory_space<semaphore_mem>>, %arg34: memref<2048xf32, #tpu.memory_space<vmem>>, %arg35: memref<2048xf32, #tpu.memory_space<vmem>>, %arg36: memref<2048xf32, #tpu.memory_space<vmem>>, %arg37: memref<2048xi32, #tpu.memory_space<vmem>>, %arg38: memref<2048xi32, #tpu.memory_space<vmem>>, %arg39: memref<2048xi32, #tpu.memory_space<vmem>>, %arg40: memref<2048xi32, #tpu.memory_space<vmem>>, %arg41: memref<2048xi32, #tpu.memory_space<vmem>>, %arg42: memref<2048xi32, #tpu.memory_space<vmem>>, %arg43: memref<2048xi32, #tpu.memory_space<vmem>>, %arg44: memref<2048xi32, #tpu.memory_space<vmem>>, %arg45: memref<2048xf32, #tpu.memory_space<vmem>>, %arg46: memref<2048xf32, #tpu.memory_space<vmem>>, %arg47: memref<2048xf32, #tpu.memory_space<vmem>>, %arg48: memref<2048xf32, #tpu.memory_space<vmem>>, %arg49: memref<2048xf32, #tpu.memory_space<vmem>>, %arg50: memref<2048xf32, #tpu.memory_space<vmem>>, %arg51: memref<2048xf32, #tpu.memory_space<vmem>>, %arg52: memref<2048xf32, #tpu.memory_space<vmem>>, %arg53: memref<2048xf32, #tpu.memory_space<vmem>>, %arg54: memref<2048xf32, #tpu.memory_space<vmem>>, %arg55: memref<2048xf32, #tpu.memory_space<vmem>>, %arg56: memref<2048xf32, #tpu.memory_space<vmem>>, %arg57: memref<2048xf32, #tpu.memory_space<vmem>>, %arg58: memref<2048xf32, #tpu.memory_space<vmem>>, %arg59: memref<2048xf32, #tpu.memory_space<vmem>>, %arg60: memref<!tpu.dma_semaphore, #tpu.memory_space<semaphore_mem>>) attributes {dimension_semantics = [#tpu.dimension_semantics<core_parallel>, #tpu.dimension_semantics<subcore_parallel>], iteration_bounds = array<i64: 2, 16>, scalar_prefetch = 0 : i64, scratch_operands = 54 : i64, tpu.core_type = #tpu.core_type<sc_vector_subcore>, window_params = [{transform_indices = #map}, {transform_indices = #map}, {transform_indices = #map}, {transform_indices = #map}, {transform_indices = #map}]} {
    %mul3A = arith.constant 2 : i32
    %mul3A_0 = arith.muli %arg1, %mul3A : i32
    %add3A = arith.addi %mul3A_0, %arg0 : i32
    %mul3A_1 = arith.constant 32768 : i32
    %mul3A_2 = arith.muli %add3A, %mul3A_1 : i32
    %jit3A = arith.constant 8 : i32
    %div3A = arith.divsi %add3A, %jit3A : i32
    %sign3A = arith.constant 0 : i32
    %sign3A_3 = arith.cmpi sgt, %add3A, %sign3A : i32
    %sign3A_4 = arith.extui %sign3A_3 : i1 to i32
    %sign3A_5 = arith.constant 0 : i32
    %sign3A_6 = arith.cmpi slt, %add3A, %sign3A_5 : i32
    %sign3A_7 = arith.extui %sign3A_6 : i1 to i32
    %sign3A_8 = arith.subi %sign3A_4, %sign3A_7 : i32
    %sign3A_9 = arith.constant 0 : i32
    %sign3A_10 = arith.cmpi sgt, %jit3A, %sign3A_9 : i32
    %sign3A_11 = arith.extui %sign3A_10 : i1 to i32
    %sign3A_12 = arith.constant 0 : i32
    %sign3A_13 = arith.cmpi slt, %jit3A, %sign3A_12 : i32
    %sign3A_14 = arith.extui %sign3A_13 : i1 to i32
    %sign3A_15 = arith.subi %sign3A_11, %sign3A_14 : i32
    %ne3A = arith.cmpi ne, %sign3A_8, %sign3A_15 : i32
    %rem3A = arith.remsi %add3A, %jit3A : i32
    %ne3A_16 = arith.constant 0 : i32
    %ne3A_17 = arith.cmpi ne, %rem3A, %ne3A_16 : i32
    %and3A = arith.andi %ne3A, %ne3A_17 : i1
    %sub3A = arith.constant 1 : i32
    %sub3A_18 = arith.subi %div3A, %sub3A : i32
    %select_n3A = arith.select %and3A, %sub3A_18, %div3A : i32
    %mul3A_19 = arith.constant 2097152 : i32
    %mul3A_20 = arith.muli %select_n3A, %mul3A_19 : i32
    %add3A_21 = arith.constant 0 : i32
    %add3A_22 = arith.addi %mul3A_2, %add3A_21 : i32
    "tpu.region"() ({
      %run_scoped3A = tpu.sem_alloc : memref<!tpu.dma_semaphore, #tpu.memory_space<semaphore_mem>>
      %dma_start3A_225 = tpu.memref_slice %arg3[%add3A_22] : memref<1048576xf32, #tpu.memory_space<hbm>> -> memref<2048xf32, #tpu.memory_space<hbm>>
      %dma_start3A_226 = tpu.memref_slice %arg3[%add3A_22] : memref<1048576xf32, #tpu.memory_space<hbm>> -> memref<2048xf32, #tpu.memory_space<hbm>>
      tpu.enqueue_dma source(%dma_start3A_226 : memref<2048xf32, #tpu.memory_space<hbm>>) target(%arg7 : memref<2048xf32, #tpu.memory_space<vmem>>) target_semaphore(%run_scoped3A : memref<!tpu.dma_semaphore, #tpu.memory_space<semaphore_mem>>)
      %dma_wait3A = tpu.memref_slice %arg3[%add3A_22] : memref<1048576xf32, #tpu.memory_space<hbm>> -> memref<2048xf32, #tpu.memory_space<hbm>>
      %dma_wait3A_227 = tpu.memref_slice %arg3[%add3A_22] : memref<1048576xf32, #tpu.memory_space<hbm>> -> memref<2048xf32, #tpu.memory_space<hbm>>
      tpu.wait_dma2 semaphore(%run_scoped3A : memref<!tpu.dma_semaphore, #tpu.memory_space<semaphore_mem>>) src(%dma_wait3A_227 : memref<2048xf32, #tpu.memory_space<hbm>>) dst(%arg7 : memref<2048xf32, #tpu.memory_space<vmem>>)
      tpu.yield
    }) : () -> ()
    "tpu.region"() ({
      %run_scoped3A = tpu.sem_alloc : memref<!tpu.dma_semaphore, #tpu.memory_space<semaphore_mem>>
      %dma_start3A_225 = tpu.memref_slice %arg4[%add3A_22] : memref<1048576xf32, #tpu.memory_space<hbm>> -> memref<2048xf32, #tpu.memory_space<hbm>>
      %dma_start3A_226 = tpu.memref_slice %arg4[%add3A_22] : memref<1048576xf32, #tpu.memory_space<hbm>> -> memref<2048xf32, #tpu.memory_space<hbm>>
      tpu.enqueue_dma source(%dma_start3A_226 : memref<2048xf32, #tpu.memory_space<hbm>>) target(%arg8 : memref<2048xf32, #tpu.memory_space<vmem>>) target_semaphore(%run_scoped3A : memref<!tpu.dma_semaphore, #tpu.memory_space<semaphore_mem>>)
      %dma_wait3A = tpu.memref_slice %arg4[%add3A_22] : memref<1048576xf32, #tpu.memory_space<hbm>> -> memref<2048xf32, #tpu.memory_space<hbm>>
      %dma_wait3A_227 = tpu.memref_slice %arg4[%add3A_22] : memref<1048576xf32, #tpu.memory_space<hbm>> -> memref<2048xf32, #tpu.memory_space<hbm>>
      tpu.wait_dma2 semaphore(%run_scoped3A : memref<!tpu.dma_semaphore, #tpu.memory_space<semaphore_mem>>) src(%dma_wait3A_227 : memref<2048xf32, #tpu.memory_space<hbm>>) dst(%arg8 : memref<2048xf32, #tpu.memory_space<vmem>>)
      tpu.yield
    }) : () -> ()
    "tpu.region"() ({
      %run_scoped3A = tpu.sem_alloc : memref<!tpu.dma_semaphore, #tpu.memory_space<semaphore_mem>>
      %dma_start3A_225 = tpu.memref_slice %arg5[%add3A_22] : memref<1048576xf32, #tpu.memory_space<hbm>> -> memref<2048xf32, #tpu.memory_space<hbm>>
      %dma_start3A_226 = tpu.memref_slice %arg5[%add3A_22] : memref<1048576xf32, #tpu.memory_space<hbm>> -> memref<2048xf32, #tpu.memory_space<hbm>>
      tpu.enqueue_dma source(%dma_start3A_226 : memref<2048xf32, #tpu.memory_space<hbm>>) target(%arg9 : memref<2048xf32, #tpu.memory_space<vmem>>) target_semaphore(%run_scoped3A : memref<!tpu.dma_semaphore, #tpu.memory_space<semaphore_mem>>)
      %dma_wait3A = tpu.memref_slice %arg5[%add3A_22] : memref<1048576xf32, #tpu.memory_space<hbm>> -> memref<2048xf32, #tpu.memory_space<hbm>>
      %dma_wait3A_227 = tpu.memref_slice %arg5[%add3A_22] : memref<1048576xf32, #tpu.memory_space<hbm>> -> memref<2048xf32, #tpu.memory_space<hbm>>
      tpu.wait_dma2 semaphore(%run_scoped3A : memref<!tpu.dma_semaphore, #tpu.memory_space<semaphore_mem>>) src(%dma_wait3A_227 : memref<2048xf32, #tpu.memory_space<hbm>>) dst(%arg9 : memref<2048xf32, #tpu.memory_space<vmem>>)
      tpu.yield
    }) : () -> ()
    %scan3A = arith.constant 0 : i32
    %scan3A_23 = arith.constant 0 : i32
    %scan3A_24 = arith.constant 128 : i32
    %scan3A_25 = arith.addi %scan3A_23, %scan3A_24 : i32
    %scan3A_26 = arith.constant 1 : i32
    scf.for %scan3A_225 = %scan3A_23 to %scan3A_25 step %scan3A_26  : i32 {
      %mul3A_226 = arith.constant 16 : i32
      %mul3A_227 = arith.muli %scan3A_225, %mul3A_226 : i32
      %get3A = arith.index_cast %mul3A_227 : i32 to index
      %get3A_228 = tpu.vector_load %arg7[%get3A] {strides = array<i32>} : memref<2048xf32, #tpu.memory_space<vmem>>, vector<16xf32>,
      %mul3A_229 = arith.constant 1.280000e+02 : f32
      %mul3A_230 = vector.broadcast %mul3A_229 : f32 to vector<16xf32>
      %mul3A_231 = arith.mulf %get3A_228, %mul3A_230 : vector<16xf32>
      %max3A = arith.constant 1.000000e-03 : f32
      %max3A_232 = vector.broadcast %max3A : f32 to vector<16xf32>
      %max3A_233 = arith.maximumf %mul3A_231, %max3A_232 : vector<16xf32>
      %min3A = arith.constant 1.269990e+02 : f32
      %min3A_234 = vector.broadcast %min3A : f32 to vector<16xf32>
      %min3A_235 = arith.minimumf %max3A_233, %min3A_234 : vector<16xf32>
      %convert_element_type3A = arith.fptosi %min3A_235 : vector<16xf32> to vector<16xi32>
      %convert_element_type3A_236 = arith.sitofp %convert_element_type3A : vector<16xi32> to vector<16xf32>
      %sub3A_237 = arith.subf %min3A_235, %convert_element_type3A_236 : vector<16xf32>
      %gt3A = arith.constant 0.000000e+00 : f32
      %gt3A_238 = vector.broadcast %gt3A : f32 to vector<16xf32>
      %gt3A_239 = arith.cmpf ogt, %sub3A_237, %gt3A_238 : vector<16xf32>
      %jit3A_240 = arith.constant 1.000000e+00 : f32
      %jit3A_241 = arith.constant 0.000000e+00 : f32
      %broadcast_in_dim3A = vector.broadcast %jit3A_240 : f32 to vector<16xf32>
      %broadcast_in_dim3A_242 = vector.broadcast %jit3A_241 : f32 to vector<16xf32>
      %select_n3A_243 = arith.select %gt3A_239, %broadcast_in_dim3A, %broadcast_in_dim3A_242 : vector<16xi1>, vector<16xf32>
      %add3A_244 = arith.addf %convert_element_type3A_236, %select_n3A_243 : vector<16xf32>
      %sub3A_245 = arith.subf %add3A_244, %min3A_235 : vector<16xf32>
      %get3A_246 = arith.index_cast %mul3A_227 : i32 to index
      %get3A_247 = tpu.vector_load %arg8[%get3A_246] {strides = array<i32>} : memref<2048xf32, #tpu.memory_space<vmem>>, vector<16xf32>,
      %mul3A_248 = arith.constant 1.280000e+02 : f32
      %mul3A_249 = vector.broadcast %mul3A_248 : f32 to vector<16xf32>
      %mul3A_250 = arith.mulf %get3A_247, %mul3A_249 : vector<16xf32>
      %max3A_251 = arith.constant 1.000000e-03 : f32
      %max3A_252 = vector.broadcast %max3A_251 : f32 to vector<16xf32>
      %max3A_253 = arith.maximumf %mul3A_250, %max3A_252 : vector<16xf32>
      %min3A_254 = arith.constant 1.269990e+02 : f32
      %min3A_255 = vector.broadcast %min3A_254 : f32 to vector<16xf32>
      %min3A_256 = arith.minimumf %max3A_253, %min3A_255 : vector<16xf32>
      %convert_element_type3A_257 = arith.fptosi %min3A_256 : vector<16xf32> to vector<16xi32>
      %convert_element_type3A_258 = arith.sitofp %convert_element_type3A_257 : vector<16xi32> to vector<16xf32>
      %sub3A_259 = arith.subf %min3A_256, %convert_element_type3A_258 : vector<16xf32>
      %gt3A_260 = arith.constant 0.000000e+00 : f32
      %gt3A_261 = vector.broadcast %gt3A_260 : f32 to vector<16xf32>
      %gt3A_262 = arith.cmpf ogt, %sub3A_259, %gt3A_261 : vector<16xf32>
      %jit3A_263 = arith.constant 1.000000e+00 : f32
      %jit3A_264 = arith.constant 0.000000e+00 : f32
      %broadcast_in_dim3A_265 = vector.broadcast %jit3A_263 : f32 to vector<16xf32>
      %broadcast_in_dim3A_266 = vector.broadcast %jit3A_264 : f32 to vector<16xf32>
      %select_n3A_267 = arith.select %gt3A_262, %broadcast_in_dim3A_265, %broadcast_in_dim3A_266 : vector<16xi1>, vector<16xf32>
      %add3A_268 = arith.addf %convert_element_type3A_258, %select_n3A_267 : vector<16xf32>
      %sub3A_269 = arith.subf %add3A_268, %min3A_256 : vector<16xf32>
      %get3A_270 = arith.index_cast %mul3A_227 : i32 to index
      %get3A_271 = tpu.vector_load %arg9[%get3A_270] {strides = array<i32>} : memref<2048xf32, #tpu.memory_space<vmem>>, vector<16xf32>,
      %mul3A_272 = arith.constant 1.280000e+02 : f32
      %mul3A_273 = vector.broadcast %mul3A_272 : f32 to vector<16xf32>
      %mul3A_274 = arith.mulf %get3A_271, %mul3A_273 : vector<16xf32>
      %max3A_275 = arith.constant 1.000000e-03 : f32
      %max3A_276 = vector.broadcast %max3A_275 : f32 to vector<16xf32>
      %max3A_277 = arith.maximumf %mul3A_274, %max3A_276 : vector<16xf32>
      %min3A_278 = arith.constant 1.269990e+02 : f32
      %min3A_279 = vector.broadcast %min3A_278 : f32 to vector<16xf32>
      %min3A_280 = arith.minimumf %max3A_277, %min3A_279 : vector<16xf32>
      %convert_element_type3A_281 = arith.fptosi %min3A_280 : vector<16xf32> to vector<16xi32>
      %convert_element_type3A_282 = arith.sitofp %convert_element_type3A_281 : vector<16xi32> to vector<16xf32>
      %sub3A_283 = arith.subf %min3A_280, %convert_element_type3A_282 : vector<16xf32>
      %gt3A_284 = arith.constant 0.000000e+00 : f32
      %gt3A_285 = vector.broadcast %gt3A_284 : f32 to vector<16xf32>
      %gt3A_286 = arith.cmpf ogt, %sub3A_283, %gt3A_285 : vector<16xf32>
      %jit3A_287 = arith.constant 1.000000e+00 : f32
      %jit3A_288 = arith.constant 0.000000e+00 : f32
      %broadcast_in_dim3A_289 = vector.broadcast %jit3A_287 : f32 to vector<16xf32>
      %broadcast_in_dim3A_290 = vector.broadcast %jit3A_288 : f32 to vector<16xf32>
      %select_n3A_291 = arith.select %gt3A_286, %broadcast_in_dim3A_289, %broadcast_in_dim3A_290 : vector<16xi1>, vector<16xf32>
      %add3A_292 = arith.addf %convert_element_type3A_282, %select_n3A_291 : vector<16xf32>
      %sub3A_293 = arith.subf %add3A_292, %min3A_280 : vector<16xf32>
      %mul3A_294 = arith.constant 16384 : i32
      %mul3A_295 = vector.broadcast %mul3A_294 : i32 to vector<16xi32>
      %mul3A_296 = arith.muli %convert_element_type3A, %mul3A_295 : vector<16xi32>
      %mul3A_297 = arith.constant 128 : i32
      %mul3A_298 = vector.broadcast %mul3A_297 : i32 to vector<16xi32>
      %mul3A_299 = arith.muli %convert_element_type3A_257, %mul3A_298 : vector<16xi32>
      %add3A_300 = arith.addi %mul3A_296, %mul3A_299 : vector<16xi32>
      %add3A_301 = arith.addi %add3A_300, %convert_element_type3A_281 : vector<16xi32>
      %add3A_302 = vector.broadcast %mul3A_20 : i32 to vector<16xi32>
      %add3A_303 = arith.addi %add3A_301, %add3A_302 : vector<16xi32>
      %add3A_304 = arith.constant 0 : i32
      %add3A_305 = vector.broadcast %add3A_304 : i32 to vector<16xi32>
      %add3A_306 = arith.addi %add3A_303, %add3A_305 : vector<16xi32>
      %swap3A = arith.index_cast %mul3A_227 : i32 to index
      %swap3A_307 = tpu.vector_load %arg10[%swap3A] {strides = array<i32>} : memref<2048xi32, #tpu.memory_space<vmem>>, vector<16xi32>,
      tpu.vector_store %arg10[%swap3A], %add3A_306 {strides = array<i32>} : memref<2048xi32, #tpu.memory_space<vmem>>, vector<16xi32>,
      %add3A_308 = arith.constant 16384 : i32
      %add3A_309 = vector.broadcast %add3A_308 : i32 to vector<16xi32>
      %add3A_310 = arith.addi %add3A_303, %add3A_309 : vector<16xi32>
      %swap3A_311 = arith.index_cast %mul3A_227 : i32 to index
      %swap3A_312 = tpu.vector_load %arg11[%swap3A_311] {strides = array<i32>} : memref<2048xi32, #tpu.memory_space<vmem>>, vector<16xi32>,
      tpu.vector_store %arg11[%swap3A_311], %add3A_310 {strides = array<i32>} : memref<2048xi32, #tpu.memory_space<vmem>>, vector<16xi32>,
      %add3A_313 = arith.constant 128 : i32
      %add3A_314 = vector.broadcast %add3A_313 : i32 to vector<16xi32>
      %add3A_315 = arith.addi %add3A_303, %add3A_314 : vector<16xi32>
      %swap3A_316 = arith.index_cast %mul3A_227 : i32 to index
      %swap3A_317 = tpu.vector_load %arg12[%swap3A_316] {strides = array<i32>} : memref<2048xi32, #tpu.memory_space<vmem>>, vector<16xi32>,
      tpu.vector_store %arg12[%swap3A_316], %add3A_315 {strides = array<i32>} : memref<2048xi32, #tpu.memory_space<vmem>>, vector<16xi32>,
      %add3A_318 = arith.constant 16512 : i32
      %add3A_319 = vector.broadcast %add3A_318 : i32 to vector<16xi32>
      %add3A_320 = arith.addi %add3A_303, %add3A_319 : vector<16xi32>
      %swap3A_321 = arith.index_cast %mul3A_227 : i32 to index
      %swap3A_322 = tpu.vector_load %arg13[%swap3A_321] {strides = array<i32>} : memref<2048xi32, #tpu.memory_space<vmem>>, vector<16xi32>,
      tpu.vector_store %arg13[%swap3A_321], %add3A_320 {strides = array<i32>} : memref<2048xi32, #tpu.memory_space<vmem>>, vector<16xi32>,
      %add3A_323 = arith.constant 1 : i32
      %add3A_324 = vector.broadcast %add3A_323 : i32 to vector<16xi32>
      %add3A_325 = arith.addi %add3A_303, %add3A_324 : vector<16xi32>
      %swap3A_326 = arith.index_cast %mul3A_227 : i32 to index
      %swap3A_327 = tpu.vector_load %arg14[%swap3A_326] {strides = array<i32>} : memref<2048xi32, #tpu.memory_space<vmem>>, vector<16xi32>,
      tpu.vector_store %arg14[%swap3A_326], %add3A_325 {strides = array<i32>} : memref<2048xi32, #tpu.memory_space<vmem>>, vector<16xi32>,
      %add3A_328 = arith.constant 16385 : i32
      %add3A_329 = vector.broadcast %add3A_328 : i32 to vector<16xi32>
      %add3A_330 = arith.addi %add3A_303, %add3A_329 : vector<16xi32>
      %swap3A_331 = arith.index_cast %mul3A_227 : i32 to index
      %swap3A_332 = tpu.vector_load %arg15[%swap3A_331] {strides = array<i32>} : memref<2048xi32, #tpu.memory_space<vmem>>, vector<16xi32>,
      tpu.vector_store %arg15[%swap3A_331], %add3A_330 {strides = array<i32>} : memref<2048xi32, #tpu.memory_space<vmem>>, vector<16xi32>,
      %add3A_333 = arith.constant 129 : i32
      %add3A_334 = vector.broadcast %add3A_333 : i32 to vector<16xi32>
      %add3A_335 = arith.addi %add3A_303, %add3A_334 : vector<16xi32>
      %swap3A_336 = arith.index_cast %mul3A_227 : i32 to index
      %swap3A_337 = tpu.vector_load %arg16[%swap3A_336] {strides = array<i32>} : memref<2048xi32, #tpu.memory_space<vmem>>, vector<16xi32>,
      tpu.vector_store %arg16[%swap3A_336], %add3A_335 {strides = array<i32>} : memref<2048xi32, #tpu.memory_space<vmem>>, vector<16xi32>,
      %add3A_338 = arith.constant 16513 : i32
      %add3A_339 = vector.broadcast %add3A_338 : i32 to vector<16xi32>
      %add3A_340 = arith.addi %add3A_303, %add3A_339 : vector<16xi32>
      %swap3A_341 = arith.index_cast %mul3A_227 : i32 to index
      %swap3A_342 = tpu.vector_load %arg17[%swap3A_341] {strides = array<i32>} : memref<2048xi32, #tpu.memory_space<vmem>>, vector<16xi32>,
      tpu.vector_store %arg17[%swap3A_341], %add3A_340 {strides = array<i32>} : memref<2048xi32, #tpu.memory_space<vmem>>, vector<16xi32>,
      %swap3A_343 = arith.index_cast %mul3A_227 : i32 to index
      %swap3A_344 = tpu.vector_load %arg26[%swap3A_343] {strides = array<i32>} : memref<2048xf32, #tpu.memory_space<vmem>>, vector<16xf32>,
      tpu.vector_store %arg26[%swap3A_343], %sub3A_237 {strides = array<i32>} : memref<2048xf32, #tpu.memory_space<vmem>>, vector<16xf32>,
      %swap3A_345 = arith.index_cast %mul3A_227 : i32 to index
      %swap3A_346 = tpu.vector_load %arg27[%swap3A_345] {strides = array<i32>} : memref<2048xf32, #tpu.memory_space<vmem>>, vector<16xf32>,
      tpu.vector_store %arg27[%swap3A_345], %sub3A_245 {strides = array<i32>} : memref<2048xf32, #tpu.memory_space<vmem>>, vector<16xf32>,
      %swap3A_347 = arith.index_cast %mul3A_227 : i32 to index
      %swap3A_348 = tpu.vector_load %arg28[%swap3A_347] {strides = array<i32>} : memref<2048xf32, #tpu.memory_space<vmem>>, vector<16xf32>,
      tpu.vector_store %arg28[%swap3A_347], %sub3A_259 {strides = array<i32>} : memref<2048xf32, #tpu.memory_space<vmem>>, vector<16xf32>,
      %swap3A_349 = arith.index_cast %mul3A_227 : i32 to index
      %swap3A_350 = tpu.vector_load %arg29[%swap3A_349] {strides = array<i32>} : memref<2048xf32, #tpu.memory_space<vmem>>, vector<16xf32>,
      tpu.vector_store %arg29[%swap3A_349], %sub3A_269 {strides = array<i32>} : memref<2048xf32, #tpu.memory_space<vmem>>, vector<16xf32>,
      %swap3A_351 = arith.index_cast %mul3A_227 : i32 to index
      %swap3A_352 = tpu.vector_load %arg30[%swap3A_351] {strides = array<i32>} : memref<2048xf32, #tpu.memory_space<vmem>>, vector<16xf32>,
      tpu.vector_store %arg30[%swap3A_351], %sub3A_283 {strides = array<i32>} : memref<2048xf32, #tpu.memory_space<vmem>>, vector<16xf32>,
      %swap3A_353 = arith.index_cast %mul3A_227 : i32 to index
      %swap3A_354 = tpu.vector_load %arg31[%swap3A_353] {strides = array<i32>} : memref<2048xf32, #tpu.memory_space<vmem>>, vector<16xf32>,
      tpu.vector_store %arg31[%swap3A_353], %sub3A_293 {strides = array<i32>} : memref<2048xf32, #tpu.memory_space<vmem>>, vector<16xf32>,
    }
    %scan3A_27 = arith.constant 128 : i32
    %dma_start3A = arith.constant 0 : i32
    %dma_start3A_28 = tpu.memref_slice %arg18[%dma_start3A] : memref<2048xf32, #tpu.memory_space<vmem>> -> memref<512xf32, #tpu.memory_space<vmem>>
    %dma_start3A_29 = arith.constant 0 : i32
    %dma_start3A_30 = tpu.memref_slice %arg10[%dma_start3A_29] : memref<2048xi32, #tpu.memory_space<vmem>> -> memref<512xi32, #tpu.memory_space<vmem>>
    %dma_start3A_31 = arith.constant 0 : i32
    %dma_start3A_32 = tpu.memref_slice %arg2[%dma_start3A_31] : memref<8388608xf32, #tpu.memory_space<hbm>> -> memref<8388608xf32, #tpu.memory_space<hbm>>
    tpu.enqueue_indirect_dma source(%dma_start3A_32 : memref<8388608xf32, #tpu.memory_space<hbm>>) target(%dma_start3A_28 : memref<512xf32, #tpu.memory_space<vmem>>) offsets(%dma_start3A_30 : memref<512xi32, #tpu.memory_space<vmem>>) semaphore(%arg33 : memref<!tpu.dma_semaphore, #tpu.memory_space<semaphore_mem>>)
    %dma_start3A_33 = arith.constant 512 : i32
    %dma_start3A_34 = tpu.memref_slice %arg18[%dma_start3A_33] : memref<2048xf32, #tpu.memory_space<vmem>> -> memref<512xf32, #tpu.memory_space<vmem>>
    %dma_start3A_35 = arith.constant 512 : i32
    %dma_start3A_36 = tpu.memref_slice %arg10[%dma_start3A_35] : memref<2048xi32, #tpu.memory_space<vmem>> -> memref<512xi32, #tpu.memory_space<vmem>>
    %dma_start3A_37 = arith.constant 0 : i32
    %dma_start3A_38 = tpu.memref_slice %arg2[%dma_start3A_37] : memref<8388608xf32, #tpu.memory_space<hbm>> -> memref<8388608xf32, #tpu.memory_space<hbm>>
    tpu.enqueue_indirect_dma source(%dma_start3A_38 : memref<8388608xf32, #tpu.memory_space<hbm>>) target(%dma_start3A_34 : memref<512xf32, #tpu.memory_space<vmem>>) offsets(%dma_start3A_36 : memref<512xi32, #tpu.memory_space<vmem>>) semaphore(%arg33 : memref<!tpu.dma_semaphore, #tpu.memory_space<semaphore_mem>>)
    %dma_start3A_39 = arith.constant 1024 : i32
    %dma_start3A_40 = tpu.memref_slice %arg18[%dma_start3A_39] : memref<2048xf32, #tpu.memory_space<vmem>> -> memref<512xf32, #tpu.memory_space<vmem>>
    %dma_start3A_41 = arith.constant 1024 : i32
    %dma_start3A_42 = tpu.memref_slice %arg10[%dma_start3A_41] : memref<2048xi32, #tpu.memory_space<vmem>> -> memref<512xi32, #tpu.memory_space<vmem>>
    %dma_start3A_43 = arith.constant 0 : i32
    %dma_start3A_44 = tpu.memref_slice %arg2[%dma_start3A_43] : memref<8388608xf32, #tpu.memory_space<hbm>> -> memref<8388608xf32, #tpu.memory_space<hbm>>
    tpu.enqueue_indirect_dma source(%dma_start3A_44 : memref<8388608xf32, #tpu.memory_space<hbm>>) target(%dma_start3A_40 : memref<512xf32, #tpu.memory_space<vmem>>) offsets(%dma_start3A_42 : memref<512xi32, #tpu.memory_space<vmem>>) semaphore(%arg33 : memref<!tpu.dma_semaphore, #tpu.memory_space<semaphore_mem>>)
    %dma_start3A_45 = arith.constant 1536 : i32
    %dma_start3A_46 = tpu.memref_slice %arg18[%dma_start3A_45] : memref<2048xf32, #tpu.memory_space<vmem>> -> memref<512xf32, #tpu.memory_space<vmem>>
    %dma_start3A_47 = arith.constant 1536 : i32
    %dma_start3A_48 = tpu.memref_slice %arg10[%dma_start3A_47] : memref<2048xi32, #tpu.memory_space<vmem>> -> memref<512xi32, #tpu.memory_space<vmem>>
    %dma_start3A_49 = arith.constant 0 : i32
    %dma_start3A_50 = tpu.memref_slice %arg2[%dma_start3A_49] : memref<8388608xf32, #tpu.memory_space<hbm>> -> memref<8388608xf32, #tpu.memory_space<hbm>>
    tpu.enqueue_indirect_dma source(%dma_start3A_50 : memref<8388608xf32, #tpu.memory_space<hbm>>) target(%dma_start3A_46 : memref<512xf32, #tpu.memory_space<vmem>>) offsets(%dma_start3A_48 : memref<512xi32, #tpu.memory_space<vmem>>) semaphore(%arg33 : memref<!tpu.dma_semaphore, #tpu.memory_space<semaphore_mem>>)
    %dma_start3A_51 = arith.constant 0 : i32
    %dma_start3A_52 = tpu.memref_slice %arg19[%dma_start3A_51] : memref<2048xf32, #tpu.memory_space<vmem>> -> memref<512xf32, #tpu.memory_space<vmem>>
    %dma_start3A_53 = arith.constant 0 : i32
    %dma_start3A_54 = tpu.memref_slice %arg11[%dma_start3A_53] : memref<2048xi32, #tpu.memory_space<vmem>> -> memref<512xi32, #tpu.memory_space<vmem>>
    %dma_start3A_55 = arith.constant 0 : i32
    %dma_start3A_56 = tpu.memref_slice %arg2[%dma_start3A_55] : memref<8388608xf32, #tpu.memory_space<hbm>> -> memref<8388608xf32, #tpu.memory_space<hbm>>
    tpu.enqueue_indirect_dma source(%dma_start3A_56 : memref<8388608xf32, #tpu.memory_space<hbm>>) target(%dma_start3A_52 : memref<512xf32, #tpu.memory_space<vmem>>) offsets(%dma_start3A_54 : memref<512xi32, #tpu.memory_space<vmem>>) semaphore(%arg33 : memref<!tpu.dma_semaphore, #tpu.memory_space<semaphore_mem>>)
    %dma_start3A_57 = arith.constant 512 : i32
    %dma_start3A_58 = tpu.memref_slice %arg19[%dma_start3A_57] : memref<2048xf32, #tpu.memory_space<vmem>> -> memref<512xf32, #tpu.memory_space<vmem>>
    %dma_start3A_59 = arith.constant 512 : i32
    %dma_start3A_60 = tpu.memref_slice %arg11[%dma_start3A_59] : memref<2048xi32, #tpu.memory_space<vmem>> -> memref<512xi32, #tpu.memory_space<vmem>>
    %dma_start3A_61 = arith.constant 0 : i32
    %dma_start3A_62 = tpu.memref_slice %arg2[%dma_start3A_61] : memref<8388608xf32, #tpu.memory_space<hbm>> -> memref<8388608xf32, #tpu.memory_space<hbm>>
    tpu.enqueue_indirect_dma source(%dma_start3A_62 : memref<8388608xf32, #tpu.memory_space<hbm>>) target(%dma_start3A_58 : memref<512xf32, #tpu.memory_space<vmem>>) offsets(%dma_start3A_60 : memref<512xi32, #tpu.memory_space<vmem>>) semaphore(%arg33 : memref<!tpu.dma_semaphore, #tpu.memory_space<semaphore_mem>>)
    %dma_start3A_63 = arith.constant 1024 : i32
    %dma_start3A_64 = tpu.memref_slice %arg19[%dma_start3A_63] : memref<2048xf32, #tpu.memory_space<vmem>> -> memref<512xf32, #tpu.memory_space<vmem>>
    %dma_start3A_65 = arith.constant 1024 : i32
    %dma_start3A_66 = tpu.memref_slice %arg11[%dma_start3A_65] : memref<2048xi32, #tpu.memory_space<vmem>> -> memref<512xi32, #tpu.memory_space<vmem>>
    %dma_start3A_67 = arith.constant 0 : i32
    %dma_start3A_68 = tpu.memref_slice %arg2[%dma_start3A_67] : memref<8388608xf32, #tpu.memory_space<hbm>> -> memref<8388608xf32, #tpu.memory_space<hbm>>
    tpu.enqueue_indirect_dma source(%dma_start3A_68 : memref<8388608xf32, #tpu.memory_space<hbm>>) target(%dma_start3A_64 : memref<512xf32, #tpu.memory_space<vmem>>) offsets(%dma_start3A_66 : memref<512xi32, #tpu.memory_space<vmem>>) semaphore(%arg33 : memref<!tpu.dma_semaphore, #tpu.memory_space<semaphore_mem>>)
    %dma_start3A_69 = arith.constant 1536 : i32
    %dma_start3A_70 = tpu.memref_slice %arg19[%dma_start3A_69] : memref<2048xf32, #tpu.memory_space<vmem>> -> memref<512xf32, #tpu.memory_space<vmem>>
    %dma_start3A_71 = arith.constant 1536 : i32
    %dma_start3A_72 = tpu.memref_slice %arg11[%dma_start3A_71] : memref<2048xi32, #tpu.memory_space<vmem>> -> memref<512xi32, #tpu.memory_space<vmem>>
    %dma_start3A_73 = arith.constant 0 : i32
    %dma_start3A_74 = tpu.memref_slice %arg2[%dma_start3A_73] : memref<8388608xf32, #tpu.memory_space<hbm>> -> memref<8388608xf32, #tpu.memory_space<hbm>>
    tpu.enqueue_indirect_dma source(%dma_start3A_74 : memref<8388608xf32, #tpu.memory_space<hbm>>) target(%dma_start3A_70 : memref<512xf32, #tpu.memory_space<vmem>>) offsets(%dma_start3A_72 : memref<512xi32, #tpu.memory_space<vmem>>) semaphore(%arg33 : memref<!tpu.dma_semaphore, #tpu.memory_space<semaphore_mem>>)
    %dma_start3A_75 = arith.constant 0 : i32
    %dma_start3A_76 = tpu.memref_slice %arg20[%dma_start3A_75] : memref<2048xf32, #tpu.memory_space<vmem>> -> memref<512xf32, #tpu.memory_space<vmem>>
    %dma_start3A_77 = arith.constant 0 : i32
    %dma_start3A_78 = tpu.memref_slice %arg12[%dma_start3A_77] : memref<2048xi32, #tpu.memory_space<vmem>> -> memref<512xi32, #tpu.memory_space<vmem>>
    %dma_start3A_79 = arith.constant 0 : i32
    %dma_start3A_80 = tpu.memref_slice %arg2[%dma_start3A_79] : memref<8388608xf32, #tpu.memory_space<hbm>> -> memref<8388608xf32, #tpu.memory_space<hbm>>
    tpu.enqueue_indirect_dma source(%dma_start3A_80 : memref<8388608xf32, #tpu.memory_space<hbm>>) target(%dma_start3A_76 : memref<512xf32, #tpu.memory_space<vmem>>) offsets(%dma_start3A_78 : memref<512xi32, #tpu.memory_space<vmem>>) semaphore(%arg33 : memref<!tpu.dma_semaphore, #tpu.memory_space<semaphore_mem>>)
    %dma_start3A_81 = arith.constant 512 : i32
    %dma_start3A_82 = tpu.memref_slice %arg20[%dma_start3A_81] : memref<2048xf32, #tpu.memory_space<vmem>> -> memref<512xf32, #tpu.memory_space<vmem>>
    %dma_start3A_83 = arith.constant 512 : i32
    %dma_start3A_84 = tpu.memref_slice %arg12[%dma_start3A_83] : memref<2048xi32, #tpu.memory_space<vmem>> -> memref<512xi32, #tpu.memory_space<vmem>>
    %dma_start3A_85 = arith.constant 0 : i32
    %dma_start3A_86 = tpu.memref_slice %arg2[%dma_start3A_85] : memref<8388608xf32, #tpu.memory_space<hbm>> -> memref<8388608xf32, #tpu.memory_space<hbm>>
    tpu.enqueue_indirect_dma source(%dma_start3A_86 : memref<8388608xf32, #tpu.memory_space<hbm>>) target(%dma_start3A_82 : memref<512xf32, #tpu.memory_space<vmem>>) offsets(%dma_start3A_84 : memref<512xi32, #tpu.memory_space<vmem>>) semaphore(%arg33 : memref<!tpu.dma_semaphore, #tpu.memory_space<semaphore_mem>>)
    %dma_start3A_87 = arith.constant 1024 : i32
    %dma_start3A_88 = tpu.memref_slice %arg20[%dma_start3A_87] : memref<2048xf32, #tpu.memory_space<vmem>> -> memref<512xf32, #tpu.memory_space<vmem>>
    %dma_start3A_89 = arith.constant 1024 : i32
    %dma_start3A_90 = tpu.memref_slice %arg12[%dma_start3A_89] : memref<2048xi32, #tpu.memory_space<vmem>> -> memref<512xi32, #tpu.memory_space<vmem>>
    %dma_start3A_91 = arith.constant 0 : i32
    %dma_start3A_92 = tpu.memref_slice %arg2[%dma_start3A_91] : memref<8388608xf32, #tpu.memory_space<hbm>> -> memref<8388608xf32, #tpu.memory_space<hbm>>
    tpu.enqueue_indirect_dma source(%dma_start3A_92 : memref<8388608xf32, #tpu.memory_space<hbm>>) target(%dma_start3A_88 : memref<512xf32, #tpu.memory_space<vmem>>) offsets(%dma_start3A_90 : memref<512xi32, #tpu.memory_space<vmem>>) semaphore(%arg33 : memref<!tpu.dma_semaphore, #tpu.memory_space<semaphore_mem>>)
    %dma_start3A_93 = arith.constant 1536 : i32
    %dma_start3A_94 = tpu.memref_slice %arg20[%dma_start3A_93] : memref<2048xf32, #tpu.memory_space<vmem>> -> memref<512xf32, #tpu.memory_space<vmem>>
    %dma_start3A_95 = arith.constant 1536 : i32
    %dma_start3A_96 = tpu.memref_slice %arg12[%dma_start3A_95] : memref<2048xi32, #tpu.memory_space<vmem>> -> memref<512xi32, #tpu.memory_space<vmem>>
    %dma_start3A_97 = arith.constant 0 : i32
    %dma_start3A_98 = tpu.memref_slice %arg2[%dma_start3A_97] : memref<8388608xf32, #tpu.memory_space<hbm>> -> memref<8388608xf32, #tpu.memory_space<hbm>>
    tpu.enqueue_indirect_dma source(%dma_start3A_98 : memref<8388608xf32, #tpu.memory_space<hbm>>) target(%dma_start3A_94 : memref<512xf32, #tpu.memory_space<vmem>>) offsets(%dma_start3A_96 : memref<512xi32, #tpu.memory_space<vmem>>) semaphore(%arg33 : memref<!tpu.dma_semaphore, #tpu.memory_space<semaphore_mem>>)
    %dma_start3A_99 = arith.constant 0 : i32
    %dma_start3A_100 = tpu.memref_slice %arg21[%dma_start3A_99] : memref<2048xf32, #tpu.memory_space<vmem>> -> memref<512xf32, #tpu.memory_space<vmem>>
    %dma_start3A_101 = arith.constant 0 : i32
    %dma_start3A_102 = tpu.memref_slice %arg13[%dma_start3A_101] : memref<2048xi32, #tpu.memory_space<vmem>> -> memref<512xi32, #tpu.memory_space<vmem>>
    %dma_start3A_103 = arith.constant 0 : i32
    %dma_start3A_104 = tpu.memref_slice %arg2[%dma_start3A_103] : memref<8388608xf32, #tpu.memory_space<hbm>> -> memref<8388608xf32, #tpu.memory_space<hbm>>
    tpu.enqueue_indirect_dma source(%dma_start3A_104 : memref<8388608xf32, #tpu.memory_space<hbm>>) target(%dma_start3A_100 : memref<512xf32, #tpu.memory_space<vmem>>) offsets(%dma_start3A_102 : memref<512xi32, #tpu.memory_space<vmem>>) semaphore(%arg33 : memref<!tpu.dma_semaphore, #tpu.memory_space<semaphore_mem>>)
    %dma_start3A_105 = arith.constant 512 : i32
    %dma_start3A_106 = tpu.memref_slice %arg21[%dma_start3A_105] : memref<2048xf32, #tpu.memory_space<vmem>> -> memref<512xf32, #tpu.memory_space<vmem>>
    %dma_start3A_107 = arith.constant 512 : i32
    %dma_start3A_108 = tpu.memref_slice %arg13[%dma_start3A_107] : memref<2048xi32, #tpu.memory_space<vmem>> -> memref<512xi32, #tpu.memory_space<vmem>>
    %dma_start3A_109 = arith.constant 0 : i32
    %dma_start3A_110 = tpu.memref_slice %arg2[%dma_start3A_109] : memref<8388608xf32, #tpu.memory_space<hbm>> -> memref<8388608xf32, #tpu.memory_space<hbm>>
    tpu.enqueue_indirect_dma source(%dma_start3A_110 : memref<8388608xf32, #tpu.memory_space<hbm>>) target(%dma_start3A_106 : memref<512xf32, #tpu.memory_space<vmem>>) offsets(%dma_start3A_108 : memref<512xi32, #tpu.memory_space<vmem>>) semaphore(%arg33 : memref<!tpu.dma_semaphore, #tpu.memory_space<semaphore_mem>>)
    %dma_start3A_111 = arith.constant 1024 : i32
    %dma_start3A_112 = tpu.memref_slice %arg21[%dma_start3A_111] : memref<2048xf32, #tpu.memory_space<vmem>> -> memref<512xf32, #tpu.memory_space<vmem>>
    %dma_start3A_113 = arith.constant 1024 : i32
    %dma_start3A_114 = tpu.memref_slice %arg13[%dma_start3A_113] : memref<2048xi32, #tpu.memory_space<vmem>> -> memref<512xi32, #tpu.memory_space<vmem>>
    %dma_start3A_115 = arith.constant 0 : i32
    %dma_start3A_116 = tpu.memref_slice %arg2[%dma_start3A_115] : memref<8388608xf32, #tpu.memory_space<hbm>> -> memref<8388608xf32, #tpu.memory_space<hbm>>
    tpu.enqueue_indirect_dma source(%dma_start3A_116 : memref<8388608xf32, #tpu.memory_space<hbm>>) target(%dma_start3A_112 : memref<512xf32, #tpu.memory_space<vmem>>) offsets(%dma_start3A_114 : memref<512xi32, #tpu.memory_space<vmem>>) semaphore(%arg33 : memref<!tpu.dma_semaphore, #tpu.memory_space<semaphore_mem>>)
    %dma_start3A_117 = arith.constant 1536 : i32
    %dma_start3A_118 = tpu.memref_slice %arg21[%dma_start3A_117] : memref<2048xf32, #tpu.memory_space<vmem>> -> memref<512xf32, #tpu.memory_space<vmem>>
    %dma_start3A_119 = arith.constant 1536 : i32
    %dma_start3A_120 = tpu.memref_slice %arg13[%dma_start3A_119] : memref<2048xi32, #tpu.memory_space<vmem>> -> memref<512xi32, #tpu.memory_space<vmem>>
    %dma_start3A_121 = arith.constant 0 : i32
    %dma_start3A_122 = tpu.memref_slice %arg2[%dma_start3A_121] : memref<8388608xf32, #tpu.memory_space<hbm>> -> memref<8388608xf32, #tpu.memory_space<hbm>>
    tpu.enqueue_indirect_dma source(%dma_start3A_122 : memref<8388608xf32, #tpu.memory_space<hbm>>) target(%dma_start3A_118 : memref<512xf32, #tpu.memory_space<vmem>>) offsets(%dma_start3A_120 : memref<512xi32, #tpu.memory_space<vmem>>) semaphore(%arg33 : memref<!tpu.dma_semaphore, #tpu.memory_space<semaphore_mem>>)
    %dma_start3A_123 = arith.constant 0 : i32
    %dma_start3A_124 = tpu.memref_slice %arg22[%dma_start3A_123] : memref<2048xf32, #tpu.memory_space<vmem>> -> memref<512xf32, #tpu.memory_space<vmem>>
    %dma_start3A_125 = arith.constant 0 : i32
    %dma_start3A_126 = tpu.memref_slice %arg14[%dma_start3A_125] : memref<2048xi32, #tpu.memory_space<vmem>> -> memref<512xi32, #tpu.memory_space<vmem>>
    %dma_start3A_127 = arith.constant 0 : i32
    %dma_start3A_128 = tpu.memref_slice %arg2[%dma_start3A_127] : memref<8388608xf32, #tpu.memory_space<hbm>> -> memref<8388608xf32, #tpu.memory_space<hbm>>
    tpu.enqueue_indirect_dma source(%dma_start3A_128 : memref<8388608xf32, #tpu.memory_space<hbm>>) target(%dma_start3A_124 : memref<512xf32, #tpu.memory_space<vmem>>) offsets(%dma_start3A_126 : memref<512xi32, #tpu.memory_space<vmem>>) semaphore(%arg33 : memref<!tpu.dma_semaphore, #tpu.memory_space<semaphore_mem>>)
    %dma_start3A_129 = arith.constant 512 : i32
    %dma_start3A_130 = tpu.memref_slice %arg22[%dma_start3A_129] : memref<2048xf32, #tpu.memory_space<vmem>> -> memref<512xf32, #tpu.memory_space<vmem>>
    %dma_start3A_131 = arith.constant 512 : i32
    %dma_start3A_132 = tpu.memref_slice %arg14[%dma_start3A_131] : memref<2048xi32, #tpu.memory_space<vmem>> -> memref<512xi32, #tpu.memory_space<vmem>>
    %dma_start3A_133 = arith.constant 0 : i32
    %dma_start3A_134 = tpu.memref_slice %arg2[%dma_start3A_133] : memref<8388608xf32, #tpu.memory_space<hbm>> -> memref<8388608xf32, #tpu.memory_space<hbm>>
    tpu.enqueue_indirect_dma source(%dma_start3A_134 : memref<8388608xf32, #tpu.memory_space<hbm>>) target(%dma_start3A_130 : memref<512xf32, #tpu.memory_space<vmem>>) offsets(%dma_start3A_132 : memref<512xi32, #tpu.memory_space<vmem>>) semaphore(%arg33 : memref<!tpu.dma_semaphore, #tpu.memory_space<semaphore_mem>>)
    %dma_start3A_135 = arith.constant 1024 : i32
    %dma_start3A_136 = tpu.memref_slice %arg22[%dma_start3A_135] : memref<2048xf32, #tpu.memory_space<vmem>> -> memref<512xf32, #tpu.memory_space<vmem>>
    %dma_start3A_137 = arith.constant 1024 : i32
    %dma_start3A_138 = tpu.memref_slice %arg14[%dma_start3A_137] : memref<2048xi32, #tpu.memory_space<vmem>> -> memref<512xi32, #tpu.memory_space<vmem>>
    %dma_start3A_139 = arith.constant 0 : i32
    %dma_start3A_140 = tpu.memref_slice %arg2[%dma_start3A_139] : memref<8388608xf32, #tpu.memory_space<hbm>> -> memref<8388608xf32, #tpu.memory_space<hbm>>
    tpu.enqueue_indirect_dma source(%dma_start3A_140 : memref<8388608xf32, #tpu.memory_space<hbm>>) target(%dma_start3A_136 : memref<512xf32, #tpu.memory_space<vmem>>) offsets(%dma_start3A_138 : memref<512xi32, #tpu.memory_space<vmem>>) semaphore(%arg33 : memref<!tpu.dma_semaphore, #tpu.memory_space<semaphore_mem>>)
    %dma_start3A_141 = arith.constant 1536 : i32
    %dma_start3A_142 = tpu.memref_slice %arg22[%dma_start3A_141] : memref<2048xf32, #tpu.memory_space<vmem>> -> memref<512xf32, #tpu.memory_space<vmem>>
    %dma_start3A_143 = arith.constant 1536 : i32
    %dma_start3A_144 = tpu.memref_slice %arg14[%dma_start3A_143] : memref<2048xi32, #tpu.memory_space<vmem>> -> memref<512xi32, #tpu.memory_space<vmem>>
    %dma_start3A_145 = arith.constant 0 : i32
    %dma_start3A_146 = tpu.memref_slice %arg2[%dma_start3A_145] : memref<8388608xf32, #tpu.memory_space<hbm>> -> memref<8388608xf32, #tpu.memory_space<hbm>>
    tpu.enqueue_indirect_dma source(%dma_start3A_146 : memref<8388608xf32, #tpu.memory_space<hbm>>) target(%dma_start3A_142 : memref<512xf32, #tpu.memory_space<vmem>>) offsets(%dma_start3A_144 : memref<512xi32, #tpu.memory_space<vmem>>) semaphore(%arg33 : memref<!tpu.dma_semaphore, #tpu.memory_space<semaphore_mem>>)
    %dma_start3A_147 = arith.constant 0 : i32
    %dma_start3A_148 = tpu.memref_slice %arg23[%dma_start3A_147] : memref<2048xf32, #tpu.memory_space<vmem>> -> memref<512xf32, #tpu.memory_space<vmem>>
    %dma_start3A_149 = arith.constant 0 : i32
    %dma_start3A_150 = tpu.memref_slice %arg15[%dma_start3A_149] : memref<2048xi32, #tpu.memory_space<vmem>> -> memref<512xi32, #tpu.memory_space<vmem>>
    %dma_start3A_151 = arith.constant 0 : i32
    %dma_start3A_152 = tpu.memref_slice %arg2[%dma_start3A_151] : memref<8388608xf32, #tpu.memory_space<hbm>> -> memref<8388608xf32, #tpu.memory_space<hbm>>
    tpu.enqueue_indirect_dma source(%dma_start3A_152 : memref<8388608xf32, #tpu.memory_space<hbm>>) target(%dma_start3A_148 : memref<512xf32, #tpu.memory_space<vmem>>) offsets(%dma_start3A_150 : memref<512xi32, #tpu.memory_space<vmem>>) semaphore(%arg33 : memref<!tpu.dma_semaphore, #tpu.memory_space<semaphore_mem>>)
    %dma_start3A_153 = arith.constant 512 : i32
    %dma_start3A_154 = tpu.memref_slice %arg23[%dma_start3A_153] : memref<2048xf32, #tpu.memory_space<vmem>> -> memref<512xf32, #tpu.memory_space<vmem>>
    %dma_start3A_155 = arith.constant 512 : i32
    %dma_start3A_156 = tpu.memref_slice %arg15[%dma_start3A_155] : memref<2048xi32, #tpu.memory_space<vmem>> -> memref<512xi32, #tpu.memory_space<vmem>>
    %dma_start3A_157 = arith.constant 0 : i32
    %dma_start3A_158 = tpu.memref_slice %arg2[%dma_start3A_157] : memref<8388608xf32, #tpu.memory_space<hbm>> -> memref<8388608xf32, #tpu.memory_space<hbm>>
    tpu.enqueue_indirect_dma source(%dma_start3A_158 : memref<8388608xf32, #tpu.memory_space<hbm>>) target(%dma_start3A_154 : memref<512xf32, #tpu.memory_space<vmem>>) offsets(%dma_start3A_156 : memref<512xi32, #tpu.memory_space<vmem>>) semaphore(%arg33 : memref<!tpu.dma_semaphore, #tpu.memory_space<semaphore_mem>>)
    %dma_start3A_159 = arith.constant 1024 : i32
    %dma_start3A_160 = tpu.memref_slice %arg23[%dma_start3A_159] : memref<2048xf32, #tpu.memory_space<vmem>> -> memref<512xf32, #tpu.memory_space<vmem>>
    %dma_start3A_161 = arith.constant 1024 : i32
    %dma_start3A_162 = tpu.memref_slice %arg15[%dma_start3A_161] : memref<2048xi32, #tpu.memory_space<vmem>> -> memref<512xi32, #tpu.memory_space<vmem>>
    %dma_start3A_163 = arith.constant 0 : i32
    %dma_start3A_164 = tpu.memref_slice %arg2[%dma_start3A_163] : memref<8388608xf32, #tpu.memory_space<hbm>> -> memref<8388608xf32, #tpu.memory_space<hbm>>
    tpu.enqueue_indirect_dma source(%dma_start3A_164 : memref<8388608xf32, #tpu.memory_space<hbm>>) target(%dma_start3A_160 : memref<512xf32, #tpu.memory_space<vmem>>) offsets(%dma_start3A_162 : memref<512xi32, #tpu.memory_space<vmem>>) semaphore(%arg33 : memref<!tpu.dma_semaphore, #tpu.memory_space<semaphore_mem>>)
    %dma_start3A_165 = arith.constant 1536 : i32
    %dma_start3A_166 = tpu.memref_slice %arg23[%dma_start3A_165] : memref<2048xf32, #tpu.memory_space<vmem>> -> memref<512xf32, #tpu.memory_space<vmem>>
    %dma_start3A_167 = arith.constant 1536 : i32
    %dma_start3A_168 = tpu.memref_slice %arg15[%dma_start3A_167] : memref<2048xi32, #tpu.memory_space<vmem>> -> memref<512xi32, #tpu.memory_space<vmem>>
    %dma_start3A_169 = arith.constant 0 : i32
    %dma_start3A_170 = tpu.memref_slice %arg2[%dma_start3A_169] : memref<8388608xf32, #tpu.memory_space<hbm>> -> memref<8388608xf32, #tpu.memory_space<hbm>>
    tpu.enqueue_indirect_dma source(%dma_start3A_170 : memref<8388608xf32, #tpu.memory_space<hbm>>) target(%dma_start3A_166 : memref<512xf32, #tpu.memory_space<vmem>>) offsets(%dma_start3A_168 : memref<512xi32, #tpu.memory_space<vmem>>) semaphore(%arg33 : memref<!tpu.dma_semaphore, #tpu.memory_space<semaphore_mem>>)
    %dma_start3A_171 = arith.constant 0 : i32
    %dma_start3A_172 = tpu.memref_slice %arg24[%dma_start3A_171] : memref<2048xf32, #tpu.memory_space<vmem>> -> memref<512xf32, #tpu.memory_space<vmem>>
    %dma_start3A_173 = arith.constant 0 : i32
    %dma_start3A_174 = tpu.memref_slice %arg16[%dma_start3A_173] : memref<2048xi32, #tpu.memory_space<vmem>> -> memref<512xi32, #tpu.memory_space<vmem>>
    %dma_start3A_175 = arith.constant 0 : i32
    %dma_start3A_176 = tpu.memref_slice %arg2[%dma_start3A_175] : memref<8388608xf32, #tpu.memory_space<hbm>> -> memref<8388608xf32, #tpu.memory_space<hbm>>
    tpu.enqueue_indirect_dma source(%dma_start3A_176 : memref<8388608xf32, #tpu.memory_space<hbm>>) target(%dma_start3A_172 : memref<512xf32, #tpu.memory_space<vmem>>) offsets(%dma_start3A_174 : memref<512xi32, #tpu.memory_space<vmem>>) semaphore(%arg33 : memref<!tpu.dma_semaphore, #tpu.memory_space<semaphore_mem>>)
    %dma_start3A_177 = arith.constant 512 : i32
    %dma_start3A_178 = tpu.memref_slice %arg24[%dma_start3A_177] : memref<2048xf32, #tpu.memory_space<vmem>> -> memref<512xf32, #tpu.memory_space<vmem>>
    %dma_start3A_179 = arith.constant 512 : i32
    %dma_start3A_180 = tpu.memref_slice %arg16[%dma_start3A_179] : memref<2048xi32, #tpu.memory_space<vmem>> -> memref<512xi32, #tpu.memory_space<vmem>>
    %dma_start3A_181 = arith.constant 0 : i32
    %dma_start3A_182 = tpu.memref_slice %arg2[%dma_start3A_181] : memref<8388608xf32, #tpu.memory_space<hbm>> -> memref<8388608xf32, #tpu.memory_space<hbm>>
    tpu.enqueue_indirect_dma source(%dma_start3A_182 : memref<8388608xf32, #tpu.memory_space<hbm>>) target(%dma_start3A_178 : memref<512xf32, #tpu.memory_space<vmem>>) offsets(%dma_start3A_180 : memref<512xi32, #tpu.memory_space<vmem>>) semaphore(%arg33 : memref<!tpu.dma_semaphore, #tpu.memory_space<semaphore_mem>>)
    %dma_start3A_183 = arith.constant 1024 : i32
    %dma_start3A_184 = tpu.memref_slice %arg24[%dma_start3A_183] : memref<2048xf32, #tpu.memory_space<vmem>> -> memref<512xf32, #tpu.memory_space<vmem>>
    %dma_start3A_185 = arith.constant 1024 : i32
    %dma_start3A_186 = tpu.memref_slice %arg16[%dma_start3A_185] : memref<2048xi32, #tpu.memory_space<vmem>> -> memref<512xi32, #tpu.memory_space<vmem>>
    %dma_start3A_187 = arith.constant 0 : i32
    %dma_start3A_188 = tpu.memref_slice %arg2[%dma_start3A_187] : memref<8388608xf32, #tpu.memory_space<hbm>> -> memref<8388608xf32, #tpu.memory_space<hbm>>
    tpu.enqueue_indirect_dma source(%dma_start3A_188 : memref<8388608xf32, #tpu.memory_space<hbm>>) target(%dma_start3A_184 : memref<512xf32, #tpu.memory_space<vmem>>) offsets(%dma_start3A_186 : memref<512xi32, #tpu.memory_space<vmem>>) semaphore(%arg33 : memref<!tpu.dma_semaphore, #tpu.memory_space<semaphore_mem>>)
    %dma_start3A_189 = arith.constant 1536 : i32
    %dma_start3A_190 = tpu.memref_slice %arg24[%dma_start3A_189] : memref<2048xf32, #tpu.memory_space<vmem>> -> memref<512xf32, #tpu.memory_space<vmem>>
    %dma_start3A_191 = arith.constant 1536 : i32
    %dma_start3A_192 = tpu.memref_slice %arg16[%dma_start3A_191] : memref<2048xi32, #tpu.memory_space<vmem>> -> memref<512xi32, #tpu.memory_space<vmem>>
    %dma_start3A_193 = arith.constant 0 : i32
    %dma_start3A_194 = tpu.memref_slice %arg2[%dma_start3A_193] : memref<8388608xf32, #tpu.memory_space<hbm>> -> memref<8388608xf32, #tpu.memory_space<hbm>>
    tpu.enqueue_indirect_dma source(%dma_start3A_194 : memref<8388608xf32, #tpu.memory_space<hbm>>) target(%dma_start3A_190 : memref<512xf32, #tpu.memory_space<vmem>>) offsets(%dma_start3A_192 : memref<512xi32, #tpu.memory_space<vmem>>) semaphore(%arg33 : memref<!tpu.dma_semaphore, #tpu.memory_space<semaphore_mem>>)
    %dma_start3A_195 = arith.constant 0 : i32
    %dma_start3A_196 = tpu.memref_slice %arg25[%dma_start3A_195] : memref<2048xf32, #tpu.memory_space<vmem>> -> memref<512xf32, #tpu.memory_space<vmem>>
    %dma_start3A_197 = arith.constant 0 : i32
    %dma_start3A_198 = tpu.memref_slice %arg17[%dma_start3A_197] : memref<2048xi32, #tpu.memory_space<vmem>> -> memref<512xi32, #tpu.memory_space<vmem>>
    %dma_start3A_199 = arith.constant 0 : i32
    %dma_start3A_200 = tpu.memref_slice %arg2[%dma_start3A_199] : memref<8388608xf32, #tpu.memory_space<hbm>> -> memref<8388608xf32, #tpu.memory_space<hbm>>
    tpu.enqueue_indirect_dma source(%dma_start3A_200 : memref<8388608xf32, #tpu.memory_space<hbm>>) target(%dma_start3A_196 : memref<512xf32, #tpu.memory_space<vmem>>) offsets(%dma_start3A_198 : memref<512xi32, #tpu.memory_space<vmem>>) semaphore(%arg33 : memref<!tpu.dma_semaphore, #tpu.memory_space<semaphore_mem>>)
    %dma_start3A_201 = arith.constant 512 : i32
    %dma_start3A_202 = tpu.memref_slice %arg25[%dma_start3A_201] : memref<2048xf32, #tpu.memory_space<vmem>> -> memref<512xf32, #tpu.memory_space<vmem>>
    %dma_start3A_203 = arith.constant 512 : i32
    %dma_start3A_204 = tpu.memref_slice %arg17[%dma_start3A_203] : memref<2048xi32, #tpu.memory_space<vmem>> -> memref<512xi32, #tpu.memory_space<vmem>>
    %dma_start3A_205 = arith.constant 0 : i32
    %dma_start3A_206 = tpu.memref_slice %arg2[%dma_start3A_205] : memref<8388608xf32, #tpu.memory_space<hbm>> -> memref<8388608xf32, #tpu.memory_space<hbm>>
    tpu.enqueue_indirect_dma source(%dma_start3A_206 : memref<8388608xf32, #tpu.memory_space<hbm>>) target(%dma_start3A_202 : memref<512xf32, #tpu.memory_space<vmem>>) offsets(%dma_start3A_204 : memref<512xi32, #tpu.memory_space<vmem>>) semaphore(%arg33 : memref<!tpu.dma_semaphore, #tpu.memory_space<semaphore_mem>>)
    %dma_start3A_207 = arith.constant 1024 : i32
    %dma_start3A_208 = tpu.memref_slice %arg25[%dma_start3A_207] : memref<2048xf32, #tpu.memory_space<vmem>> -> memref<512xf32, #tpu.memory_space<vmem>>
    %dma_start3A_209 = arith.constant 1024 : i32
    %dma_start3A_210 = tpu.memref_slice %arg17[%dma_start3A_209] : memref<2048xi32, #tpu.memory_space<vmem>> -> memref<512xi32, #tpu.memory_space<vmem>>
    %dma_start3A_211 = arith.constant 0 : i32
    %dma_start3A_212 = tpu.memref_slice %arg2[%dma_start3A_211] : memref<8388608xf32, #tpu.memory_space<hbm>> -> memref<8388608xf32, #tpu.memory_space<hbm>>
    tpu.enqueue_indirect_dma source(%dma_start3A_212 : memref<8388608xf32, #tpu.memory_space<hbm>>) target(%dma_start3A_208 : memref<512xf32, #tpu.memory_space<vmem>>) offsets(%dma_start3A_210 : memref<512xi32, #tpu.memory_space<vmem>>) semaphore(%arg33 : memref<!tpu.dma_semaphore, #tpu.memory_space<semaphore_mem>>)
    %dma_start3A_213 = arith.constant 1536 : i32
    %dma_start3A_214 = tpu.memref_slice %arg25[%dma_start3A_213] : memref<2048xf32, #tpu.memory_space<vmem>> -> memref<512xf32, #tpu.memory_space<vmem>>
    %dma_start3A_215 = arith.constant 1536 : i32
    %dma_start3A_216 = tpu.memref_slice %arg17[%dma_start3A_215] : memref<2048xi32, #tpu.memory_space<vmem>> -> memref<512xi32, #tpu.memory_space<vmem>>
    %dma_start3A_217 = arith.constant 0 : i32
    %dma_start3A_218 = tpu.memref_slice %arg2[%dma_start3A_217] : memref<8388608xf32, #tpu.memory_space<hbm>> -> memref<8388608xf32, #tpu.memory_space<hbm>>
    tpu.enqueue_indirect_dma source(%dma_start3A_218 : memref<8388608xf32, #tpu.memory_space<hbm>>) target(%dma_start3A_214 : memref<512xf32, #tpu.memory_space<vmem>>) offsets(%dma_start3A_216 : memref<512xi32, #tpu.memory_space<vmem>>) semaphore(%arg33 : memref<!tpu.dma_semaphore, #tpu.memory_space<semaphore_mem>>)
    %scan3A_219 = arith.constant 0 : i32
    %scan3A_220 = arith.constant 0 : i32
    %scan3A_221 = arith.constant 16 : i32
    %scan3A_222 = arith.addi %scan3A_220, %scan3A_221 : i32
    %scan3A_223 = arith.constant 1 : i32
    scf.for %scan3A_225 = %scan3A_220 to %scan3A_222 step %scan3A_223  : i32 {
      %and3A_226 = arith.constant 1 : i32
      %and3A_227 = arith.andi %scan3A_225, %and3A_226 : i32
      %eq3A = arith.constant 0 : i32
      %eq3A_228 = arith.cmpi eq, %and3A_227, %eq3A : i32
      %convert_element_type3A = arith.extui %eq3A_228 : i1 to i32
      %cond3A = arith.constant 0 : i32
      %cond3A_229 = arith.cmpi ne, %convert_element_type3A, %cond3A : i32
      scf.if %cond3A_229 {
        %add3A_237 = arith.constant 1 : i32
        %add3A_238 = arith.addi %scan3A_225, %add3A_237 : i32
        %lt3A = arith.constant 16 : i32
        %lt3A_239 = arith.cmpi slt, %add3A_238, %lt3A : i32
        %convert_element_type3A_240 = arith.extui %lt3A_239 : i1 to i32
        %cond3A_241 = arith.constant 0 : i32
        %cond3A_242 = arith.cmpi ne, %convert_element_type3A_240, %cond3A_241 : i32
        scf.if %cond3A_242 {
          %add3A_283 = arith.constant 1 : i32
          %add3A_284 = arith.addi %scan3A_225, %add3A_283 : i32
          %mul3A_285 = arith.constant 2048 : i32
          %mul3A_286 = arith.muli %add3A_284, %mul3A_285 : i32
          %add3A_287 = arith.addi %mul3A_2, %mul3A_286 : i32
          "tpu.region"() ({
            %run_scoped3A = tpu.sem_alloc : memref<!tpu.dma_semaphore, #tpu.memory_space<semaphore_mem>>
            %dma_start3A_486 = tpu.memref_slice %arg3[%add3A_287] : memref<1048576xf32, #tpu.memory_space<hbm>> -> memref<2048xf32, #tpu.memory_space<hbm>>
            %dma_start3A_487 = tpu.memref_slice %arg3[%add3A_287] : memref<1048576xf32, #tpu.memory_space<hbm>> -> memref<2048xf32, #tpu.memory_space<hbm>>
            tpu.enqueue_dma source(%dma_start3A_487 : memref<2048xf32, #tpu.memory_space<hbm>>) target(%arg34 : memref<2048xf32, #tpu.memory_space<vmem>>) target_semaphore(%run_scoped3A : memref<!tpu.dma_semaphore, #tpu.memory_space<semaphore_mem>>)
            %dma_wait3A_488 = tpu.memref_slice %arg3[%add3A_287] : memref<1048576xf32, #tpu.memory_space<hbm>> -> memref<2048xf32, #tpu.memory_space<hbm>>
            %dma_wait3A_489 = tpu.memref_slice %arg3[%add3A_287] : memref<1048576xf32, #tpu.memory_space<hbm>> -> memref<2048xf32, #tpu.memory_space<hbm>>
            tpu.wait_dma2 semaphore(%run_scoped3A : memref<!tpu.dma_semaphore, #tpu.memory_space<semaphore_mem>>) src(%dma_wait3A_489 : memref<2048xf32, #tpu.memory_space<hbm>>) dst(%arg34 : memref<2048xf32, #tpu.memory_space<vmem>>)
            tpu.yield
          }) : () -> ()
          "tpu.region"() ({
            %run_scoped3A = tpu.sem_alloc : memref<!tpu.dma_semaphore, #tpu.memory_space<semaphore_mem>>
            %dma_start3A_486 = tpu.memref_slice %arg4[%add3A_287] : memref<1048576xf32, #tpu.memory_space<hbm>> -> memref<2048xf32, #tpu.memory_space<hbm>>
            %dma_start3A_487 = tpu.memref_slice %arg4[%add3A_287] : memref<1048576xf32, #tpu.memory_space<hbm>> -> memref<2048xf32, #tpu.memory_space<hbm>>
            tpu.enqueue_dma source(%dma_start3A_487 : memref<2048xf32, #tpu.memory_space<hbm>>) target(%arg35 : memref<2048xf32, #tpu.memory_space<vmem>>) target_semaphore(%run_scoped3A : memref<!tpu.dma_semaphore, #tpu.memory_space<semaphore_mem>>)
            %dma_wait3A_488 = tpu.memref_slice %arg4[%add3A_287] : memref<1048576xf32, #tpu.memory_space<hbm>> -> memref<2048xf32, #tpu.memory_space<hbm>>
            %dma_wait3A_489 = tpu.memref_slice %arg4[%add3A_287] : memref<1048576xf32, #tpu.memory_space<hbm>> -> memref<2048xf32, #tpu.memory_space<hbm>>
            tpu.wait_dma2 semaphore(%run_scoped3A : memref<!tpu.dma_semaphore, #tpu.memory_space<semaphore_mem>>) src(%dma_wait3A_489 : memref<2048xf32, #tpu.memory_space<hbm>>) dst(%arg35 : memref<2048xf32, #tpu.memory_space<vmem>>)
            tpu.yield
          }) : () -> ()
          "tpu.region"() ({
            %run_scoped3A = tpu.sem_alloc : memref<!tpu.dma_semaphore, #tpu.memory_space<semaphore_mem>>
            %dma_start3A_486 = tpu.memref_slice %arg5[%add3A_287] : memref<1048576xf32, #tpu.memory_space<hbm>> -> memref<2048xf32, #tpu.memory_space<hbm>>
            %dma_start3A_487 = tpu.memref_slice %arg5[%add3A_287] : memref<1048576xf32, #tpu.memory_space<hbm>> -> memref<2048xf32, #tpu.memory_space<hbm>>
            tpu.enqueue_dma source(%dma_start3A_487 : memref<2048xf32, #tpu.memory_space<hbm>>) target(%arg36 : memref<2048xf32, #tpu.memory_space<vmem>>) target_semaphore(%run_scoped3A : memref<!tpu.dma_semaphore, #tpu.memory_space<semaphore_mem>>)
            %dma_wait3A_488 = tpu.memref_slice %arg5[%add3A_287] : memref<1048576xf32, #tpu.memory_space<hbm>> -> memref<2048xf32, #tpu.memory_space<hbm>>
            %dma_wait3A_489 = tpu.memref_slice %arg5[%add3A_287] : memref<1048576xf32, #tpu.memory_space<hbm>> -> memref<2048xf32, #tpu.memory_space<hbm>>
            tpu.wait_dma2 semaphore(%run_scoped3A : memref<!tpu.dma_semaphore, #tpu.memory_space<semaphore_mem>>) src(%dma_wait3A_489 : memref<2048xf32, #tpu.memory_space<hbm>>) dst(%arg36 : memref<2048xf32, #tpu.memory_space<vmem>>)
            tpu.yield
          }) : () -> ()
          %scan3A_288 = arith.constant 0 : i32
          %scan3A_289 = arith.constant 0 : i32
          %scan3A_290 = arith.constant 128 : i32
          %scan3A_291 = arith.addi %scan3A_289, %scan3A_290 : i32
          %scan3A_292 = arith.constant 1 : i32
          scf.for %scan3A_486 = %scan3A_289 to %scan3A_291 step %scan3A_292  : i32 {
            %mul3A_487 = arith.constant 16 : i32
            %mul3A_488 = arith.muli %scan3A_486, %mul3A_487 : i32
            %get3A = arith.index_cast %mul3A_488 : i32 to index
            %get3A_489 = tpu.vector_load %arg34[%get3A] {strides = array<i32>} : memref<2048xf32, #tpu.memory_space<vmem>>, vector<16xf32>,
            %mul3A_490 = arith.constant 1.280000e+02 : f32
            %mul3A_491 = vector.broadcast %mul3A_490 : f32 to vector<16xf32>
            %mul3A_492 = arith.mulf %get3A_489, %mul3A_491 : vector<16xf32>
            %max3A = arith.constant 1.000000e-03 : f32
            %max3A_493 = vector.broadcast %max3A : f32 to vector<16xf32>
            %max3A_494 = arith.maximumf %mul3A_492, %max3A_493 : vector<16xf32>
            %min3A = arith.constant 1.269990e+02 : f32
            %min3A_495 = vector.broadcast %min3A : f32 to vector<16xf32>
            %min3A_496 = arith.minimumf %max3A_494, %min3A_495 : vector<16xf32>
            %convert_element_type3A_497 = arith.fptosi %min3A_496 : vector<16xf32> to vector<16xi32>
            %convert_element_type3A_498 = arith.sitofp %convert_element_type3A_497 : vector<16xi32> to vector<16xf32>
            %sub3A_499 = arith.subf %min3A_496, %convert_element_type3A_498 : vector<16xf32>
            %gt3A = arith.constant 0.000000e+00 : f32
            %gt3A_500 = vector.broadcast %gt3A : f32 to vector<16xf32>
            %gt3A_501 = arith.cmpf ogt, %sub3A_499, %gt3A_500 : vector<16xf32>
            %jit3A_502 = arith.constant 1.000000e+00 : f32
            %jit3A_503 = arith.constant 0.000000e+00 : f32
            %broadcast_in_dim3A = vector.broadcast %jit3A_502 : f32 to vector<16xf32>
            %broadcast_in_dim3A_504 = vector.broadcast %jit3A_503 : f32 to vector<16xf32>
            %select_n3A_505 = arith.select %gt3A_501, %broadcast_in_dim3A, %broadcast_in_dim3A_504 : vector<16xi1>, vector<16xf32>
            %add3A_506 = arith.addf %convert_element_type3A_498, %select_n3A_505 : vector<16xf32>
            %sub3A_507 = arith.subf %add3A_506, %min3A_496 : vector<16xf32>
            %get3A_508 = arith.index_cast %mul3A_488 : i32 to index
            %get3A_509 = tpu.vector_load %arg35[%get3A_508] {strides = array<i32>} : memref<2048xf32, #tpu.memory_space<vmem>>, vector<16xf32>,
            %mul3A_510 = arith.constant 1.280000e+02 : f32
            %mul3A_511 = vector.broadcast %mul3A_510 : f32 to vector<16xf32>
            %mul3A_512 = arith.mulf %get3A_509, %mul3A_511 : vector<16xf32>
            %max3A_513 = arith.constant 1.000000e-03 : f32
            %max3A_514 = vector.broadcast %max3A_513 : f32 to vector<16xf32>
            %max3A_515 = arith.maximumf %mul3A_512, %max3A_514 : vector<16xf32>
            %min3A_516 = arith.constant 1.269990e+02 : f32
            %min3A_517 = vector.broadcast %min3A_516 : f32 to vector<16xf32>
            %min3A_518 = arith.minimumf %max3A_515, %min3A_517 : vector<16xf32>
            %convert_element_type3A_519 = arith.fptosi %min3A_518 : vector<16xf32> to vector<16xi32>
            %convert_element_type3A_520 = arith.sitofp %convert_element_type3A_519 : vector<16xi32> to vector<16xf32>
            %sub3A_521 = arith.subf %min3A_518, %convert_element_type3A_520 : vector<16xf32>
            %gt3A_522 = arith.constant 0.000000e+00 : f32
            %gt3A_523 = vector.broadcast %gt3A_522 : f32 to vector<16xf32>
            %gt3A_524 = arith.cmpf ogt, %sub3A_521, %gt3A_523 : vector<16xf32>
            %jit3A_525 = arith.constant 1.000000e+00 : f32
            %jit3A_526 = arith.constant 0.000000e+00 : f32
            %broadcast_in_dim3A_527 = vector.broadcast %jit3A_525 : f32 to vector<16xf32>
            %broadcast_in_dim3A_528 = vector.broadcast %jit3A_526 : f32 to vector<16xf32>
            %select_n3A_529 = arith.select %gt3A_524, %broadcast_in_dim3A_527, %broadcast_in_dim3A_528 : vector<16xi1>, vector<16xf32>
            %add3A_530 = arith.addf %convert_element_type3A_520, %select_n3A_529 : vector<16xf32>
            %sub3A_531 = arith.subf %add3A_530, %min3A_518 : vector<16xf32>
            %get3A_532 = arith.index_cast %mul3A_488 : i32 to index
            %get3A_533 = tpu.vector_load %arg36[%get3A_532] {strides = array<i32>} : memref<2048xf32, #tpu.memory_space<vmem>>, vector<16xf32>,
            %mul3A_534 = arith.constant 1.280000e+02 : f32
            %mul3A_535 = vector.broadcast %mul3A_534 : f32 to vector<16xf32>
            %mul3A_536 = arith.mulf %get3A_533, %mul3A_535 : vector<16xf32>
            %max3A_537 = arith.constant 1.000000e-03 : f32
            %max3A_538 = vector.broadcast %max3A_537 : f32 to vector<16xf32>
            %max3A_539 = arith.maximumf %mul3A_536, %max3A_538 : vector<16xf32>
            %min3A_540 = arith.constant 1.269990e+02 : f32
            %min3A_541 = vector.broadcast %min3A_540 : f32 to vector<16xf32>
            %min3A_542 = arith.minimumf %max3A_539, %min3A_541 : vector<16xf32>
            %convert_element_type3A_543 = arith.fptosi %min3A_542 : vector<16xf32> to vector<16xi32>
            %convert_element_type3A_544 = arith.sitofp %convert_element_type3A_543 : vector<16xi32> to vector<16xf32>
            %sub3A_545 = arith.subf %min3A_542, %convert_element_type3A_544 : vector<16xf32>
            %gt3A_546 = arith.constant 0.000000e+00 : f32
            %gt3A_547 = vector.broadcast %gt3A_546 : f32 to vector<16xf32>
            %gt3A_548 = arith.cmpf ogt, %sub3A_545, %gt3A_547 : vector<16xf32>
            %jit3A_549 = arith.constant 1.000000e+00 : f32
            %jit3A_550 = arith.constant 0.000000e+00 : f32
            %broadcast_in_dim3A_551 = vector.broadcast %jit3A_549 : f32 to vector<16xf32>
            %broadcast_in_dim3A_552 = vector.broadcast %jit3A_550 : f32 to vector<16xf32>
            %select_n3A_553 = arith.select %gt3A_548, %broadcast_in_dim3A_551, %broadcast_in_dim3A_552 : vector<16xi1>, vector<16xf32>
            %add3A_554 = arith.addf %convert_element_type3A_544, %select_n3A_553 : vector<16xf32>
            %sub3A_555 = arith.subf %add3A_554, %min3A_542 : vector<16xf32>
            %mul3A_556 = arith.constant 16384 : i32
            %mul3A_557 = vector.broadcast %mul3A_556 : i32 to vector<16xi32>
            %mul3A_558 = arith.muli %convert_element_type3A_497, %mul3A_557 : vector<16xi32>
            %mul3A_559 = arith.constant 128 : i32
            %mul3A_560 = vector.broadcast %mul3A_559 : i32 to vector<16xi32>
            %mul3A_561 = arith.muli %convert_element_type3A_519, %mul3A_560 : vector<16xi32>
            %add3A_562 = arith.addi %mul3A_558, %mul3A_561 : vector<16xi32>
            %add3A_563 = arith.addi %add3A_562, %convert_element_type3A_543 : vector<16xi32>
            %add3A_564 = vector.broadcast %mul3A_20 : i32 to vector<16xi32>
            %add3A_565 = arith.addi %add3A_563, %add3A_564 : vector<16xi32>
            %add3A_566 = arith.constant 0 : i32
            %add3A_567 = vector.broadcast %add3A_566 : i32 to vector<16xi32>
            %add3A_568 = arith.addi %add3A_565, %add3A_567 : vector<16xi32>
            %swap3A = arith.index_cast %mul3A_488 : i32 to index
            %swap3A_569 = tpu.vector_load %arg37[%swap3A] {strides = array<i32>} : memref<2048xi32, #tpu.memory_space<vmem>>, vector<16xi32>,
            tpu.vector_store %arg37[%swap3A], %add3A_568 {strides = array<i32>} : memref<2048xi32, #tpu.memory_space<vmem>>, vector<16xi32>,
            %add3A_570 = arith.constant 16384 : i32
            %add3A_571 = vector.broadcast %add3A_570 : i32 to vector<16xi32>
            %add3A_572 = arith.addi %add3A_565, %add3A_571 : vector<16xi32>
            %swap3A_573 = arith.index_cast %mul3A_488 : i32 to index
            %swap3A_574 = tpu.vector_load %arg38[%swap3A_573] {strides = array<i32>} : memref<2048xi32, #tpu.memory_space<vmem>>, vector<16xi32>,
            tpu.vector_store %arg38[%swap3A_573], %add3A_572 {strides = array<i32>} : memref<2048xi32, #tpu.memory_space<vmem>>, vector<16xi32>,
            %add3A_575 = arith.constant 128 : i32
            %add3A_576 = vector.broadcast %add3A_575 : i32 to vector<16xi32>
            %add3A_577 = arith.addi %add3A_565, %add3A_576 : vector<16xi32>
            %swap3A_578 = arith.index_cast %mul3A_488 : i32 to index
            %swap3A_579 = tpu.vector_load %arg39[%swap3A_578] {strides = array<i32>} : memref<2048xi32, #tpu.memory_space<vmem>>, vector<16xi32>,
            tpu.vector_store %arg39[%swap3A_578], %add3A_577 {strides = array<i32>} : memref<2048xi32, #tpu.memory_space<vmem>>, vector<16xi32>,
            %add3A_580 = arith.constant 16512 : i32
            %add3A_581 = vector.broadcast %add3A_580 : i32 to vector<16xi32>
            %add3A_582 = arith.addi %add3A_565, %add3A_581 : vector<16xi32>
            %swap3A_583 = arith.index_cast %mul3A_488 : i32 to index
            %swap3A_584 = tpu.vector_load %arg40[%swap3A_583] {strides = array<i32>} : memref<2048xi32, #tpu.memory_space<vmem>>, vector<16xi32>,
            tpu.vector_store %arg40[%swap3A_583], %add3A_582 {strides = array<i32>} : memref<2048xi32, #tpu.memory_space<vmem>>, vector<16xi32>,
            %add3A_585 = arith.constant 1 : i32
            %add3A_586 = vector.broadcast %add3A_585 : i32 to vector<16xi32>
            %add3A_587 = arith.addi %add3A_565, %add3A_586 : vector<16xi32>
            %swap3A_588 = arith.index_cast %mul3A_488 : i32 to index
            %swap3A_589 = tpu.vector_load %arg41[%swap3A_588] {strides = array<i32>} : memref<2048xi32, #tpu.memory_space<vmem>>, vector<16xi32>,
            tpu.vector_store %arg41[%swap3A_588], %add3A_587 {strides = array<i32>} : memref<2048xi32, #tpu.memory_space<vmem>>, vector<16xi32>,
            %add3A_590 = arith.constant 16385 : i32
            %add3A_591 = vector.broadcast %add3A_590 : i32 to vector<16xi32>
            %add3A_592 = arith.addi %add3A_565, %add3A_591 : vector<16xi32>
            %swap3A_593 = arith.index_cast %mul3A_488 : i32 to index
            %swap3A_594 = tpu.vector_load %arg42[%swap3A_593] {strides = array<i32>} : memref<2048xi32, #tpu.memory_space<vmem>>, vector<16xi32>,
            tpu.vector_store %arg42[%swap3A_593], %add3A_592 {strides = array<i32>} : memref<2048xi32, #tpu.memory_space<vmem>>, vector<16xi32>,
            %add3A_595 = arith.constant 129 : i32
            %add3A_596 = vector.broadcast %add3A_595 : i32 to vector<16xi32>
            %add3A_597 = arith.addi %add3A_565, %add3A_596 : vector<16xi32>
            %swap3A_598 = arith.index_cast %mul3A_488 : i32 to index
            %swap3A_599 = tpu.vector_load %arg43[%swap3A_598] {strides = array<i32>} : memref<2048xi32, #tpu.memory_space<vmem>>, vector<16xi32>,
            tpu.vector_store %arg43[%swap3A_598], %add3A_597 {strides = array<i32>} : memref<2048xi32, #tpu.memory_space<vmem>>, vector<16xi32>,
            %add3A_600 = arith.constant 16513 : i32
            %add3A_601 = vector.broadcast %add3A_600 : i32 to vector<16xi32>
            %add3A_602 = arith.addi %add3A_565, %add3A_601 : vector<16xi32>
            %swap3A_603 = arith.index_cast %mul3A_488 : i32 to index
            %swap3A_604 = tpu.vector_load %arg44[%swap3A_603] {strides = array<i32>} : memref<2048xi32, #tpu.memory_space<vmem>>, vector<16xi32>,
            tpu.vector_store %arg44[%swap3A_603], %add3A_602 {strides = array<i32>} : memref<2048xi32, #tpu.memory_space<vmem>>, vector<16xi32>,
            %swap3A_605 = arith.index_cast %mul3A_488 : i32 to index
            %swap3A_606 = tpu.vector_load %arg53[%swap3A_605] {strides = array<i32>} : memref<2048xf32, #tpu.memory_space<vmem>>, vector<16xf32>,
            tpu.vector_store %arg53[%swap3A_605], %sub3A_499 {strides = array<i32>} : memref<2048xf32, #tpu.memory_space<vmem>>, vector<16xf32>,
            %swap3A_607 = arith.index_cast %mul3A_488 : i32 to index
            %swap3A_608 = tpu.vector_load %arg54[%swap3A_607] {strides = array<i32>} : memref<2048xf32, #tpu.memory_space<vmem>>, vector<16xf32>,
            tpu.vector_store %arg54[%swap3A_607], %sub3A_507 {strides = array<i32>} : memref<2048xf32, #tpu.memory_space<vmem>>, vector<16xf32>,
            %swap3A_609 = arith.index_cast %mul3A_488 : i32 to index
            %swap3A_610 = tpu.vector_load %arg55[%swap3A_609] {strides = array<i32>} : memref<2048xf32, #tpu.memory_space<vmem>>, vector<16xf32>,
            tpu.vector_store %arg55[%swap3A_609], %sub3A_521 {strides = array<i32>} : memref<2048xf32, #tpu.memory_space<vmem>>, vector<16xf32>,
            %swap3A_611 = arith.index_cast %mul3A_488 : i32 to index
            %swap3A_612 = tpu.vector_load %arg56[%swap3A_611] {strides = array<i32>} : memref<2048xf32, #tpu.memory_space<vmem>>, vector<16xf32>,
            tpu.vector_store %arg56[%swap3A_611], %sub3A_531 {strides = array<i32>} : memref<2048xf32, #tpu.memory_space<vmem>>, vector<16xf32>,
            %swap3A_613 = arith.index_cast %mul3A_488 : i32 to index
            %swap3A_614 = tpu.vector_load %arg57[%swap3A_613] {strides = array<i32>} : memref<2048xf32, #tpu.memory_space<vmem>>, vector<16xf32>,
            tpu.vector_store %arg57[%swap3A_613], %sub3A_545 {strides = array<i32>} : memref<2048xf32, #tpu.memory_space<vmem>>, vector<16xf32>,
            %swap3A_615 = arith.index_cast %mul3A_488 : i32 to index
            %swap3A_616 = tpu.vector_load %arg58[%swap3A_615] {strides = array<i32>} : memref<2048xf32, #tpu.memory_space<vmem>>, vector<16xf32>,
            tpu.vector_store %arg58[%swap3A_615], %sub3A_555 {strides = array<i32>} : memref<2048xf32, #tpu.memory_space<vmem>>, vector<16xf32>,
          }
          %scan3A_293 = arith.constant 128 : i32
          %dma_start3A_294 = arith.constant 0 : i32
          %dma_start3A_295 = tpu.memref_slice %arg45[%dma_start3A_294] : memref<2048xf32, #tpu.memory_space<vmem>> -> memref<512xf32, #tpu.memory_space<vmem>>
          %dma_start3A_296 = arith.constant 0 : i32
          %dma_start3A_297 = tpu.memref_slice %arg37[%dma_start3A_296] : memref<2048xi32, #tpu.memory_space<vmem>> -> memref<512xi32, #tpu.memory_space<vmem>>
          %dma_start3A_298 = arith.constant 0 : i32
          %dma_start3A_299 = tpu.memref_slice %arg2[%dma_start3A_298] : memref<8388608xf32, #tpu.memory_space<hbm>> -> memref<8388608xf32, #tpu.memory_space<hbm>>
          tpu.enqueue_indirect_dma source(%dma_start3A_299 : memref<8388608xf32, #tpu.memory_space<hbm>>) target(%dma_start3A_295 : memref<512xf32, #tpu.memory_space<vmem>>) offsets(%dma_start3A_297 : memref<512xi32, #tpu.memory_space<vmem>>) semaphore(%arg60 : memref<!tpu.dma_semaphore, #tpu.memory_space<semaphore_mem>>)
          %dma_start3A_300 = arith.constant 512 : i32
          %dma_start3A_301 = tpu.memref_slice %arg45[%dma_start3A_300] : memref<2048xf32, #tpu.memory_space<vmem>> -> memref<512xf32, #tpu.memory_space<vmem>>
          %dma_start3A_302 = arith.constant 512 : i32
          %dma_start3A_303 = tpu.memref_slice %arg37[%dma_start3A_302] : memref<2048xi32, #tpu.memory_space<vmem>> -> memref<512xi32, #tpu.memory_space<vmem>>
          %dma_start3A_304 = arith.constant 0 : i32
          %dma_start3A_305 = tpu.memref_slice %arg2[%dma_start3A_304] : memref<8388608xf32, #tpu.memory_space<hbm>> -> memref<8388608xf32, #tpu.memory_space<hbm>>
          tpu.enqueue_indirect_dma source(%dma_start3A_305 : memref<8388608xf32, #tpu.memory_space<hbm>>) target(%dma_start3A_301 : memref<512xf32, #tpu.memory_space<vmem>>) offsets(%dma_start3A_303 : memref<512xi32, #tpu.memory_space<vmem>>) semaphore(%arg60 : memref<!tpu.dma_semaphore, #tpu.memory_space<semaphore_mem>>)
          %dma_start3A_306 = arith.constant 1024 : i32
          %dma_start3A_307 = tpu.memref_slice %arg45[%dma_start3A_306] : memref<2048xf32, #tpu.memory_space<vmem>> -> memref<512xf32, #tpu.memory_space<vmem>>
          %dma_start3A_308 = arith.constant 1024 : i32
          %dma_start3A_309 = tpu.memref_slice %arg37[%dma_start3A_308] : memref<2048xi32, #tpu.memory_space<vmem>> -> memref<512xi32, #tpu.memory_space<vmem>>
          %dma_start3A_310 = arith.constant 0 : i32
          %dma_start3A_311 = tpu.memref_slice %arg2[%dma_start3A_310] : memref<8388608xf32, #tpu.memory_space<hbm>> -> memref<8388608xf32, #tpu.memory_space<hbm>>
          tpu.enqueue_indirect_dma source(%dma_start3A_311 : memref<8388608xf32, #tpu.memory_space<hbm>>) target(%dma_start3A_307 : memref<512xf32, #tpu.memory_space<vmem>>) offsets(%dma_start3A_309 : memref<512xi32, #tpu.memory_space<vmem>>) semaphore(%arg60 : memref<!tpu.dma_semaphore, #tpu.memory_space<semaphore_mem>>)
          %dma_start3A_312 = arith.constant 1536 : i32
          %dma_start3A_313 = tpu.memref_slice %arg45[%dma_start3A_312] : memref<2048xf32, #tpu.memory_space<vmem>> -> memref<512xf32, #tpu.memory_space<vmem>>
          %dma_start3A_314 = arith.constant 1536 : i32
          %dma_start3A_315 = tpu.memref_slice %arg37[%dma_start3A_314] : memref<2048xi32, #tpu.memory_space<vmem>> -> memref<512xi32, #tpu.memory_space<vmem>>
          %dma_start3A_316 = arith.constant 0 : i32
          %dma_start3A_317 = tpu.memref_slice %arg2[%dma_start3A_316] : memref<8388608xf32, #tpu.memory_space<hbm>> -> memref<8388608xf32, #tpu.memory_space<hbm>>
          tpu.enqueue_indirect_dma source(%dma_start3A_317 : memref<8388608xf32, #tpu.memory_space<hbm>>) target(%dma_start3A_313 : memref<512xf32, #tpu.memory_space<vmem>>) offsets(%dma_start3A_315 : memref<512xi32, #tpu.memory_space<vmem>>) semaphore(%arg60 : memref<!tpu.dma_semaphore, #tpu.memory_space<semaphore_mem>>)
          %dma_start3A_318 = arith.constant 0 : i32
          %dma_start3A_319 = tpu.memref_slice %arg46[%dma_start3A_318] : memref<2048xf32, #tpu.memory_space<vmem>> -> memref<512xf32, #tpu.memory_space<vmem>>
          %dma_start3A_320 = arith.constant 0 : i32
          %dma_start3A_321 = tpu.memref_slice %arg38[%dma_start3A_320] : memref<2048xi32, #tpu.memory_space<vmem>> -> memref<512xi32, #tpu.memory_space<vmem>>
          %dma_start3A_322 = arith.constant 0 : i32
          %dma_start3A_323 = tpu.memref_slice %arg2[%dma_start3A_322] : memref<8388608xf32, #tpu.memory_space<hbm>> -> memref<8388608xf32, #tpu.memory_space<hbm>>
          tpu.enqueue_indirect_dma source(%dma_start3A_323 : memref<8388608xf32, #tpu.memory_space<hbm>>) target(%dma_start3A_319 : memref<512xf32, #tpu.memory_space<vmem>>) offsets(%dma_start3A_321 : memref<512xi32, #tpu.memory_space<vmem>>) semaphore(%arg60 : memref<!tpu.dma_semaphore, #tpu.memory_space<semaphore_mem>>)
          %dma_start3A_324 = arith.constant 512 : i32
          %dma_start3A_325 = tpu.memref_slice %arg46[%dma_start3A_324] : memref<2048xf32, #tpu.memory_space<vmem>> -> memref<512xf32, #tpu.memory_space<vmem>>
          %dma_start3A_326 = arith.constant 512 : i32
          %dma_start3A_327 = tpu.memref_slice %arg38[%dma_start3A_326] : memref<2048xi32, #tpu.memory_space<vmem>> -> memref<512xi32, #tpu.memory_space<vmem>>
          %dma_start3A_328 = arith.constant 0 : i32
          %dma_start3A_329 = tpu.memref_slice %arg2[%dma_start3A_328] : memref<8388608xf32, #tpu.memory_space<hbm>> -> memref<8388608xf32, #tpu.memory_space<hbm>>
          tpu.enqueue_indirect_dma source(%dma_start3A_329 : memref<8388608xf32, #tpu.memory_space<hbm>>) target(%dma_start3A_325 : memref<512xf32, #tpu.memory_space<vmem>>) offsets(%dma_start3A_327 : memref<512xi32, #tpu.memory_space<vmem>>) semaphore(%arg60 : memref<!tpu.dma_semaphore, #tpu.memory_space<semaphore_mem>>)
          %dma_start3A_330 = arith.constant 1024 : i32
          %dma_start3A_331 = tpu.memref_slice %arg46[%dma_start3A_330] : memref<2048xf32, #tpu.memory_space<vmem>> -> memref<512xf32, #tpu.memory_space<vmem>>
          %dma_start3A_332 = arith.constant 1024 : i32
          %dma_start3A_333 = tpu.memref_slice %arg38[%dma_start3A_332] : memref<2048xi32, #tpu.memory_space<vmem>> -> memref<512xi32, #tpu.memory_space<vmem>>
          %dma_start3A_334 = arith.constant 0 : i32
          %dma_start3A_335 = tpu.memref_slice %arg2[%dma_start3A_334] : memref<8388608xf32, #tpu.memory_space<hbm>> -> memref<8388608xf32, #tpu.memory_space<hbm>>
          tpu.enqueue_indirect_dma source(%dma_start3A_335 : memref<8388608xf32, #tpu.memory_space<hbm>>) target(%dma_start3A_331 : memref<512xf32, #tpu.memory_space<vmem>>) offsets(%dma_start3A_333 : memref<512xi32, #tpu.memory_space<vmem>>) semaphore(%arg60 : memref<!tpu.dma_semaphore, #tpu.memory_space<semaphore_mem>>)
          %dma_start3A_336 = arith.constant 1536 : i32
          %dma_start3A_337 = tpu.memref_slice %arg46[%dma_start3A_336] : memref<2048xf32, #tpu.memory_space<vmem>> -> memref<512xf32, #tpu.memory_space<vmem>>
          %dma_start3A_338 = arith.constant 1536 : i32
          %dma_start3A_339 = tpu.memref_slice %arg38[%dma_start3A_338] : memref<2048xi32, #tpu.memory_space<vmem>> -> memref<512xi32, #tpu.memory_space<vmem>>
          %dma_start3A_340 = arith.constant 0 : i32
          %dma_start3A_341 = tpu.memref_slice %arg2[%dma_start3A_340] : memref<8388608xf32, #tpu.memory_space<hbm>> -> memref<8388608xf32, #tpu.memory_space<hbm>>
          tpu.enqueue_indirect_dma source(%dma_start3A_341 : memref<8388608xf32, #tpu.memory_space<hbm>>) target(%dma_start3A_337 : memref<512xf32, #tpu.memory_space<vmem>>) offsets(%dma_start3A_339 : memref<512xi32, #tpu.memory_space<vmem>>) semaphore(%arg60 : memref<!tpu.dma_semaphore, #tpu.memory_space<semaphore_mem>>)
          %dma_start3A_342 = arith.constant 0 : i32
          %dma_start3A_343 = tpu.memref_slice %arg47[%dma_start3A_342] : memref<2048xf32, #tpu.memory_space<vmem>> -> memref<512xf32, #tpu.memory_space<vmem>>
          %dma_start3A_344 = arith.constant 0 : i32
          %dma_start3A_345 = tpu.memref_slice %arg39[%dma_start3A_344] : memref<2048xi32, #tpu.memory_space<vmem>> -> memref<512xi32, #tpu.memory_space<vmem>>
          %dma_start3A_346 = arith.constant 0 : i32
          %dma_start3A_347 = tpu.memref_slice %arg2[%dma_start3A_346] : memref<8388608xf32, #tpu.memory_space<hbm>> -> memref<8388608xf32, #tpu.memory_space<hbm>>
          tpu.enqueue_indirect_dma source(%dma_start3A_347 : memref<8388608xf32, #tpu.memory_space<hbm>>) target(%dma_start3A_343 : memref<512xf32, #tpu.memory_space<vmem>>) offsets(%dma_start3A_345 : memref<512xi32, #tpu.memory_space<vmem>>) semaphore(%arg60 : memref<!tpu.dma_semaphore, #tpu.memory_space<semaphore_mem>>)
          %dma_start3A_348 = arith.constant 512 : i32
          %dma_start3A_349 = tpu.memref_slice %arg47[%dma_start3A_348] : memref<2048xf32, #tpu.memory_space<vmem>> -> memref<512xf32, #tpu.memory_space<vmem>>
          %dma_start3A_350 = arith.constant 512 : i32
          %dma_start3A_351 = tpu.memref_slice %arg39[%dma_start3A_350] : memref<2048xi32, #tpu.memory_space<vmem>> -> memref<512xi32, #tpu.memory_space<vmem>>
          %dma_start3A_352 = arith.constant 0 : i32
          %dma_start3A_353 = tpu.memref_slice %arg2[%dma_start3A_352] : memref<8388608xf32, #tpu.memory_space<hbm>> -> memref<8388608xf32, #tpu.memory_space<hbm>>
          tpu.enqueue_indirect_dma source(%dma_start3A_353 : memref<8388608xf32, #tpu.memory_space<hbm>>) target(%dma_start3A_349 : memref<512xf32, #tpu.memory_space<vmem>>) offsets(%dma_start3A_351 : memref<512xi32, #tpu.memory_space<vmem>>) semaphore(%arg60 : memref<!tpu.dma_semaphore, #tpu.memory_space<semaphore_mem>>)
          %dma_start3A_354 = arith.constant 1024 : i32
          %dma_start3A_355 = tpu.memref_slice %arg47[%dma_start3A_354] : memref<2048xf32, #tpu.memory_space<vmem>> -> memref<512xf32, #tpu.memory_space<vmem>>
          %dma_start3A_356 = arith.constant 1024 : i32
          %dma_start3A_357 = tpu.memref_slice %arg39[%dma_start3A_356] : memref<2048xi32, #tpu.memory_space<vmem>> -> memref<512xi32, #tpu.memory_space<vmem>>
          %dma_start3A_358 = arith.constant 0 : i32
          %dma_start3A_359 = tpu.memref_slice %arg2[%dma_start3A_358] : memref<8388608xf32, #tpu.memory_space<hbm>> -> memref<8388608xf32, #tpu.memory_space<hbm>>
          tpu.enqueue_indirect_dma source(%dma_start3A_359 : memref<8388608xf32, #tpu.memory_space<hbm>>) target(%dma_start3A_355 : memref<512xf32, #tpu.memory_space<vmem>>) offsets(%dma_start3A_357 : memref<512xi32, #tpu.memory_space<vmem>>) semaphore(%arg60 : memref<!tpu.dma_semaphore, #tpu.memory_space<semaphore_mem>>)
          %dma_start3A_360 = arith.constant 1536 : i32
          %dma_start3A_361 = tpu.memref_slice %arg47[%dma_start3A_360] : memref<2048xf32, #tpu.memory_space<vmem>> -> memref<512xf32, #tpu.memory_space<vmem>>
          %dma_start3A_362 = arith.constant 1536 : i32
          %dma_start3A_363 = tpu.memref_slice %arg39[%dma_start3A_362] : memref<2048xi32, #tpu.memory_space<vmem>> -> memref<512xi32, #tpu.memory_space<vmem>>
          %dma_start3A_364 = arith.constant 0 : i32
          %dma_start3A_365 = tpu.memref_slice %arg2[%dma_start3A_364] : memref<8388608xf32, #tpu.memory_space<hbm>> -> memref<8388608xf32, #tpu.memory_space<hbm>>
          tpu.enqueue_indirect_dma source(%dma_start3A_365 : memref<8388608xf32, #tpu.memory_space<hbm>>) target(%dma_start3A_361 : memref<512xf32, #tpu.memory_space<vmem>>) offsets(%dma_start3A_363 : memref<512xi32, #tpu.memory_space<vmem>>) semaphore(%arg60 : memref<!tpu.dma_semaphore, #tpu.memory_space<semaphore_mem>>)
          %dma_start3A_366 = arith.constant 0 : i32
          %dma_start3A_367 = tpu.memref_slice %arg48[%dma_start3A_366] : memref<2048xf32, #tpu.memory_space<vmem>> -> memref<512xf32, #tpu.memory_space<vmem>>
          %dma_start3A_368 = arith.constant 0 : i32
          %dma_start3A_369 = tpu.memref_slice %arg40[%dma_start3A_368] : memref<2048xi32, #tpu.memory_space<vmem>> -> memref<512xi32, #tpu.memory_space<vmem>>
          %dma_start3A_370 = arith.constant 0 : i32
          %dma_start3A_371 = tpu.memref_slice %arg2[%dma_start3A_370] : memref<8388608xf32, #tpu.memory_space<hbm>> -> memref<8388608xf32, #tpu.memory_space<hbm>>
          tpu.enqueue_indirect_dma source(%dma_start3A_371 : memref<8388608xf32, #tpu.memory_space<hbm>>) target(%dma_start3A_367 : memref<512xf32, #tpu.memory_space<vmem>>) offsets(%dma_start3A_369 : memref<512xi32, #tpu.memory_space<vmem>>) semaphore(%arg60 : memref<!tpu.dma_semaphore, #tpu.memory_space<semaphore_mem>>)
          %dma_start3A_372 = arith.constant 512 : i32
          %dma_start3A_373 = tpu.memref_slice %arg48[%dma_start3A_372] : memref<2048xf32, #tpu.memory_space<vmem>> -> memref<512xf32, #tpu.memory_space<vmem>>
          %dma_start3A_374 = arith.constant 512 : i32
          %dma_start3A_375 = tpu.memref_slice %arg40[%dma_start3A_374] : memref<2048xi32, #tpu.memory_space<vmem>> -> memref<512xi32, #tpu.memory_space<vmem>>
          %dma_start3A_376 = arith.constant 0 : i32
          %dma_start3A_377 = tpu.memref_slice %arg2[%dma_start3A_376] : memref<8388608xf32, #tpu.memory_space<hbm>> -> memref<8388608xf32, #tpu.memory_space<hbm>>
          tpu.enqueue_indirect_dma source(%dma_start3A_377 : memref<8388608xf32, #tpu.memory_space<hbm>>) target(%dma_start3A_373 : memref<512xf32, #tpu.memory_space<vmem>>) offsets(%dma_start3A_375 : memref<512xi32, #tpu.memory_space<vmem>>) semaphore(%arg60 : memref<!tpu.dma_semaphore, #tpu.memory_space<semaphore_mem>>)
          %dma_start3A_378 = arith.constant 1024 : i32
          %dma_start3A_379 = tpu.memref_slice %arg48[%dma_start3A_378] : memref<2048xf32, #tpu.memory_space<vmem>> -> memref<512xf32, #tpu.memory_space<vmem>>
          %dma_start3A_380 = arith.constant 1024 : i32
          %dma_start3A_381 = tpu.memref_slice %arg40[%dma_start3A_380] : memref<2048xi32, #tpu.memory_space<vmem>> -> memref<512xi32, #tpu.memory_space<vmem>>
          %dma_start3A_382 = arith.constant 0 : i32
          %dma_start3A_383 = tpu.memref_slice %arg2[%dma_start3A_382] : memref<8388608xf32, #tpu.memory_space<hbm>> -> memref<8388608xf32, #tpu.memory_space<hbm>>
          tpu.enqueue_indirect_dma source(%dma_start3A_383 : memref<8388608xf32, #tpu.memory_space<hbm>>) target(%dma_start3A_379 : memref<512xf32, #tpu.memory_space<vmem>>) offsets(%dma_start3A_381 : memref<512xi32, #tpu.memory_space<vmem>>) semaphore(%arg60 : memref<!tpu.dma_semaphore, #tpu.memory_space<semaphore_mem>>)
          %dma_start3A_384 = arith.constant 1536 : i32
          %dma_start3A_385 = tpu.memref_slice %arg48[%dma_start3A_384] : memref<2048xf32, #tpu.memory_space<vmem>> -> memref<512xf32, #tpu.memory_space<vmem>>
          %dma_start3A_386 = arith.constant 1536 : i32
          %dma_start3A_387 = tpu.memref_slice %arg40[%dma_start3A_386] : memref<2048xi32, #tpu.memory_space<vmem>> -> memref<512xi32, #tpu.memory_space<vmem>>
          %dma_start3A_388 = arith.constant 0 : i32
          %dma_start3A_389 = tpu.memref_slice %arg2[%dma_start3A_388] : memref<8388608xf32, #tpu.memory_space<hbm>> -> memref<8388608xf32, #tpu.memory_space<hbm>>
          tpu.enqueue_indirect_dma source(%dma_start3A_389 : memref<8388608xf32, #tpu.memory_space<hbm>>) target(%dma_start3A_385 : memref<512xf32, #tpu.memory_space<vmem>>) offsets(%dma_start3A_387 : memref<512xi32, #tpu.memory_space<vmem>>) semaphore(%arg60 : memref<!tpu.dma_semaphore, #tpu.memory_space<semaphore_mem>>)
          %dma_start3A_390 = arith.constant 0 : i32
          %dma_start3A_391 = tpu.memref_slice %arg49[%dma_start3A_390] : memref<2048xf32, #tpu.memory_space<vmem>> -> memref<512xf32, #tpu.memory_space<vmem>>
          %dma_start3A_392 = arith.constant 0 : i32
          %dma_start3A_393 = tpu.memref_slice %arg41[%dma_start3A_392] : memref<2048xi32, #tpu.memory_space<vmem>> -> memref<512xi32, #tpu.memory_space<vmem>>
          %dma_start3A_394 = arith.constant 0 : i32
          %dma_start3A_395 = tpu.memref_slice %arg2[%dma_start3A_394] : memref<8388608xf32, #tpu.memory_space<hbm>> -> memref<8388608xf32, #tpu.memory_space<hbm>>
          tpu.enqueue_indirect_dma source(%dma_start3A_395 : memref<8388608xf32, #tpu.memory_space<hbm>>) target(%dma_start3A_391 : memref<512xf32, #tpu.memory_space<vmem>>) offsets(%dma_start3A_393 : memref<512xi32, #tpu.memory_space<vmem>>) semaphore(%arg60 : memref<!tpu.dma_semaphore, #tpu.memory_space<semaphore_mem>>)
          %dma_start3A_396 = arith.constant 512 : i32
          %dma_start3A_397 = tpu.memref_slice %arg49[%dma_start3A_396] : memref<2048xf32, #tpu.memory_space<vmem>> -> memref<512xf32, #tpu.memory_space<vmem>>
          %dma_start3A_398 = arith.constant 512 : i32
          %dma_start3A_399 = tpu.memref_slice %arg41[%dma_start3A_398] : memref<2048xi32, #tpu.memory_space<vmem>> -> memref<512xi32, #tpu.memory_space<vmem>>
          %dma_start3A_400 = arith.constant 0 : i32
          %dma_start3A_401 = tpu.memref_slice %arg2[%dma_start3A_400] : memref<8388608xf32, #tpu.memory_space<hbm>> -> memref<8388608xf32, #tpu.memory_space<hbm>>
          tpu.enqueue_indirect_dma source(%dma_start3A_401 : memref<8388608xf32, #tpu.memory_space<hbm>>) target(%dma_start3A_397 : memref<512xf32, #tpu.memory_space<vmem>>) offsets(%dma_start3A_399 : memref<512xi32, #tpu.memory_space<vmem>>) semaphore(%arg60 : memref<!tpu.dma_semaphore, #tpu.memory_space<semaphore_mem>>)
          %dma_start3A_402 = arith.constant 1024 : i32
          %dma_start3A_403 = tpu.memref_slice %arg49[%dma_start3A_402] : memref<2048xf32, #tpu.memory_space<vmem>> -> memref<512xf32, #tpu.memory_space<vmem>>
          %dma_start3A_404 = arith.constant 1024 : i32
          %dma_start3A_405 = tpu.memref_slice %arg41[%dma_start3A_404] : memref<2048xi32, #tpu.memory_space<vmem>> -> memref<512xi32, #tpu.memory_space<vmem>>
          %dma_start3A_406 = arith.constant 0 : i32
          %dma_start3A_407 = tpu.memref_slice %arg2[%dma_start3A_406] : memref<8388608xf32, #tpu.memory_space<hbm>> -> memref<8388608xf32, #tpu.memory_space<hbm>>
          tpu.enqueue_indirect_dma source(%dma_start3A_407 : memref<8388608xf32, #tpu.memory_space<hbm>>) target(%dma_start3A_403 : memref<512xf32, #tpu.memory_space<vmem>>) offsets(%dma_start3A_405 : memref<512xi32, #tpu.memory_space<vmem>>) semaphore(%arg60 : memref<!tpu.dma_semaphore, #tpu.memory_space<semaphore_mem>>)
          %dma_start3A_408 = arith.constant 1536 : i32
          %dma_start3A_409 = tpu.memref_slice %arg49[%dma_start3A_408] : memref<2048xf32, #tpu.memory_space<vmem>> -> memref<512xf32, #tpu.memory_space<vmem>>
          %dma_start3A_410 = arith.constant 1536 : i32
          %dma_start3A_411 = tpu.memref_slice %arg41[%dma_start3A_410] : memref<2048xi32, #tpu.memory_space<vmem>> -> memref<512xi32, #tpu.memory_space<vmem>>
          %dma_start3A_412 = arith.constant 0 : i32
          %dma_start3A_413 = tpu.memref_slice %arg2[%dma_start3A_412] : memref<8388608xf32, #tpu.memory_space<hbm>> -> memref<8388608xf32, #tpu.memory_space<hbm>>
          tpu.enqueue_indirect_dma source(%dma_start3A_413 : memref<8388608xf32, #tpu.memory_space<hbm>>) target(%dma_start3A_409 : memref<512xf32, #tpu.memory_space<vmem>>) offsets(%dma_start3A_411 : memref<512xi32, #tpu.memory_space<vmem>>) semaphore(%arg60 : memref<!tpu.dma_semaphore, #tpu.memory_space<semaphore_mem>>)
          %dma_start3A_414 = arith.constant 0 : i32
          %dma_start3A_415 = tpu.memref_slice %arg50[%dma_start3A_414] : memref<2048xf32, #tpu.memory_space<vmem>> -> memref<512xf32, #tpu.memory_space<vmem>>
          %dma_start3A_416 = arith.constant 0 : i32
          %dma_start3A_417 = tpu.memref_slice %arg42[%dma_start3A_416] : memref<2048xi32, #tpu.memory_space<vmem>> -> memref<512xi32, #tpu.memory_space<vmem>>
          %dma_start3A_418 = arith.constant 0 : i32
          %dma_start3A_419 = tpu.memref_slice %arg2[%dma_start3A_418] : memref<8388608xf32, #tpu.memory_space<hbm>> -> memref<8388608xf32, #tpu.memory_space<hbm>>
          tpu.enqueue_indirect_dma source(%dma_start3A_419 : memref<8388608xf32, #tpu.memory_space<hbm>>) target(%dma_start3A_415 : memref<512xf32, #tpu.memory_space<vmem>>) offsets(%dma_start3A_417 : memref<512xi32, #tpu.memory_space<vmem>>) semaphore(%arg60 : memref<!tpu.dma_semaphore, #tpu.memory_space<semaphore_mem>>)
          %dma_start3A_420 = arith.constant 512 : i32
          %dma_start3A_421 = tpu.memref_slice %arg50[%dma_start3A_420] : memref<2048xf32, #tpu.memory_space<vmem>> -> memref<512xf32, #tpu.memory_space<vmem>>
          %dma_start3A_422 = arith.constant 512 : i32
          %dma_start3A_423 = tpu.memref_slice %arg42[%dma_start3A_422] : memref<2048xi32, #tpu.memory_space<vmem>> -> memref<512xi32, #tpu.memory_space<vmem>>
          %dma_start3A_424 = arith.constant 0 : i32
          %dma_start3A_425 = tpu.memref_slice %arg2[%dma_start3A_424] : memref<8388608xf32, #tpu.memory_space<hbm>> -> memref<8388608xf32, #tpu.memory_space<hbm>>
          tpu.enqueue_indirect_dma source(%dma_start3A_425 : memref<8388608xf32, #tpu.memory_space<hbm>>) target(%dma_start3A_421 : memref<512xf32, #tpu.memory_space<vmem>>) offsets(%dma_start3A_423 : memref<512xi32, #tpu.memory_space<vmem>>) semaphore(%arg60 : memref<!tpu.dma_semaphore, #tpu.memory_space<semaphore_mem>>)
          %dma_start3A_426 = arith.constant 1024 : i32
          %dma_start3A_427 = tpu.memref_slice %arg50[%dma_start3A_426] : memref<2048xf32, #tpu.memory_space<vmem>> -> memref<512xf32, #tpu.memory_space<vmem>>
          %dma_start3A_428 = arith.constant 1024 : i32
          %dma_start3A_429 = tpu.memref_slice %arg42[%dma_start3A_428] : memref<2048xi32, #tpu.memory_space<vmem>> -> memref<512xi32, #tpu.memory_space<vmem>>
          %dma_start3A_430 = arith.constant 0 : i32
          %dma_start3A_431 = tpu.memref_slice %arg2[%dma_start3A_430] : memref<8388608xf32, #tpu.memory_space<hbm>> -> memref<8388608xf32, #tpu.memory_space<hbm>>
          tpu.enqueue_indirect_dma source(%dma_start3A_431 : memref<8388608xf32, #tpu.memory_space<hbm>>) target(%dma_start3A_427 : memref<512xf32, #tpu.memory_space<vmem>>) offsets(%dma_start3A_429 : memref<512xi32, #tpu.memory_space<vmem>>) semaphore(%arg60 : memref<!tpu.dma_semaphore, #tpu.memory_space<semaphore_mem>>)
          %dma_start3A_432 = arith.constant 1536 : i32
          %dma_start3A_433 = tpu.memref_slice %arg50[%dma_start3A_432] : memref<2048xf32, #tpu.memory_space<vmem>> -> memref<512xf32, #tpu.memory_space<vmem>>
          %dma_start3A_434 = arith.constant 1536 : i32
          %dma_start3A_435 = tpu.memref_slice %arg42[%dma_start3A_434] : memref<2048xi32, #tpu.memory_space<vmem>> -> memref<512xi32, #tpu.memory_space<vmem>>
          %dma_start3A_436 = arith.constant 0 : i32
          %dma_start3A_437 = tpu.memref_slice %arg2[%dma_start3A_436] : memref<8388608xf32, #tpu.memory_space<hbm>> -> memref<8388608xf32, #tpu.memory_space<hbm>>
          tpu.enqueue_indirect_dma source(%dma_start3A_437 : memref<8388608xf32, #tpu.memory_space<hbm>>) target(%dma_start3A_433 : memref<512xf32, #tpu.memory_space<vmem>>) offsets(%dma_start3A_435 : memref<512xi32, #tpu.memory_space<vmem>>) semaphore(%arg60 : memref<!tpu.dma_semaphore, #tpu.memory_space<semaphore_mem>>)
          %dma_start3A_438 = arith.constant 0 : i32
          %dma_start3A_439 = tpu.memref_slice %arg51[%dma_start3A_438] : memref<2048xf32, #tpu.memory_space<vmem>> -> memref<512xf32, #tpu.memory_space<vmem>>
          %dma_start3A_440 = arith.constant 0 : i32
          %dma_start3A_441 = tpu.memref_slice %arg43[%dma_start3A_440] : memref<2048xi32, #tpu.memory_space<vmem>> -> memref<512xi32, #tpu.memory_space<vmem>>
          %dma_start3A_442 = arith.constant 0 : i32
          %dma_start3A_443 = tpu.memref_slice %arg2[%dma_start3A_442] : memref<8388608xf32, #tpu.memory_space<hbm>> -> memref<8388608xf32, #tpu.memory_space<hbm>>
          tpu.enqueue_indirect_dma source(%dma_start3A_443 : memref<8388608xf32, #tpu.memory_space<hbm>>) target(%dma_start3A_439 : memref<512xf32, #tpu.memory_space<vmem>>) offsets(%dma_start3A_441 : memref<512xi32, #tpu.memory_space<vmem>>) semaphore(%arg60 : memref<!tpu.dma_semaphore, #tpu.memory_space<semaphore_mem>>)
          %dma_start3A_444 = arith.constant 512 : i32
          %dma_start3A_445 = tpu.memref_slice %arg51[%dma_start3A_444] : memref<2048xf32, #tpu.memory_space<vmem>> -> memref<512xf32, #tpu.memory_space<vmem>>
          %dma_start3A_446 = arith.constant 512 : i32
          %dma_start3A_447 = tpu.memref_slice %arg43[%dma_start3A_446] : memref<2048xi32, #tpu.memory_space<vmem>> -> memref<512xi32, #tpu.memory_space<vmem>>
          %dma_start3A_448 = arith.constant 0 : i32
          %dma_start3A_449 = tpu.memref_slice %arg2[%dma_start3A_448] : memref<8388608xf32, #tpu.memory_space<hbm>> -> memref<8388608xf32, #tpu.memory_space<hbm>>
          tpu.enqueue_indirect_dma source(%dma_start3A_449 : memref<8388608xf32, #tpu.memory_space<hbm>>) target(%dma_start3A_445 : memref<512xf32, #tpu.memory_space<vmem>>) offsets(%dma_start3A_447 : memref<512xi32, #tpu.memory_space<vmem>>) semaphore(%arg60 : memref<!tpu.dma_semaphore, #tpu.memory_space<semaphore_mem>>)
          %dma_start3A_450 = arith.constant 1024 : i32
          %dma_start3A_451 = tpu.memref_slice %arg51[%dma_start3A_450] : memref<2048xf32, #tpu.memory_space<vmem>> -> memref<512xf32, #tpu.memory_space<vmem>>
          %dma_start3A_452 = arith.constant 1024 : i32
          %dma_start3A_453 = tpu.memref_slice %arg43[%dma_start3A_452] : memref<2048xi32, #tpu.memory_space<vmem>> -> memref<512xi32, #tpu.memory_space<vmem>>
          %dma_start3A_454 = arith.constant 0 : i32
          %dma_start3A_455 = tpu.memref_slice %arg2[%dma_start3A_454] : memref<8388608xf32, #tpu.memory_space<hbm>> -> memref<8388608xf32, #tpu.memory_space<hbm>>
          tpu.enqueue_indirect_dma source(%dma_start3A_455 : memref<8388608xf32, #tpu.memory_space<hbm>>) target(%dma_start3A_451 : memref<512xf32, #tpu.memory_space<vmem>>) offsets(%dma_start3A_453 : memref<512xi32, #tpu.memory_space<vmem>>) semaphore(%arg60 : memref<!tpu.dma_semaphore, #tpu.memory_space<semaphore_mem>>)
          %dma_start3A_456 = arith.constant 1536 : i32
          %dma_start3A_457 = tpu.memref_slice %arg51[%dma_start3A_456] : memref<2048xf32, #tpu.memory_space<vmem>> -> memref<512xf32, #tpu.memory_space<vmem>>
          %dma_start3A_458 = arith.constant 1536 : i32
          %dma_start3A_459 = tpu.memref_slice %arg43[%dma_start3A_458] : memref<2048xi32, #tpu.memory_space<vmem>> -> memref<512xi32, #tpu.memory_space<vmem>>
          %dma_start3A_460 = arith.constant 0 : i32
          %dma_start3A_461 = tpu.memref_slice %arg2[%dma_start3A_460] : memref<8388608xf32, #tpu.memory_space<hbm>> -> memref<8388608xf32, #tpu.memory_space<hbm>>
          tpu.enqueue_indirect_dma source(%dma_start3A_461 : memref<8388608xf32, #tpu.memory_space<hbm>>) target(%dma_start3A_457 : memref<512xf32, #tpu.memory_space<vmem>>) offsets(%dma_start3A_459 : memref<512xi32, #tpu.memory_space<vmem>>) semaphore(%arg60 : memref<!tpu.dma_semaphore, #tpu.memory_space<semaphore_mem>>)
          %dma_start3A_462 = arith.constant 0 : i32
          %dma_start3A_463 = tpu.memref_slice %arg52[%dma_start3A_462] : memref<2048xf32, #tpu.memory_space<vmem>> -> memref<512xf32, #tpu.memory_space<vmem>>
          %dma_start3A_464 = arith.constant 0 : i32
          %dma_start3A_465 = tpu.memref_slice %arg44[%dma_start3A_464] : memref<2048xi32, #tpu.memory_space<vmem>> -> memref<512xi32, #tpu.memory_space<vmem>>
          %dma_start3A_466 = arith.constant 0 : i32
          %dma_start3A_467 = tpu.memref_slice %arg2[%dma_start3A_466] : memref<8388608xf32, #tpu.memory_space<hbm>> -> memref<8388608xf32, #tpu.memory_space<hbm>>
          tpu.enqueue_indirect_dma source(%dma_start3A_467 : memref<8388608xf32, #tpu.memory_space<hbm>>) target(%dma_start3A_463 : memref<512xf32, #tpu.memory_space<vmem>>) offsets(%dma_start3A_465 : memref<512xi32, #tpu.memory_space<vmem>>) semaphore(%arg60 : memref<!tpu.dma_semaphore, #tpu.memory_space<semaphore_mem>>)
          %dma_start3A_468 = arith.constant 512 : i32
          %dma_start3A_469 = tpu.memref_slice %arg52[%dma_start3A_468] : memref<2048xf32, #tpu.memory_space<vmem>> -> memref<512xf32, #tpu.memory_space<vmem>>
          %dma_start3A_470 = arith.constant 512 : i32
          %dma_start3A_471 = tpu.memref_slice %arg44[%dma_start3A_470] : memref<2048xi32, #tpu.memory_space<vmem>> -> memref<512xi32, #tpu.memory_space<vmem>>
          %dma_start3A_472 = arith.constant 0 : i32
          %dma_start3A_473 = tpu.memref_slice %arg2[%dma_start3A_472] : memref<8388608xf32, #tpu.memory_space<hbm>> -> memref<8388608xf32, #tpu.memory_space<hbm>>
          tpu.enqueue_indirect_dma source(%dma_start3A_473 : memref<8388608xf32, #tpu.memory_space<hbm>>) target(%dma_start3A_469 : memref<512xf32, #tpu.memory_space<vmem>>) offsets(%dma_start3A_471 : memref<512xi32, #tpu.memory_space<vmem>>) semaphore(%arg60 : memref<!tpu.dma_semaphore, #tpu.memory_space<semaphore_mem>>)
          %dma_start3A_474 = arith.constant 1024 : i32
          %dma_start3A_475 = tpu.memref_slice %arg52[%dma_start3A_474] : memref<2048xf32, #tpu.memory_space<vmem>> -> memref<512xf32, #tpu.memory_space<vmem>>
          %dma_start3A_476 = arith.constant 1024 : i32
          %dma_start3A_477 = tpu.memref_slice %arg44[%dma_start3A_476] : memref<2048xi32, #tpu.memory_space<vmem>> -> memref<512xi32, #tpu.memory_space<vmem>>
          %dma_start3A_478 = arith.constant 0 : i32
          %dma_start3A_479 = tpu.memref_slice %arg2[%dma_start3A_478] : memref<8388608xf32, #tpu.memory_space<hbm>> -> memref<8388608xf32, #tpu.memory_space<hbm>>
          tpu.enqueue_indirect_dma source(%dma_start3A_479 : memref<8388608xf32, #tpu.memory_space<hbm>>) target(%dma_start3A_475 : memref<512xf32, #tpu.memory_space<vmem>>) offsets(%dma_start3A_477 : memref<512xi32, #tpu.memory_space<vmem>>) semaphore(%arg60 : memref<!tpu.dma_semaphore, #tpu.memory_space<semaphore_mem>>)
          %dma_start3A_480 = arith.constant 1536 : i32
          %dma_start3A_481 = tpu.memref_slice %arg52[%dma_start3A_480] : memref<2048xf32, #tpu.memory_space<vmem>> -> memref<512xf32, #tpu.memory_space<vmem>>
          %dma_start3A_482 = arith.constant 1536 : i32
          %dma_start3A_483 = tpu.memref_slice %arg44[%dma_start3A_482] : memref<2048xi32, #tpu.memory_space<vmem>> -> memref<512xi32, #tpu.memory_space<vmem>>
          %dma_start3A_484 = arith.constant 0 : i32
          %dma_start3A_485 = tpu.memref_slice %arg2[%dma_start3A_484] : memref<8388608xf32, #tpu.memory_space<hbm>> -> memref<8388608xf32, #tpu.memory_space<hbm>>
          tpu.enqueue_indirect_dma source(%dma_start3A_485 : memref<8388608xf32, #tpu.memory_space<hbm>>) target(%dma_start3A_481 : memref<512xf32, #tpu.memory_space<vmem>>) offsets(%dma_start3A_483 : memref<512xi32, #tpu.memory_space<vmem>>) semaphore(%arg60 : memref<!tpu.dma_semaphore, #tpu.memory_space<semaphore_mem>>)
        } else {
        }
        %mul3A_243 = arith.constant 2048 : i32
        %mul3A_244 = arith.muli %scan3A_225, %mul3A_243 : i32
        %add3A_245 = arith.addi %mul3A_2, %mul3A_244 : i32
        %dma_wait3A = arith.constant 0 : i32
        %dma_wait3A_246 = tpu.memref_slice %arg2[%dma_wait3A] : memref<8388608xf32, #tpu.memory_space<hbm>> -> memref<2048xf32, #tpu.memory_space<hbm>>
        %dma_wait3A_247 = arith.constant 0 : i32
        %dma_wait3A_248 = tpu.memref_slice %arg2[%dma_wait3A_247] : memref<8388608xf32, #tpu.memory_space<hbm>> -> memref<2048xf32, #tpu.memory_space<hbm>>
        tpu.wait_dma2 semaphore(%arg33 : memref<!tpu.dma_semaphore, #tpu.memory_space<semaphore_mem>>) src(%dma_wait3A_248 : memref<2048xf32, #tpu.memory_space<hbm>>) dst(%arg18 : memref<2048xf32, #tpu.memory_space<vmem>>)
        %dma_wait3A_249 = arith.constant 0 : i32
        %dma_wait3A_250 = tpu.memref_slice %arg2[%dma_wait3A_249] : memref<8388608xf32, #tpu.memory_space<hbm>> -> memref<2048xf32, #tpu.memory_space<hbm>>
        %dma_wait3A_251 = arith.constant 0 : i32
        %dma_wait3A_252 = tpu.memref_slice %arg2[%dma_wait3A_251] : memref<8388608xf32, #tpu.memory_space<hbm>> -> memref<2048xf32, #tpu.memory_space<hbm>>
        tpu.wait_dma2 semaphore(%arg33 : memref<!tpu.dma_semaphore, #tpu.memory_space<semaphore_mem>>) src(%dma_wait3A_252 : memref<2048xf32, #tpu.memory_space<hbm>>) dst(%arg19 : memref<2048xf32, #tpu.memory_space<vmem>>)
        %dma_wait3A_253 = arith.constant 0 : i32
        %dma_wait3A_254 = tpu.memref_slice %arg2[%dma_wait3A_253] : memref<8388608xf32, #tpu.memory_space<hbm>> -> memref<2048xf32, #tpu.memory_space<hbm>>
        %dma_wait3A_255 = arith.constant 0 : i32
        %dma_wait3A_256 = tpu.memref_slice %arg2[%dma_wait3A_255] : memref<8388608xf32, #tpu.memory_space<hbm>> -> memref<2048xf32, #tpu.memory_space<hbm>>
        tpu.wait_dma2 semaphore(%arg33 : memref<!tpu.dma_semaphore, #tpu.memory_space<semaphore_mem>>) src(%dma_wait3A_256 : memref<2048xf32, #tpu.memory_space<hbm>>) dst(%arg20 : memref<2048xf32, #tpu.memory_space<vmem>>)
        %dma_wait3A_257 = arith.constant 0 : i32
        %dma_wait3A_258 = tpu.memref_slice %arg2[%dma_wait3A_257] : memref<8388608xf32, #tpu.memory_space<hbm>> -> memref<2048xf32, #tpu.memory_space<hbm>>
        %dma_wait3A_259 = arith.constant 0 : i32
        %dma_wait3A_260 = tpu.memref_slice %arg2[%dma_wait3A_259] : memref<8388608xf32, #tpu.memory_space<hbm>> -> memref<2048xf32, #tpu.memory_space<hbm>>
        tpu.wait_dma2 semaphore(%arg33 : memref<!tpu.dma_semaphore, #tpu.memory_space<semaphore_mem>>) src(%dma_wait3A_260 : memref<2048xf32, #tpu.memory_space<hbm>>) dst(%arg21 : memref<2048xf32, #tpu.memory_space<vmem>>)
        %dma_wait3A_261 = arith.constant 0 : i32
        %dma_wait3A_262 = tpu.memref_slice %arg2[%dma_wait3A_261] : memref<8388608xf32, #tpu.memory_space<hbm>> -> memref<2048xf32, #tpu.memory_space<hbm>>
        %dma_wait3A_263 = arith.constant 0 : i32
        %dma_wait3A_264 = tpu.memref_slice %arg2[%dma_wait3A_263] : memref<8388608xf32, #tpu.memory_space<hbm>> -> memref<2048xf32, #tpu.memory_space<hbm>>
        tpu.wait_dma2 semaphore(%arg33 : memref<!tpu.dma_semaphore, #tpu.memory_space<semaphore_mem>>) src(%dma_wait3A_264 : memref<2048xf32, #tpu.memory_space<hbm>>) dst(%arg22 : memref<2048xf32, #tpu.memory_space<vmem>>)
        %dma_wait3A_265 = arith.constant 0 : i32
        %dma_wait3A_266 = tpu.memref_slice %arg2[%dma_wait3A_265] : memref<8388608xf32, #tpu.memory_space<hbm>> -> memref<2048xf32, #tpu.memory_space<hbm>>
        %dma_wait3A_267 = arith.constant 0 : i32
        %dma_wait3A_268 = tpu.memref_slice %arg2[%dma_wait3A_267] : memref<8388608xf32, #tpu.memory_space<hbm>> -> memref<2048xf32, #tpu.memory_space<hbm>>
        tpu.wait_dma2 semaphore(%arg33 : memref<!tpu.dma_semaphore, #tpu.memory_space<semaphore_mem>>) src(%dma_wait3A_268 : memref<2048xf32, #tpu.memory_space<hbm>>) dst(%arg23 : memref<2048xf32, #tpu.memory_space<vmem>>)
        %dma_wait3A_269 = arith.constant 0 : i32
        %dma_wait3A_270 = tpu.memref_slice %arg2[%dma_wait3A_269] : memref<8388608xf32, #tpu.memory_space<hbm>> -> memref<2048xf32, #tpu.memory_space<hbm>>
        %dma_wait3A_271 = arith.constant 0 : i32
        %dma_wait3A_272 = tpu.memref_slice %arg2[%dma_wait3A_271] : memref<8388608xf32, #tpu.memory_space<hbm>> -> memref<2048xf32, #tpu.memory_space<hbm>>
        tpu.wait_dma2 semaphore(%arg33 : memref<!tpu.dma_semaphore, #tpu.memory_space<semaphore_mem>>) src(%dma_wait3A_272 : memref<2048xf32, #tpu.memory_space<hbm>>) dst(%arg24 : memref<2048xf32, #tpu.memory_space<vmem>>)
        %dma_wait3A_273 = arith.constant 0 : i32
        %dma_wait3A_274 = tpu.memref_slice %arg2[%dma_wait3A_273] : memref<8388608xf32, #tpu.memory_space<hbm>> -> memref<2048xf32, #tpu.memory_space<hbm>>
        %dma_wait3A_275 = arith.constant 0 : i32
        %dma_wait3A_276 = tpu.memref_slice %arg2[%dma_wait3A_275] : memref<8388608xf32, #tpu.memory_space<hbm>> -> memref<2048xf32, #tpu.memory_space<hbm>>
        tpu.wait_dma2 semaphore(%arg33 : memref<!tpu.dma_semaphore, #tpu.memory_space<semaphore_mem>>) src(%dma_wait3A_276 : memref<2048xf32, #tpu.memory_space<hbm>>) dst(%arg25 : memref<2048xf32, #tpu.memory_space<vmem>>)
        %scan3A_277 = arith.constant 0 : i32
        %scan3A_278 = arith.constant 0 : i32
        %scan3A_279 = arith.constant 128 : i32
        %scan3A_280 = arith.addi %scan3A_278, %scan3A_279 : i32
        %scan3A_281 = arith.constant 1 : i32
        scf.for %scan3A_283 = %scan3A_278 to %scan3A_280 step %scan3A_281  : i32 {
          %mul3A_284 = arith.constant 16 : i32
          %mul3A_285 = arith.muli %scan3A_283, %mul3A_284 : i32
          %get3A = arith.index_cast %mul3A_285 : i32 to index
          %get3A_286 = tpu.vector_load %arg26[%get3A] {strides = array<i32>} : memref<2048xf32, #tpu.memory_space<vmem>>, vector<16xf32>,
          %get3A_287 = arith.index_cast %mul3A_285 : i32 to index
          %get3A_288 = tpu.vector_load %arg27[%get3A_287] {strides = array<i32>} : memref<2048xf32, #tpu.memory_space<vmem>>, vector<16xf32>,
          %get3A_289 = arith.index_cast %mul3A_285 : i32 to index
          %get3A_290 = tpu.vector_load %arg28[%get3A_289] {strides = array<i32>} : memref<2048xf32, #tpu.memory_space<vmem>>, vector<16xf32>,
          %get3A_291 = arith.index_cast %mul3A_285 : i32 to index
          %get3A_292 = tpu.vector_load %arg29[%get3A_291] {strides = array<i32>} : memref<2048xf32, #tpu.memory_space<vmem>>, vector<16xf32>,
          %get3A_293 = arith.index_cast %mul3A_285 : i32 to index
          %get3A_294 = tpu.vector_load %arg30[%get3A_293] {strides = array<i32>} : memref<2048xf32, #tpu.memory_space<vmem>>, vector<16xf32>,
          %get3A_295 = arith.index_cast %mul3A_285 : i32 to index
          %get3A_296 = tpu.vector_load %arg31[%get3A_295] {strides = array<i32>} : memref<2048xf32, #tpu.memory_space<vmem>>, vector<16xf32>,
          %get3A_297 = arith.index_cast %mul3A_285 : i32 to index
          %get3A_298 = tpu.vector_load %arg19[%get3A_297] {strides = array<i32>} : memref<2048xf32, #tpu.memory_space<vmem>>, vector<16xf32>,
          %mul3A_299 = arith.mulf %get3A_298, %get3A_286 : vector<16xf32>
          %get3A_300 = arith.index_cast %mul3A_285 : i32 to index
          %get3A_301 = tpu.vector_load %arg18[%get3A_300] {strides = array<i32>} : memref<2048xf32, #tpu.memory_space<vmem>>, vector<16xf32>,
          %mul3A_302 = arith.mulf %get3A_301, %get3A_288 : vector<16xf32>
          %add3A_303 = arith.addf %mul3A_299, %mul3A_302 : vector<16xf32>
          %get3A_304 = arith.index_cast %mul3A_285 : i32 to index
          %get3A_305 = tpu.vector_load %arg21[%get3A_304] {strides = array<i32>} : memref<2048xf32, #tpu.memory_space<vmem>>, vector<16xf32>,
          %mul3A_306 = arith.mulf %get3A_305, %get3A_286 : vector<16xf32>
          %get3A_307 = arith.index_cast %mul3A_285 : i32 to index
          %get3A_308 = tpu.vector_load %arg20[%get3A_307] {strides = array<i32>} : memref<2048xf32, #tpu.memory_space<vmem>>, vector<16xf32>,
          %mul3A_309 = arith.mulf %get3A_308, %get3A_288 : vector<16xf32>
          %add3A_310 = arith.addf %mul3A_306, %mul3A_309 : vector<16xf32>
          %mul3A_311 = arith.mulf %add3A_310, %get3A_290 : vector<16xf32>
          %mul3A_312 = arith.mulf %add3A_303, %get3A_292 : vector<16xf32>
          %add3A_313 = arith.addf %mul3A_311, %mul3A_312 : vector<16xf32>
          %get3A_314 = arith.index_cast %mul3A_285 : i32 to index
          %get3A_315 = tpu.vector_load %arg23[%get3A_314] {strides = array<i32>} : memref<2048xf32, #tpu.memory_space<vmem>>, vector<16xf32>,
          %mul3A_316 = arith.mulf %get3A_315, %get3A_286 : vector<16xf32>
          %get3A_317 = arith.index_cast %mul3A_285 : i32 to index
          %get3A_318 = tpu.vector_load %arg22[%get3A_317] {strides = array<i32>} : memref<2048xf32, #tpu.memory_space<vmem>>, vector<16xf32>,
          %mul3A_319 = arith.mulf %get3A_318, %get3A_288 : vector<16xf32>
          %add3A_320 = arith.addf %mul3A_316, %mul3A_319 : vector<16xf32>
          %get3A_321 = arith.index_cast %mul3A_285 : i32 to index
          %get3A_322 = tpu.vector_load %arg25[%get3A_321] {strides = array<i32>} : memref<2048xf32, #tpu.memory_space<vmem>>, vector<16xf32>,
          %mul3A_323 = arith.mulf %get3A_322, %get3A_286 : vector<16xf32>
          %get3A_324 = arith.index_cast %mul3A_285 : i32 to index
          %get3A_325 = tpu.vector_load %arg24[%get3A_324] {strides = array<i32>} : memref<2048xf32, #tpu.memory_space<vmem>>, vector<16xf32>,
          %mul3A_326 = arith.mulf %get3A_325, %get3A_288 : vector<16xf32>
          %add3A_327 = arith.addf %mul3A_323, %mul3A_326 : vector<16xf32>
          %mul3A_328 = arith.mulf %add3A_327, %get3A_290 : vector<16xf32>
          %mul3A_329 = arith.mulf %add3A_320, %get3A_292 : vector<16xf32>
          %add3A_330 = arith.addf %mul3A_328, %mul3A_329 : vector<16xf32>
          %mul3A_331 = arith.mulf %add3A_330, %get3A_294 : vector<16xf32>
          %mul3A_332 = arith.mulf %add3A_313, %get3A_296 : vector<16xf32>
          %add3A_333 = arith.addf %mul3A_331, %mul3A_332 : vector<16xf32>
          %swap3A = arith.index_cast %mul3A_285 : i32 to index
          %swap3A_334 = tpu.vector_load %arg32[%swap3A] {strides = array<i32>} : memref<2048xf32, #tpu.memory_space<vmem>>, vector<16xf32>,
          tpu.vector_store %arg32[%swap3A], %add3A_333 {strides = array<i32>} : memref<2048xf32, #tpu.memory_space<vmem>>, vector<16xf32>,
        }
        %scan3A_282 = arith.constant 128 : i32
        "tpu.region"() ({
          %run_scoped3A = tpu.sem_alloc : memref<!tpu.dma_semaphore, #tpu.memory_space<semaphore_mem>>
          %dma_start3A_283 = tpu.memref_slice %arg6[%add3A_245] : memref<1048576xf32, #tpu.memory_space<hbm>> -> memref<2048xf32, #tpu.memory_space<hbm>>
          %dma_start3A_284 = tpu.memref_slice %arg6[%add3A_245] : memref<1048576xf32, #tpu.memory_space<hbm>> -> memref<2048xf32, #tpu.memory_space<hbm>>
          tpu.enqueue_dma source(%arg32 : memref<2048xf32, #tpu.memory_space<vmem>>) target(%dma_start3A_284 : memref<2048xf32, #tpu.memory_space<hbm>>) target_semaphore(%run_scoped3A : memref<!tpu.dma_semaphore, #tpu.memory_space<semaphore_mem>>)
          %dma_wait3A_285 = tpu.memref_slice %arg6[%add3A_245] : memref<1048576xf32, #tpu.memory_space<hbm>> -> memref<2048xf32, #tpu.memory_space<hbm>>
          %dma_wait3A_286 = tpu.memref_slice %arg6[%add3A_245] : memref<1048576xf32, #tpu.memory_space<hbm>> -> memref<2048xf32, #tpu.memory_space<hbm>>
          tpu.wait_dma2 semaphore(%run_scoped3A : memref<!tpu.dma_semaphore, #tpu.memory_space<semaphore_mem>>) src(%arg32 : memref<2048xf32, #tpu.memory_space<vmem>>) dst(%dma_wait3A_286 : memref<2048xf32, #tpu.memory_space<hbm>>)
          tpu.yield
        }) : () -> ()
      } else {
      }
      %and3A_230 = arith.constant 1 : i32
      %and3A_231 = arith.andi %scan3A_225, %and3A_230 : i32
      %eq3A_232 = arith.constant 1 : i32
      %eq3A_233 = arith.cmpi eq, %and3A_231, %eq3A_232 : i32
      %convert_element_type3A_234 = arith.extui %eq3A_233 : i1 to i32
      %cond3A_235 = arith.constant 0 : i32
      %cond3A_236 = arith.cmpi ne, %convert_element_type3A_234, %cond3A_235 : i32
      scf.if %cond3A_236 {
        %add3A_237 = arith.constant 1 : i32
        %add3A_238 = arith.addi %scan3A_225, %add3A_237 : i32
        %lt3A = arith.constant 16 : i32
        %lt3A_239 = arith.cmpi slt, %add3A_238, %lt3A : i32
        %convert_element_type3A_240 = arith.extui %lt3A_239 : i1 to i32
        %cond3A_241 = arith.constant 0 : i32
        %cond3A_242 = arith.cmpi ne, %convert_element_type3A_240, %cond3A_241 : i32
        scf.if %cond3A_242 {
          %add3A_283 = arith.constant 1 : i32
          %add3A_284 = arith.addi %scan3A_225, %add3A_283 : i32
          %mul3A_285 = arith.constant 2048 : i32
          %mul3A_286 = arith.muli %add3A_284, %mul3A_285 : i32
          %add3A_287 = arith.addi %mul3A_2, %mul3A_286 : i32
          "tpu.region"() ({
            %run_scoped3A = tpu.sem_alloc : memref<!tpu.dma_semaphore, #tpu.memory_space<semaphore_mem>>
            %dma_start3A_486 = tpu.memref_slice %arg3[%add3A_287] : memref<1048576xf32, #tpu.memory_space<hbm>> -> memref<2048xf32, #tpu.memory_space<hbm>>
            %dma_start3A_487 = tpu.memref_slice %arg3[%add3A_287] : memref<1048576xf32, #tpu.memory_space<hbm>> -> memref<2048xf32, #tpu.memory_space<hbm>>
            tpu.enqueue_dma source(%dma_start3A_487 : memref<2048xf32, #tpu.memory_space<hbm>>) target(%arg7 : memref<2048xf32, #tpu.memory_space<vmem>>) target_semaphore(%run_scoped3A : memref<!tpu.dma_semaphore, #tpu.memory_space<semaphore_mem>>)
            %dma_wait3A_488 = tpu.memref_slice %arg3[%add3A_287] : memref<1048576xf32, #tpu.memory_space<hbm>> -> memref<2048xf32, #tpu.memory_space<hbm>>
            %dma_wait3A_489 = tpu.memref_slice %arg3[%add3A_287] : memref<1048576xf32, #tpu.memory_space<hbm>> -> memref<2048xf32, #tpu.memory_space<hbm>>
            tpu.wait_dma2 semaphore(%run_scoped3A : memref<!tpu.dma_semaphore, #tpu.memory_space<semaphore_mem>>) src(%dma_wait3A_489 : memref<2048xf32, #tpu.memory_space<hbm>>) dst(%arg7 : memref<2048xf32, #tpu.memory_space<vmem>>)
            tpu.yield
          }) : () -> ()
          "tpu.region"() ({
            %run_scoped3A = tpu.sem_alloc : memref<!tpu.dma_semaphore, #tpu.memory_space<semaphore_mem>>
            %dma_start3A_486 = tpu.memref_slice %arg4[%add3A_287] : memref<1048576xf32, #tpu.memory_space<hbm>> -> memref<2048xf32, #tpu.memory_space<hbm>>
            %dma_start3A_487 = tpu.memref_slice %arg4[%add3A_287] : memref<1048576xf32, #tpu.memory_space<hbm>> -> memref<2048xf32, #tpu.memory_space<hbm>>
            tpu.enqueue_dma source(%dma_start3A_487 : memref<2048xf32, #tpu.memory_space<hbm>>) target(%arg8 : memref<2048xf32, #tpu.memory_space<vmem>>) target_semaphore(%run_scoped3A : memref<!tpu.dma_semaphore, #tpu.memory_space<semaphore_mem>>)
            %dma_wait3A_488 = tpu.memref_slice %arg4[%add3A_287] : memref<1048576xf32, #tpu.memory_space<hbm>> -> memref<2048xf32, #tpu.memory_space<hbm>>
            %dma_wait3A_489 = tpu.memref_slice %arg4[%add3A_287] : memref<1048576xf32, #tpu.memory_space<hbm>> -> memref<2048xf32, #tpu.memory_space<hbm>>
            tpu.wait_dma2 semaphore(%run_scoped3A : memref<!tpu.dma_semaphore, #tpu.memory_space<semaphore_mem>>) src(%dma_wait3A_489 : memref<2048xf32, #tpu.memory_space<hbm>>) dst(%arg8 : memref<2048xf32, #tpu.memory_space<vmem>>)
            tpu.yield
          }) : () -> ()
          "tpu.region"() ({
            %run_scoped3A = tpu.sem_alloc : memref<!tpu.dma_semaphore, #tpu.memory_space<semaphore_mem>>
            %dma_start3A_486 = tpu.memref_slice %arg5[%add3A_287] : memref<1048576xf32, #tpu.memory_space<hbm>> -> memref<2048xf32, #tpu.memory_space<hbm>>
            %dma_start3A_487 = tpu.memref_slice %arg5[%add3A_287] : memref<1048576xf32, #tpu.memory_space<hbm>> -> memref<2048xf32, #tpu.memory_space<hbm>>
            tpu.enqueue_dma source(%dma_start3A_487 : memref<2048xf32, #tpu.memory_space<hbm>>) target(%arg9 : memref<2048xf32, #tpu.memory_space<vmem>>) target_semaphore(%run_scoped3A : memref<!tpu.dma_semaphore, #tpu.memory_space<semaphore_mem>>)
            %dma_wait3A_488 = tpu.memref_slice %arg5[%add3A_287] : memref<1048576xf32, #tpu.memory_space<hbm>> -> memref<2048xf32, #tpu.memory_space<hbm>>
            %dma_wait3A_489 = tpu.memref_slice %arg5[%add3A_287] : memref<1048576xf32, #tpu.memory_space<hbm>> -> memref<2048xf32, #tpu.memory_space<hbm>>
            tpu.wait_dma2 semaphore(%run_scoped3A : memref<!tpu.dma_semaphore, #tpu.memory_space<semaphore_mem>>) src(%dma_wait3A_489 : memref<2048xf32, #tpu.memory_space<hbm>>) dst(%arg9 : memref<2048xf32, #tpu.memory_space<vmem>>)
            tpu.yield
          }) : () -> ()
          %scan3A_288 = arith.constant 0 : i32
          %scan3A_289 = arith.constant 0 : i32
          %scan3A_290 = arith.constant 128 : i32
          %scan3A_291 = arith.addi %scan3A_289, %scan3A_290 : i32
          %scan3A_292 = arith.constant 1 : i32
          scf.for %scan3A_486 = %scan3A_289 to %scan3A_291 step %scan3A_292  : i32 {
            %mul3A_487 = arith.constant 16 : i32
            %mul3A_488 = arith.muli %scan3A_486, %mul3A_487 : i32
            %get3A = arith.index_cast %mul3A_488 : i32 to index
            %get3A_489 = tpu.vector_load %arg7[%get3A] {strides = array<i32>} : memref<2048xf32, #tpu.memory_space<vmem>>, vector<16xf32>,
            %mul3A_490 = arith.constant 1.280000e+02 : f32
            %mul3A_491 = vector.broadcast %mul3A_490 : f32 to vector<16xf32>
            %mul3A_492 = arith.mulf %get3A_489, %mul3A_491 : vector<16xf32>
            %max3A = arith.constant 1.000000e-03 : f32
            %max3A_493 = vector.broadcast %max3A : f32 to vector<16xf32>
            %max3A_494 = arith.maximumf %mul3A_492, %max3A_493 : vector<16xf32>
            %min3A = arith.constant 1.269990e+02 : f32
            %min3A_495 = vector.broadcast %min3A : f32 to vector<16xf32>
            %min3A_496 = arith.minimumf %max3A_494, %min3A_495 : vector<16xf32>
            %convert_element_type3A_497 = arith.fptosi %min3A_496 : vector<16xf32> to vector<16xi32>
            %convert_element_type3A_498 = arith.sitofp %convert_element_type3A_497 : vector<16xi32> to vector<16xf32>
            %sub3A_499 = arith.subf %min3A_496, %convert_element_type3A_498 : vector<16xf32>
            %gt3A = arith.constant 0.000000e+00 : f32
            %gt3A_500 = vector.broadcast %gt3A : f32 to vector<16xf32>
            %gt3A_501 = arith.cmpf ogt, %sub3A_499, %gt3A_500 : vector<16xf32>
            %jit3A_502 = arith.constant 1.000000e+00 : f32
            %jit3A_503 = arith.constant 0.000000e+00 : f32
            %broadcast_in_dim3A = vector.broadcast %jit3A_502 : f32 to vector<16xf32>
            %broadcast_in_dim3A_504 = vector.broadcast %jit3A_503 : f32 to vector<16xf32>
            %select_n3A_505 = arith.select %gt3A_501, %broadcast_in_dim3A, %broadcast_in_dim3A_504 : vector<16xi1>, vector<16xf32>
            %add3A_506 = arith.addf %convert_element_type3A_498, %select_n3A_505 : vector<16xf32>
            %sub3A_507 = arith.subf %add3A_506, %min3A_496 : vector<16xf32>
            %get3A_508 = arith.index_cast %mul3A_488 : i32 to index
            %get3A_509 = tpu.vector_load %arg8[%get3A_508] {strides = array<i32>} : memref<2048xf32, #tpu.memory_space<vmem>>, vector<16xf32>,
            %mul3A_510 = arith.constant 1.280000e+02 : f32
            %mul3A_511 = vector.broadcast %mul3A_510 : f32 to vector<16xf32>
            %mul3A_512 = arith.mulf %get3A_509, %mul3A_511 : vector<16xf32>
            %max3A_513 = arith.constant 1.000000e-03 : f32
            %max3A_514 = vector.broadcast %max3A_513 : f32 to vector<16xf32>
            %max3A_515 = arith.maximumf %mul3A_512, %max3A_514 : vector<16xf32>
            %min3A_516 = arith.constant 1.269990e+02 : f32
            %min3A_517 = vector.broadcast %min3A_516 : f32 to vector<16xf32>
            %min3A_518 = arith.minimumf %max3A_515, %min3A_517 : vector<16xf32>
            %convert_element_type3A_519 = arith.fptosi %min3A_518 : vector<16xf32> to vector<16xi32>
            %convert_element_type3A_520 = arith.sitofp %convert_element_type3A_519 : vector<16xi32> to vector<16xf32>
            %sub3A_521 = arith.subf %min3A_518, %convert_element_type3A_520 : vector<16xf32>
            %gt3A_522 = arith.constant 0.000000e+00 : f32
            %gt3A_523 = vector.broadcast %gt3A_522 : f32 to vector<16xf32>
            %gt3A_524 = arith.cmpf ogt, %sub3A_521, %gt3A_523 : vector<16xf32>
            %jit3A_525 = arith.constant 1.000000e+00 : f32
            %jit3A_526 = arith.constant 0.000000e+00 : f32
            %broadcast_in_dim3A_527 = vector.broadcast %jit3A_525 : f32 to vector<16xf32>
            %broadcast_in_dim3A_528 = vector.broadcast %jit3A_526 : f32 to vector<16xf32>
            %select_n3A_529 = arith.select %gt3A_524, %broadcast_in_dim3A_527, %broadcast_in_dim3A_528 : vector<16xi1>, vector<16xf32>
            %add3A_530 = arith.addf %convert_element_type3A_520, %select_n3A_529 : vector<16xf32>
            %sub3A_531 = arith.subf %add3A_530, %min3A_518 : vector<16xf32>
            %get3A_532 = arith.index_cast %mul3A_488 : i32 to index
            %get3A_533 = tpu.vector_load %arg9[%get3A_532] {strides = array<i32>} : memref<2048xf32, #tpu.memory_space<vmem>>, vector<16xf32>,
            %mul3A_534 = arith.constant 1.280000e+02 : f32
            %mul3A_535 = vector.broadcast %mul3A_534 : f32 to vector<16xf32>
            %mul3A_536 = arith.mulf %get3A_533, %mul3A_535 : vector<16xf32>
            %max3A_537 = arith.constant 1.000000e-03 : f32
            %max3A_538 = vector.broadcast %max3A_537 : f32 to vector<16xf32>
            %max3A_539 = arith.maximumf %mul3A_536, %max3A_538 : vector<16xf32>
            %min3A_540 = arith.constant 1.269990e+02 : f32
            %min3A_541 = vector.broadcast %min3A_540 : f32 to vector<16xf32>
            %min3A_542 = arith.minimumf %max3A_539, %min3A_541 : vector<16xf32>
            %convert_element_type3A_543 = arith.fptosi %min3A_542 : vector<16xf32> to vector<16xi32>
            %convert_element_type3A_544 = arith.sitofp %convert_element_type3A_543 : vector<16xi32> to vector<16xf32>
            %sub3A_545 = arith.subf %min3A_542, %convert_element_type3A_544 : vector<16xf32>
            %gt3A_546 = arith.constant 0.000000e+00 : f32
            %gt3A_547 = vector.broadcast %gt3A_546 : f32 to vector<16xf32>
            %gt3A_548 = arith.cmpf ogt, %sub3A_545, %gt3A_547 : vector<16xf32>
            %jit3A_549 = arith.constant 1.000000e+00 : f32
            %jit3A_550 = arith.constant 0.000000e+00 : f32
            %broadcast_in_dim3A_551 = vector.broadcast %jit3A_549 : f32 to vector<16xf32>
            %broadcast_in_dim3A_552 = vector.broadcast %jit3A_550 : f32 to vector<16xf32>
            %select_n3A_553 = arith.select %gt3A_548, %broadcast_in_dim3A_551, %broadcast_in_dim3A_552 : vector<16xi1>, vector<16xf32>
            %add3A_554 = arith.addf %convert_element_type3A_544, %select_n3A_553 : vector<16xf32>
            %sub3A_555 = arith.subf %add3A_554, %min3A_542 : vector<16xf32>
            %mul3A_556 = arith.constant 16384 : i32
            %mul3A_557 = vector.broadcast %mul3A_556 : i32 to vector<16xi32>
            %mul3A_558 = arith.muli %convert_element_type3A_497, %mul3A_557 : vector<16xi32>
            %mul3A_559 = arith.constant 128 : i32
            %mul3A_560 = vector.broadcast %mul3A_559 : i32 to vector<16xi32>
            %mul3A_561 = arith.muli %convert_element_type3A_519, %mul3A_560 : vector<16xi32>
            %add3A_562 = arith.addi %mul3A_558, %mul3A_561 : vector<16xi32>
            %add3A_563 = arith.addi %add3A_562, %convert_element_type3A_543 : vector<16xi32>
            %add3A_564 = vector.broadcast %mul3A_20 : i32 to vector<16xi32>
            %add3A_565 = arith.addi %add3A_563, %add3A_564 : vector<16xi32>
            %add3A_566 = arith.constant 0 : i32
            %add3A_567 = vector.broadcast %add3A_566 : i32 to vector<16xi32>
            %add3A_568 = arith.addi %add3A_565, %add3A_567 : vector<16xi32>
            %swap3A = arith.index_cast %mul3A_488 : i32 to index
            %swap3A_569 = tpu.vector_load %arg10[%swap3A] {strides = array<i32>} : memref<2048xi32, #tpu.memory_space<vmem>>, vector<16xi32>,
            tpu.vector_store %arg10[%swap3A], %add3A_568 {strides = array<i32>} : memref<2048xi32, #tpu.memory_space<vmem>>, vector<16xi32>,
            %add3A_570 = arith.constant 16384 : i32
            %add3A_571 = vector.broadcast %add3A_570 : i32 to vector<16xi32>
            %add3A_572 = arith.addi %add3A_565, %add3A_571 : vector<16xi32>
            %swap3A_573 = arith.index_cast %mul3A_488 : i32 to index
            %swap3A_574 = tpu.vector_load %arg11[%swap3A_573] {strides = array<i32>} : memref<2048xi32, #tpu.memory_space<vmem>>, vector<16xi32>,
            tpu.vector_store %arg11[%swap3A_573], %add3A_572 {strides = array<i32>} : memref<2048xi32, #tpu.memory_space<vmem>>, vector<16xi32>,
            %add3A_575 = arith.constant 128 : i32
            %add3A_576 = vector.broadcast %add3A_575 : i32 to vector<16xi32>
            %add3A_577 = arith.addi %add3A_565, %add3A_576 : vector<16xi32>
            %swap3A_578 = arith.index_cast %mul3A_488 : i32 to index
            %swap3A_579 = tpu.vector_load %arg12[%swap3A_578] {strides = array<i32>} : memref<2048xi32, #tpu.memory_space<vmem>>, vector<16xi32>,
            tpu.vector_store %arg12[%swap3A_578], %add3A_577 {strides = array<i32>} : memref<2048xi32, #tpu.memory_space<vmem>>, vector<16xi32>,
            %add3A_580 = arith.constant 16512 : i32
            %add3A_581 = vector.broadcast %add3A_580 : i32 to vector<16xi32>
            %add3A_582 = arith.addi %add3A_565, %add3A_581 : vector<16xi32>
            %swap3A_583 = arith.index_cast %mul3A_488 : i32 to index
            %swap3A_584 = tpu.vector_load %arg13[%swap3A_583] {strides = array<i32>} : memref<2048xi32, #tpu.memory_space<vmem>>, vector<16xi32>,
            tpu.vector_store %arg13[%swap3A_583], %add3A_582 {strides = array<i32>} : memref<2048xi32, #tpu.memory_space<vmem>>, vector<16xi32>,
            %add3A_585 = arith.constant 1 : i32
            %add3A_586 = vector.broadcast %add3A_585 : i32 to vector<16xi32>
            %add3A_587 = arith.addi %add3A_565, %add3A_586 : vector<16xi32>
            %swap3A_588 = arith.index_cast %mul3A_488 : i32 to index
            %swap3A_589 = tpu.vector_load %arg14[%swap3A_588] {strides = array<i32>} : memref<2048xi32, #tpu.memory_space<vmem>>, vector<16xi32>,
            tpu.vector_store %arg14[%swap3A_588], %add3A_587 {strides = array<i32>} : memref<2048xi32, #tpu.memory_space<vmem>>, vector<16xi32>,
            %add3A_590 = arith.constant 16385 : i32
            %add3A_591 = vector.broadcast %add3A_590 : i32 to vector<16xi32>
            %add3A_592 = arith.addi %add3A_565, %add3A_591 : vector<16xi32>
            %swap3A_593 = arith.index_cast %mul3A_488 : i32 to index
            %swap3A_594 = tpu.vector_load %arg15[%swap3A_593] {strides = array<i32>} : memref<2048xi32, #tpu.memory_space<vmem>>, vector<16xi32>,
            tpu.vector_store %arg15[%swap3A_593], %add3A_592 {strides = array<i32>} : memref<2048xi32, #tpu.memory_space<vmem>>, vector<16xi32>,
            %add3A_595 = arith.constant 129 : i32
            %add3A_596 = vector.broadcast %add3A_595 : i32 to vector<16xi32>
            %add3A_597 = arith.addi %add3A_565, %add3A_596 : vector<16xi32>
            %swap3A_598 = arith.index_cast %mul3A_488 : i32 to index
            %swap3A_599 = tpu.vector_load %arg16[%swap3A_598] {strides = array<i32>} : memref<2048xi32, #tpu.memory_space<vmem>>, vector<16xi32>,
            tpu.vector_store %arg16[%swap3A_598], %add3A_597 {strides = array<i32>} : memref<2048xi32, #tpu.memory_space<vmem>>, vector<16xi32>,
            %add3A_600 = arith.constant 16513 : i32
            %add3A_601 = vector.broadcast %add3A_600 : i32 to vector<16xi32>
            %add3A_602 = arith.addi %add3A_565, %add3A_601 : vector<16xi32>
            %swap3A_603 = arith.index_cast %mul3A_488 : i32 to index
            %swap3A_604 = tpu.vector_load %arg17[%swap3A_603] {strides = array<i32>} : memref<2048xi32, #tpu.memory_space<vmem>>, vector<16xi32>,
            tpu.vector_store %arg17[%swap3A_603], %add3A_602 {strides = array<i32>} : memref<2048xi32, #tpu.memory_space<vmem>>, vector<16xi32>,
            %swap3A_605 = arith.index_cast %mul3A_488 : i32 to index
            %swap3A_606 = tpu.vector_load %arg26[%swap3A_605] {strides = array<i32>} : memref<2048xf32, #tpu.memory_space<vmem>>, vector<16xf32>,
            tpu.vector_store %arg26[%swap3A_605], %sub3A_499 {strides = array<i32>} : memref<2048xf32, #tpu.memory_space<vmem>>, vector<16xf32>,
            %swap3A_607 = arith.index_cast %mul3A_488 : i32 to index
            %swap3A_608 = tpu.vector_load %arg27[%swap3A_607] {strides = array<i32>} : memref<2048xf32, #tpu.memory_space<vmem>>, vector<16xf32>,
            tpu.vector_store %arg27[%swap3A_607], %sub3A_507 {strides = array<i32>} : memref<2048xf32, #tpu.memory_space<vmem>>, vector<16xf32>,
            %swap3A_609 = arith.index_cast %mul3A_488 : i32 to index
            %swap3A_610 = tpu.vector_load %arg28[%swap3A_609] {strides = array<i32>} : memref<2048xf32, #tpu.memory_space<vmem>>, vector<16xf32>,
            tpu.vector_store %arg28[%swap3A_609], %sub3A_521 {strides = array<i32>} : memref<2048xf32, #tpu.memory_space<vmem>>, vector<16xf32>,
            %swap3A_611 = arith.index_cast %mul3A_488 : i32 to index
            %swap3A_612 = tpu.vector_load %arg29[%swap3A_611] {strides = array<i32>} : memref<2048xf32, #tpu.memory_space<vmem>>, vector<16xf32>,
            tpu.vector_store %arg29[%swap3A_611], %sub3A_531 {strides = array<i32>} : memref<2048xf32, #tpu.memory_space<vmem>>, vector<16xf32>,
            %swap3A_613 = arith.index_cast %mul3A_488 : i32 to index
            %swap3A_614 = tpu.vector_load %arg30[%swap3A_613] {strides = array<i32>} : memref<2048xf32, #tpu.memory_space<vmem>>, vector<16xf32>,
            tpu.vector_store %arg30[%swap3A_613], %sub3A_545 {strides = array<i32>} : memref<2048xf32, #tpu.memory_space<vmem>>, vector<16xf32>,
            %swap3A_615 = arith.index_cast %mul3A_488 : i32 to index
            %swap3A_616 = tpu.vector_load %arg31[%swap3A_615] {strides = array<i32>} : memref<2048xf32, #tpu.memory_space<vmem>>, vector<16xf32>,
            tpu.vector_store %arg31[%swap3A_615], %sub3A_555 {strides = array<i32>} : memref<2048xf32, #tpu.memory_space<vmem>>, vector<16xf32>,
          }
          %scan3A_293 = arith.constant 128 : i32
          %dma_start3A_294 = arith.constant 0 : i32
          %dma_start3A_295 = tpu.memref_slice %arg18[%dma_start3A_294] : memref<2048xf32, #tpu.memory_space<vmem>> -> memref<512xf32, #tpu.memory_space<vmem>>
          %dma_start3A_296 = arith.constant 0 : i32
          %dma_start3A_297 = tpu.memref_slice %arg10[%dma_start3A_296] : memref<2048xi32, #tpu.memory_space<vmem>> -> memref<512xi32, #tpu.memory_space<vmem>>
          %dma_start3A_298 = arith.constant 0 : i32
          %dma_start3A_299 = tpu.memref_slice %arg2[%dma_start3A_298] : memref<8388608xf32, #tpu.memory_space<hbm>> -> memref<8388608xf32, #tpu.memory_space<hbm>>
          tpu.enqueue_indirect_dma source(%dma_start3A_299 : memref<8388608xf32, #tpu.memory_space<hbm>>) target(%dma_start3A_295 : memref<512xf32, #tpu.memory_space<vmem>>) offsets(%dma_start3A_297 : memref<512xi32, #tpu.memory_space<vmem>>) semaphore(%arg33 : memref<!tpu.dma_semaphore, #tpu.memory_space<semaphore_mem>>)
          %dma_start3A_300 = arith.constant 512 : i32
          %dma_start3A_301 = tpu.memref_slice %arg18[%dma_start3A_300] : memref<2048xf32, #tpu.memory_space<vmem>> -> memref<512xf32, #tpu.memory_space<vmem>>
          %dma_start3A_302 = arith.constant 512 : i32
          %dma_start3A_303 = tpu.memref_slice %arg10[%dma_start3A_302] : memref<2048xi32, #tpu.memory_space<vmem>> -> memref<512xi32, #tpu.memory_space<vmem>>
          %dma_start3A_304 = arith.constant 0 : i32
          %dma_start3A_305 = tpu.memref_slice %arg2[%dma_start3A_304] : memref<8388608xf32, #tpu.memory_space<hbm>> -> memref<8388608xf32, #tpu.memory_space<hbm>>
          tpu.enqueue_indirect_dma source(%dma_start3A_305 : memref<8388608xf32, #tpu.memory_space<hbm>>) target(%dma_start3A_301 : memref<512xf32, #tpu.memory_space<vmem>>) offsets(%dma_start3A_303 : memref<512xi32, #tpu.memory_space<vmem>>) semaphore(%arg33 : memref<!tpu.dma_semaphore, #tpu.memory_space<semaphore_mem>>)
          %dma_start3A_306 = arith.constant 1024 : i32
          %dma_start3A_307 = tpu.memref_slice %arg18[%dma_start3A_306] : memref<2048xf32, #tpu.memory_space<vmem>> -> memref<512xf32, #tpu.memory_space<vmem>>
          %dma_start3A_308 = arith.constant 1024 : i32
          %dma_start3A_309 = tpu.memref_slice %arg10[%dma_start3A_308] : memref<2048xi32, #tpu.memory_space<vmem>> -> memref<512xi32, #tpu.memory_space<vmem>>
          %dma_start3A_310 = arith.constant 0 : i32
          %dma_start3A_311 = tpu.memref_slice %arg2[%dma_start3A_310] : memref<8388608xf32, #tpu.memory_space<hbm>> -> memref<8388608xf32, #tpu.memory_space<hbm>>
          tpu.enqueue_indirect_dma source(%dma_start3A_311 : memref<8388608xf32, #tpu.memory_space<hbm>>) target(%dma_start3A_307 : memref<512xf32, #tpu.memory_space<vmem>>) offsets(%dma_start3A_309 : memref<512xi32, #tpu.memory_space<vmem>>) semaphore(%arg33 : memref<!tpu.dma_semaphore, #tpu.memory_space<semaphore_mem>>)
          %dma_start3A_312 = arith.constant 1536 : i32
          %dma_start3A_313 = tpu.memref_slice %arg18[%dma_start3A_312] : memref<2048xf32, #tpu.memory_space<vmem>> -> memref<512xf32, #tpu.memory_space<vmem>>
          %dma_start3A_314 = arith.constant 1536 : i32
          %dma_start3A_315 = tpu.memref_slice %arg10[%dma_start3A_314] : memref<2048xi32, #tpu.memory_space<vmem>> -> memref<512xi32, #tpu.memory_space<vmem>>
          %dma_start3A_316 = arith.constant 0 : i32
          %dma_start3A_317 = tpu.memref_slice %arg2[%dma_start3A_316] : memref<8388608xf32, #tpu.memory_space<hbm>> -> memref<8388608xf32, #tpu.memory_space<hbm>>
          tpu.enqueue_indirect_dma source(%dma_start3A_317 : memref<8388608xf32, #tpu.memory_space<hbm>>) target(%dma_start3A_313 : memref<512xf32, #tpu.memory_space<vmem>>) offsets(%dma_start3A_315 : memref<512xi32, #tpu.memory_space<vmem>>) semaphore(%arg33 : memref<!tpu.dma_semaphore, #tpu.memory_space<semaphore_mem>>)
          %dma_start3A_318 = arith.constant 0 : i32
          %dma_start3A_319 = tpu.memref_slice %arg19[%dma_start3A_318] : memref<2048xf32, #tpu.memory_space<vmem>> -> memref<512xf32, #tpu.memory_space<vmem>>
          %dma_start3A_320 = arith.constant 0 : i32
          %dma_start3A_321 = tpu.memref_slice %arg11[%dma_start3A_320] : memref<2048xi32, #tpu.memory_space<vmem>> -> memref<512xi32, #tpu.memory_space<vmem>>
          %dma_start3A_322 = arith.constant 0 : i32
          %dma_start3A_323 = tpu.memref_slice %arg2[%dma_start3A_322] : memref<8388608xf32, #tpu.memory_space<hbm>> -> memref<8388608xf32, #tpu.memory_space<hbm>>
          tpu.enqueue_indirect_dma source(%dma_start3A_323 : memref<8388608xf32, #tpu.memory_space<hbm>>) target(%dma_start3A_319 : memref<512xf32, #tpu.memory_space<vmem>>) offsets(%dma_start3A_321 : memref<512xi32, #tpu.memory_space<vmem>>) semaphore(%arg33 : memref<!tpu.dma_semaphore, #tpu.memory_space<semaphore_mem>>)
          %dma_start3A_324 = arith.constant 512 : i32
          %dma_start3A_325 = tpu.memref_slice %arg19[%dma_start3A_324] : memref<2048xf32, #tpu.memory_space<vmem>> -> memref<512xf32, #tpu.memory_space<vmem>>
          %dma_start3A_326 = arith.constant 512 : i32
          %dma_start3A_327 = tpu.memref_slice %arg11[%dma_start3A_326] : memref<2048xi32, #tpu.memory_space<vmem>> -> memref<512xi32, #tpu.memory_space<vmem>>
          %dma_start3A_328 = arith.constant 0 : i32
          %dma_start3A_329 = tpu.memref_slice %arg2[%dma_start3A_328] : memref<8388608xf32, #tpu.memory_space<hbm>> -> memref<8388608xf32, #tpu.memory_space<hbm>>
          tpu.enqueue_indirect_dma source(%dma_start3A_329 : memref<8388608xf32, #tpu.memory_space<hbm>>) target(%dma_start3A_325 : memref<512xf32, #tpu.memory_space<vmem>>) offsets(%dma_start3A_327 : memref<512xi32, #tpu.memory_space<vmem>>) semaphore(%arg33 : memref<!tpu.dma_semaphore, #tpu.memory_space<semaphore_mem>>)
          %dma_start3A_330 = arith.constant 1024 : i32
          %dma_start3A_331 = tpu.memref_slice %arg19[%dma_start3A_330] : memref<2048xf32, #tpu.memory_space<vmem>> -> memref<512xf32, #tpu.memory_space<vmem>>
          %dma_start3A_332 = arith.constant 1024 : i32
          %dma_start3A_333 = tpu.memref_slice %arg11[%dma_start3A_332] : memref<2048xi32, #tpu.memory_space<vmem>> -> memref<512xi32, #tpu.memory_space<vmem>>
          %dma_start3A_334 = arith.constant 0 : i32
          %dma_start3A_335 = tpu.memref_slice %arg2[%dma_start3A_334] : memref<8388608xf32, #tpu.memory_space<hbm>> -> memref<8388608xf32, #tpu.memory_space<hbm>>
          tpu.enqueue_indirect_dma source(%dma_start3A_335 : memref<8388608xf32, #tpu.memory_space<hbm>>) target(%dma_start3A_331 : memref<512xf32, #tpu.memory_space<vmem>>) offsets(%dma_start3A_333 : memref<512xi32, #tpu.memory_space<vmem>>) semaphore(%arg33 : memref<!tpu.dma_semaphore, #tpu.memory_space<semaphore_mem>>)
          %dma_start3A_336 = arith.constant 1536 : i32
          %dma_start3A_337 = tpu.memref_slice %arg19[%dma_start3A_336] : memref<2048xf32, #tpu.memory_space<vmem>> -> memref<512xf32, #tpu.memory_space<vmem>>
          %dma_start3A_338 = arith.constant 1536 : i32
          %dma_start3A_339 = tpu.memref_slice %arg11[%dma_start3A_338] : memref<2048xi32, #tpu.memory_space<vmem>> -> memref<512xi32, #tpu.memory_space<vmem>>
          %dma_start3A_340 = arith.constant 0 : i32
          %dma_start3A_341 = tpu.memref_slice %arg2[%dma_start3A_340] : memref<8388608xf32, #tpu.memory_space<hbm>> -> memref<8388608xf32, #tpu.memory_space<hbm>>
          tpu.enqueue_indirect_dma source(%dma_start3A_341 : memref<8388608xf32, #tpu.memory_space<hbm>>) target(%dma_start3A_337 : memref<512xf32, #tpu.memory_space<vmem>>) offsets(%dma_start3A_339 : memref<512xi32, #tpu.memory_space<vmem>>) semaphore(%arg33 : memref<!tpu.dma_semaphore, #tpu.memory_space<semaphore_mem>>)
          %dma_start3A_342 = arith.constant 0 : i32
          %dma_start3A_343 = tpu.memref_slice %arg20[%dma_start3A_342] : memref<2048xf32, #tpu.memory_space<vmem>> -> memref<512xf32, #tpu.memory_space<vmem>>
          %dma_start3A_344 = arith.constant 0 : i32
          %dma_start3A_345 = tpu.memref_slice %arg12[%dma_start3A_344] : memref<2048xi32, #tpu.memory_space<vmem>> -> memref<512xi32, #tpu.memory_space<vmem>>
          %dma_start3A_346 = arith.constant 0 : i32
          %dma_start3A_347 = tpu.memref_slice %arg2[%dma_start3A_346] : memref<8388608xf32, #tpu.memory_space<hbm>> -> memref<8388608xf32, #tpu.memory_space<hbm>>
          tpu.enqueue_indirect_dma source(%dma_start3A_347 : memref<8388608xf32, #tpu.memory_space<hbm>>) target(%dma_start3A_343 : memref<512xf32, #tpu.memory_space<vmem>>) offsets(%dma_start3A_345 : memref<512xi32, #tpu.memory_space<vmem>>) semaphore(%arg33 : memref<!tpu.dma_semaphore, #tpu.memory_space<semaphore_mem>>)
          %dma_start3A_348 = arith.constant 512 : i32
          %dma_start3A_349 = tpu.memref_slice %arg20[%dma_start3A_348] : memref<2048xf32, #tpu.memory_space<vmem>> -> memref<512xf32, #tpu.memory_space<vmem>>
          %dma_start3A_350 = arith.constant 512 : i32
          %dma_start3A_351 = tpu.memref_slice %arg12[%dma_start3A_350] : memref<2048xi32, #tpu.memory_space<vmem>> -> memref<512xi32, #tpu.memory_space<vmem>>
          %dma_start3A_352 = arith.constant 0 : i32
          %dma_start3A_353 = tpu.memref_slice %arg2[%dma_start3A_352] : memref<8388608xf32, #tpu.memory_space<hbm>> -> memref<8388608xf32, #tpu.memory_space<hbm>>
          tpu.enqueue_indirect_dma source(%dma_start3A_353 : memref<8388608xf32, #tpu.memory_space<hbm>>) target(%dma_start3A_349 : memref<512xf32, #tpu.memory_space<vmem>>) offsets(%dma_start3A_351 : memref<512xi32, #tpu.memory_space<vmem>>) semaphore(%arg33 : memref<!tpu.dma_semaphore, #tpu.memory_space<semaphore_mem>>)
          %dma_start3A_354 = arith.constant 1024 : i32
          %dma_start3A_355 = tpu.memref_slice %arg20[%dma_start3A_354] : memref<2048xf32, #tpu.memory_space<vmem>> -> memref<512xf32, #tpu.memory_space<vmem>>
          %dma_start3A_356 = arith.constant 1024 : i32
          %dma_start3A_357 = tpu.memref_slice %arg12[%dma_start3A_356] : memref<2048xi32, #tpu.memory_space<vmem>> -> memref<512xi32, #tpu.memory_space<vmem>>
          %dma_start3A_358 = arith.constant 0 : i32
          %dma_start3A_359 = tpu.memref_slice %arg2[%dma_start3A_358] : memref<8388608xf32, #tpu.memory_space<hbm>> -> memref<8388608xf32, #tpu.memory_space<hbm>>
          tpu.enqueue_indirect_dma source(%dma_start3A_359 : memref<8388608xf32, #tpu.memory_space<hbm>>) target(%dma_start3A_355 : memref<512xf32, #tpu.memory_space<vmem>>) offsets(%dma_start3A_357 : memref<512xi32, #tpu.memory_space<vmem>>) semaphore(%arg33 : memref<!tpu.dma_semaphore, #tpu.memory_space<semaphore_mem>>)
          %dma_start3A_360 = arith.constant 1536 : i32
          %dma_start3A_361 = tpu.memref_slice %arg20[%dma_start3A_360] : memref<2048xf32, #tpu.memory_space<vmem>> -> memref<512xf32, #tpu.memory_space<vmem>>
          %dma_start3A_362 = arith.constant 1536 : i32
          %dma_start3A_363 = tpu.memref_slice %arg12[%dma_start3A_362] : memref<2048xi32, #tpu.memory_space<vmem>> -> memref<512xi32, #tpu.memory_space<vmem>>
          %dma_start3A_364 = arith.constant 0 : i32
          %dma_start3A_365 = tpu.memref_slice %arg2[%dma_start3A_364] : memref<8388608xf32, #tpu.memory_space<hbm>> -> memref<8388608xf32, #tpu.memory_space<hbm>>
          tpu.enqueue_indirect_dma source(%dma_start3A_365 : memref<8388608xf32, #tpu.memory_space<hbm>>) target(%dma_start3A_361 : memref<512xf32, #tpu.memory_space<vmem>>) offsets(%dma_start3A_363 : memref<512xi32, #tpu.memory_space<vmem>>) semaphore(%arg33 : memref<!tpu.dma_semaphore, #tpu.memory_space<semaphore_mem>>)
          %dma_start3A_366 = arith.constant 0 : i32
          %dma_start3A_367 = tpu.memref_slice %arg21[%dma_start3A_366] : memref<2048xf32, #tpu.memory_space<vmem>> -> memref<512xf32, #tpu.memory_space<vmem>>
          %dma_start3A_368 = arith.constant 0 : i32
          %dma_start3A_369 = tpu.memref_slice %arg13[%dma_start3A_368] : memref<2048xi32, #tpu.memory_space<vmem>> -> memref<512xi32, #tpu.memory_space<vmem>>
          %dma_start3A_370 = arith.constant 0 : i32
          %dma_start3A_371 = tpu.memref_slice %arg2[%dma_start3A_370] : memref<8388608xf32, #tpu.memory_space<hbm>> -> memref<8388608xf32, #tpu.memory_space<hbm>>
          tpu.enqueue_indirect_dma source(%dma_start3A_371 : memref<8388608xf32, #tpu.memory_space<hbm>>) target(%dma_start3A_367 : memref<512xf32, #tpu.memory_space<vmem>>) offsets(%dma_start3A_369 : memref<512xi32, #tpu.memory_space<vmem>>) semaphore(%arg33 : memref<!tpu.dma_semaphore, #tpu.memory_space<semaphore_mem>>)
          %dma_start3A_372 = arith.constant 512 : i32
          %dma_start3A_373 = tpu.memref_slice %arg21[%dma_start3A_372] : memref<2048xf32, #tpu.memory_space<vmem>> -> memref<512xf32, #tpu.memory_space<vmem>>
          %dma_start3A_374 = arith.constant 512 : i32
          %dma_start3A_375 = tpu.memref_slice %arg13[%dma_start3A_374] : memref<2048xi32, #tpu.memory_space<vmem>> -> memref<512xi32, #tpu.memory_space<vmem>>
          %dma_start3A_376 = arith.constant 0 : i32
          %dma_start3A_377 = tpu.memref_slice %arg2[%dma_start3A_376] : memref<8388608xf32, #tpu.memory_space<hbm>> -> memref<8388608xf32, #tpu.memory_space<hbm>>
          tpu.enqueue_indirect_dma source(%dma_start3A_377 : memref<8388608xf32, #tpu.memory_space<hbm>>) target(%dma_start3A_373 : memref<512xf32, #tpu.memory_space<vmem>>) offsets(%dma_start3A_375 : memref<512xi32, #tpu.memory_space<vmem>>) semaphore(%arg33 : memref<!tpu.dma_semaphore, #tpu.memory_space<semaphore_mem>>)
          %dma_start3A_378 = arith.constant 1024 : i32
          %dma_start3A_379 = tpu.memref_slice %arg21[%dma_start3A_378] : memref<2048xf32, #tpu.memory_space<vmem>> -> memref<512xf32, #tpu.memory_space<vmem>>
          %dma_start3A_380 = arith.constant 1024 : i32
          %dma_start3A_381 = tpu.memref_slice %arg13[%dma_start3A_380] : memref<2048xi32, #tpu.memory_space<vmem>> -> memref<512xi32, #tpu.memory_space<vmem>>
          %dma_start3A_382 = arith.constant 0 : i32
          %dma_start3A_383 = tpu.memref_slice %arg2[%dma_start3A_382] : memref<8388608xf32, #tpu.memory_space<hbm>> -> memref<8388608xf32, #tpu.memory_space<hbm>>
          tpu.enqueue_indirect_dma source(%dma_start3A_383 : memref<8388608xf32, #tpu.memory_space<hbm>>) target(%dma_start3A_379 : memref<512xf32, #tpu.memory_space<vmem>>) offsets(%dma_start3A_381 : memref<512xi32, #tpu.memory_space<vmem>>) semaphore(%arg33 : memref<!tpu.dma_semaphore, #tpu.memory_space<semaphore_mem>>)
          %dma_start3A_384 = arith.constant 1536 : i32
          %dma_start3A_385 = tpu.memref_slice %arg21[%dma_start3A_384] : memref<2048xf32, #tpu.memory_space<vmem>> -> memref<512xf32, #tpu.memory_space<vmem>>
          %dma_start3A_386 = arith.constant 1536 : i32
          %dma_start3A_387 = tpu.memref_slice %arg13[%dma_start3A_386] : memref<2048xi32, #tpu.memory_space<vmem>> -> memref<512xi32, #tpu.memory_space<vmem>>
          %dma_start3A_388 = arith.constant 0 : i32
          %dma_start3A_389 = tpu.memref_slice %arg2[%dma_start3A_388] : memref<8388608xf32, #tpu.memory_space<hbm>> -> memref<8388608xf32, #tpu.memory_space<hbm>>
          tpu.enqueue_indirect_dma source(%dma_start3A_389 : memref<8388608xf32, #tpu.memory_space<hbm>>) target(%dma_start3A_385 : memref<512xf32, #tpu.memory_space<vmem>>) offsets(%dma_start3A_387 : memref<512xi32, #tpu.memory_space<vmem>>) semaphore(%arg33 : memref<!tpu.dma_semaphore, #tpu.memory_space<semaphore_mem>>)
          %dma_start3A_390 = arith.constant 0 : i32
          %dma_start3A_391 = tpu.memref_slice %arg22[%dma_start3A_390] : memref<2048xf32, #tpu.memory_space<vmem>> -> memref<512xf32, #tpu.memory_space<vmem>>
          %dma_start3A_392 = arith.constant 0 : i32
          %dma_start3A_393 = tpu.memref_slice %arg14[%dma_start3A_392] : memref<2048xi32, #tpu.memory_space<vmem>> -> memref<512xi32, #tpu.memory_space<vmem>>
          %dma_start3A_394 = arith.constant 0 : i32
          %dma_start3A_395 = tpu.memref_slice %arg2[%dma_start3A_394] : memref<8388608xf32, #tpu.memory_space<hbm>> -> memref<8388608xf32, #tpu.memory_space<hbm>>
          tpu.enqueue_indirect_dma source(%dma_start3A_395 : memref<8388608xf32, #tpu.memory_space<hbm>>) target(%dma_start3A_391 : memref<512xf32, #tpu.memory_space<vmem>>) offsets(%dma_start3A_393 : memref<512xi32, #tpu.memory_space<vmem>>) semaphore(%arg33 : memref<!tpu.dma_semaphore, #tpu.memory_space<semaphore_mem>>)
          %dma_start3A_396 = arith.constant 512 : i32
          %dma_start3A_397 = tpu.memref_slice %arg22[%dma_start3A_396] : memref<2048xf32, #tpu.memory_space<vmem>> -> memref<512xf32, #tpu.memory_space<vmem>>
          %dma_start3A_398 = arith.constant 512 : i32
          %dma_start3A_399 = tpu.memref_slice %arg14[%dma_start3A_398] : memref<2048xi32, #tpu.memory_space<vmem>> -> memref<512xi32, #tpu.memory_space<vmem>>
          %dma_start3A_400 = arith.constant 0 : i32
          %dma_start3A_401 = tpu.memref_slice %arg2[%dma_start3A_400] : memref<8388608xf32, #tpu.memory_space<hbm>> -> memref<8388608xf32, #tpu.memory_space<hbm>>
          tpu.enqueue_indirect_dma source(%dma_start3A_401 : memref<8388608xf32, #tpu.memory_space<hbm>>) target(%dma_start3A_397 : memref<512xf32, #tpu.memory_space<vmem>>) offsets(%dma_start3A_399 : memref<512xi32, #tpu.memory_space<vmem>>) semaphore(%arg33 : memref<!tpu.dma_semaphore, #tpu.memory_space<semaphore_mem>>)
          %dma_start3A_402 = arith.constant 1024 : i32
          %dma_start3A_403 = tpu.memref_slice %arg22[%dma_start3A_402] : memref<2048xf32, #tpu.memory_space<vmem>> -> memref<512xf32, #tpu.memory_space<vmem>>
          %dma_start3A_404 = arith.constant 1024 : i32
          %dma_start3A_405 = tpu.memref_slice %arg14[%dma_start3A_404] : memref<2048xi32, #tpu.memory_space<vmem>> -> memref<512xi32, #tpu.memory_space<vmem>>
          %dma_start3A_406 = arith.constant 0 : i32
          %dma_start3A_407 = tpu.memref_slice %arg2[%dma_start3A_406] : memref<8388608xf32, #tpu.memory_space<hbm>> -> memref<8388608xf32, #tpu.memory_space<hbm>>
          tpu.enqueue_indirect_dma source(%dma_start3A_407 : memref<8388608xf32, #tpu.memory_space<hbm>>) target(%dma_start3A_403 : memref<512xf32, #tpu.memory_space<vmem>>) offsets(%dma_start3A_405 : memref<512xi32, #tpu.memory_space<vmem>>) semaphore(%arg33 : memref<!tpu.dma_semaphore, #tpu.memory_space<semaphore_mem>>)
          %dma_start3A_408 = arith.constant 1536 : i32
          %dma_start3A_409 = tpu.memref_slice %arg22[%dma_start3A_408] : memref<2048xf32, #tpu.memory_space<vmem>> -> memref<512xf32, #tpu.memory_space<vmem>>
          %dma_start3A_410 = arith.constant 1536 : i32
          %dma_start3A_411 = tpu.memref_slice %arg14[%dma_start3A_410] : memref<2048xi32, #tpu.memory_space<vmem>> -> memref<512xi32, #tpu.memory_space<vmem>>
          %dma_start3A_412 = arith.constant 0 : i32
          %dma_start3A_413 = tpu.memref_slice %arg2[%dma_start3A_412] : memref<8388608xf32, #tpu.memory_space<hbm>> -> memref<8388608xf32, #tpu.memory_space<hbm>>
          tpu.enqueue_indirect_dma source(%dma_start3A_413 : memref<8388608xf32, #tpu.memory_space<hbm>>) target(%dma_start3A_409 : memref<512xf32, #tpu.memory_space<vmem>>) offsets(%dma_start3A_411 : memref<512xi32, #tpu.memory_space<vmem>>) semaphore(%arg33 : memref<!tpu.dma_semaphore, #tpu.memory_space<semaphore_mem>>)
          %dma_start3A_414 = arith.constant 0 : i32
          %dma_start3A_415 = tpu.memref_slice %arg23[%dma_start3A_414] : memref<2048xf32, #tpu.memory_space<vmem>> -> memref<512xf32, #tpu.memory_space<vmem>>
          %dma_start3A_416 = arith.constant 0 : i32
          %dma_start3A_417 = tpu.memref_slice %arg15[%dma_start3A_416] : memref<2048xi32, #tpu.memory_space<vmem>> -> memref<512xi32, #tpu.memory_space<vmem>>
          %dma_start3A_418 = arith.constant 0 : i32
          %dma_start3A_419 = tpu.memref_slice %arg2[%dma_start3A_418] : memref<8388608xf32, #tpu.memory_space<hbm>> -> memref<8388608xf32, #tpu.memory_space<hbm>>
          tpu.enqueue_indirect_dma source(%dma_start3A_419 : memref<8388608xf32, #tpu.memory_space<hbm>>) target(%dma_start3A_415 : memref<512xf32, #tpu.memory_space<vmem>>) offsets(%dma_start3A_417 : memref<512xi32, #tpu.memory_space<vmem>>) semaphore(%arg33 : memref<!tpu.dma_semaphore, #tpu.memory_space<semaphore_mem>>)
          %dma_start3A_420 = arith.constant 512 : i32
          %dma_start3A_421 = tpu.memref_slice %arg23[%dma_start3A_420] : memref<2048xf32, #tpu.memory_space<vmem>> -> memref<512xf32, #tpu.memory_space<vmem>>
          %dma_start3A_422 = arith.constant 512 : i32
          %dma_start3A_423 = tpu.memref_slice %arg15[%dma_start3A_422] : memref<2048xi32, #tpu.memory_space<vmem>> -> memref<512xi32, #tpu.memory_space<vmem>>
          %dma_start3A_424 = arith.constant 0 : i32
          %dma_start3A_425 = tpu.memref_slice %arg2[%dma_start3A_424] : memref<8388608xf32, #tpu.memory_space<hbm>> -> memref<8388608xf32, #tpu.memory_space<hbm>>
          tpu.enqueue_indirect_dma source(%dma_start3A_425 : memref<8388608xf32, #tpu.memory_space<hbm>>) target(%dma_start3A_421 : memref<512xf32, #tpu.memory_space<vmem>>) offsets(%dma_start3A_423 : memref<512xi32, #tpu.memory_space<vmem>>) semaphore(%arg33 : memref<!tpu.dma_semaphore, #tpu.memory_space<semaphore_mem>>)
          %dma_start3A_426 = arith.constant 1024 : i32
          %dma_start3A_427 = tpu.memref_slice %arg23[%dma_start3A_426] : memref<2048xf32, #tpu.memory_space<vmem>> -> memref<512xf32, #tpu.memory_space<vmem>>
          %dma_start3A_428 = arith.constant 1024 : i32
          %dma_start3A_429 = tpu.memref_slice %arg15[%dma_start3A_428] : memref<2048xi32, #tpu.memory_space<vmem>> -> memref<512xi32, #tpu.memory_space<vmem>>
          %dma_start3A_430 = arith.constant 0 : i32
          %dma_start3A_431 = tpu.memref_slice %arg2[%dma_start3A_430] : memref<8388608xf32, #tpu.memory_space<hbm>> -> memref<8388608xf32, #tpu.memory_space<hbm>>
          tpu.enqueue_indirect_dma source(%dma_start3A_431 : memref<8388608xf32, #tpu.memory_space<hbm>>) target(%dma_start3A_427 : memref<512xf32, #tpu.memory_space<vmem>>) offsets(%dma_start3A_429 : memref<512xi32, #tpu.memory_space<vmem>>) semaphore(%arg33 : memref<!tpu.dma_semaphore, #tpu.memory_space<semaphore_mem>>)
          %dma_start3A_432 = arith.constant 1536 : i32
          %dma_start3A_433 = tpu.memref_slice %arg23[%dma_start3A_432] : memref<2048xf32, #tpu.memory_space<vmem>> -> memref<512xf32, #tpu.memory_space<vmem>>
          %dma_start3A_434 = arith.constant 1536 : i32
          %dma_start3A_435 = tpu.memref_slice %arg15[%dma_start3A_434] : memref<2048xi32, #tpu.memory_space<vmem>> -> memref<512xi32, #tpu.memory_space<vmem>>
          %dma_start3A_436 = arith.constant 0 : i32
          %dma_start3A_437 = tpu.memref_slice %arg2[%dma_start3A_436] : memref<8388608xf32, #tpu.memory_space<hbm>> -> memref<8388608xf32, #tpu.memory_space<hbm>>
          tpu.enqueue_indirect_dma source(%dma_start3A_437 : memref<8388608xf32, #tpu.memory_space<hbm>>) target(%dma_start3A_433 : memref<512xf32, #tpu.memory_space<vmem>>) offsets(%dma_start3A_435 : memref<512xi32, #tpu.memory_space<vmem>>) semaphore(%arg33 : memref<!tpu.dma_semaphore, #tpu.memory_space<semaphore_mem>>)
          %dma_start3A_438 = arith.constant 0 : i32
          %dma_start3A_439 = tpu.memref_slice %arg24[%dma_start3A_438] : memref<2048xf32, #tpu.memory_space<vmem>> -> memref<512xf32, #tpu.memory_space<vmem>>
          %dma_start3A_440 = arith.constant 0 : i32
          %dma_start3A_441 = tpu.memref_slice %arg16[%dma_start3A_440] : memref<2048xi32, #tpu.memory_space<vmem>> -> memref<512xi32, #tpu.memory_space<vmem>>
          %dma_start3A_442 = arith.constant 0 : i32
          %dma_start3A_443 = tpu.memref_slice %arg2[%dma_start3A_442] : memref<8388608xf32, #tpu.memory_space<hbm>> -> memref<8388608xf32, #tpu.memory_space<hbm>>
          tpu.enqueue_indirect_dma source(%dma_start3A_443 : memref<8388608xf32, #tpu.memory_space<hbm>>) target(%dma_start3A_439 : memref<512xf32, #tpu.memory_space<vmem>>) offsets(%dma_start3A_441 : memref<512xi32, #tpu.memory_space<vmem>>) semaphore(%arg33 : memref<!tpu.dma_semaphore, #tpu.memory_space<semaphore_mem>>)
          %dma_start3A_444 = arith.constant 512 : i32
          %dma_start3A_445 = tpu.memref_slice %arg24[%dma_start3A_444] : memref<2048xf32, #tpu.memory_space<vmem>> -> memref<512xf32, #tpu.memory_space<vmem>>
          %dma_start3A_446 = arith.constant 512 : i32
          %dma_start3A_447 = tpu.memref_slice %arg16[%dma_start3A_446] : memref<2048xi32, #tpu.memory_space<vmem>> -> memref<512xi32, #tpu.memory_space<vmem>>
          %dma_start3A_448 = arith.constant 0 : i32
          %dma_start3A_449 = tpu.memref_slice %arg2[%dma_start3A_448] : memref<8388608xf32, #tpu.memory_space<hbm>> -> memref<8388608xf32, #tpu.memory_space<hbm>>
          tpu.enqueue_indirect_dma source(%dma_start3A_449 : memref<8388608xf32, #tpu.memory_space<hbm>>) target(%dma_start3A_445 : memref<512xf32, #tpu.memory_space<vmem>>) offsets(%dma_start3A_447 : memref<512xi32, #tpu.memory_space<vmem>>) semaphore(%arg33 : memref<!tpu.dma_semaphore, #tpu.memory_space<semaphore_mem>>)
          %dma_start3A_450 = arith.constant 1024 : i32
          %dma_start3A_451 = tpu.memref_slice %arg24[%dma_start3A_450] : memref<2048xf32, #tpu.memory_space<vmem>> -> memref<512xf32, #tpu.memory_space<vmem>>
          %dma_start3A_452 = arith.constant 1024 : i32
          %dma_start3A_453 = tpu.memref_slice %arg16[%dma_start3A_452] : memref<2048xi32, #tpu.memory_space<vmem>> -> memref<512xi32, #tpu.memory_space<vmem>>
          %dma_start3A_454 = arith.constant 0 : i32
          %dma_start3A_455 = tpu.memref_slice %arg2[%dma_start3A_454] : memref<8388608xf32, #tpu.memory_space<hbm>> -> memref<8388608xf32, #tpu.memory_space<hbm>>
          tpu.enqueue_indirect_dma source(%dma_start3A_455 : memref<8388608xf32, #tpu.memory_space<hbm>>) target(%dma_start3A_451 : memref<512xf32, #tpu.memory_space<vmem>>) offsets(%dma_start3A_453 : memref<512xi32, #tpu.memory_space<vmem>>) semaphore(%arg33 : memref<!tpu.dma_semaphore, #tpu.memory_space<semaphore_mem>>)
          %dma_start3A_456 = arith.constant 1536 : i32
          %dma_start3A_457 = tpu.memref_slice %arg24[%dma_start3A_456] : memref<2048xf32, #tpu.memory_space<vmem>> -> memref<512xf32, #tpu.memory_space<vmem>>
          %dma_start3A_458 = arith.constant 1536 : i32
          %dma_start3A_459 = tpu.memref_slice %arg16[%dma_start3A_458] : memref<2048xi32, #tpu.memory_space<vmem>> -> memref<512xi32, #tpu.memory_space<vmem>>
          %dma_start3A_460 = arith.constant 0 : i32
          %dma_start3A_461 = tpu.memref_slice %arg2[%dma_start3A_460] : memref<8388608xf32, #tpu.memory_space<hbm>> -> memref<8388608xf32, #tpu.memory_space<hbm>>
          tpu.enqueue_indirect_dma source(%dma_start3A_461 : memref<8388608xf32, #tpu.memory_space<hbm>>) target(%dma_start3A_457 : memref<512xf32, #tpu.memory_space<vmem>>) offsets(%dma_start3A_459 : memref<512xi32, #tpu.memory_space<vmem>>) semaphore(%arg33 : memref<!tpu.dma_semaphore, #tpu.memory_space<semaphore_mem>>)
          %dma_start3A_462 = arith.constant 0 : i32
          %dma_start3A_463 = tpu.memref_slice %arg25[%dma_start3A_462] : memref<2048xf32, #tpu.memory_space<vmem>> -> memref<512xf32, #tpu.memory_space<vmem>>
          %dma_start3A_464 = arith.constant 0 : i32
          %dma_start3A_465 = tpu.memref_slice %arg17[%dma_start3A_464] : memref<2048xi32, #tpu.memory_space<vmem>> -> memref<512xi32, #tpu.memory_space<vmem>>
          %dma_start3A_466 = arith.constant 0 : i32
          %dma_start3A_467 = tpu.memref_slice %arg2[%dma_start3A_466] : memref<8388608xf32, #tpu.memory_space<hbm>> -> memref<8388608xf32, #tpu.memory_space<hbm>>
          tpu.enqueue_indirect_dma source(%dma_start3A_467 : memref<8388608xf32, #tpu.memory_space<hbm>>) target(%dma_start3A_463 : memref<512xf32, #tpu.memory_space<vmem>>) offsets(%dma_start3A_465 : memref<512xi32, #tpu.memory_space<vmem>>) semaphore(%arg33 : memref<!tpu.dma_semaphore, #tpu.memory_space<semaphore_mem>>)
          %dma_start3A_468 = arith.constant 512 : i32
          %dma_start3A_469 = tpu.memref_slice %arg25[%dma_start3A_468] : memref<2048xf32, #tpu.memory_space<vmem>> -> memref<512xf32, #tpu.memory_space<vmem>>
          %dma_start3A_470 = arith.constant 512 : i32
          %dma_start3A_471 = tpu.memref_slice %arg17[%dma_start3A_470] : memref<2048xi32, #tpu.memory_space<vmem>> -> memref<512xi32, #tpu.memory_space<vmem>>
          %dma_start3A_472 = arith.constant 0 : i32
          %dma_start3A_473 = tpu.memref_slice %arg2[%dma_start3A_472] : memref<8388608xf32, #tpu.memory_space<hbm>> -> memref<8388608xf32, #tpu.memory_space<hbm>>
          tpu.enqueue_indirect_dma source(%dma_start3A_473 : memref<8388608xf32, #tpu.memory_space<hbm>>) target(%dma_start3A_469 : memref<512xf32, #tpu.memory_space<vmem>>) offsets(%dma_start3A_471 : memref<512xi32, #tpu.memory_space<vmem>>) semaphore(%arg33 : memref<!tpu.dma_semaphore, #tpu.memory_space<semaphore_mem>>)
          %dma_start3A_474 = arith.constant 1024 : i32
          %dma_start3A_475 = tpu.memref_slice %arg25[%dma_start3A_474] : memref<2048xf32, #tpu.memory_space<vmem>> -> memref<512xf32, #tpu.memory_space<vmem>>
          %dma_start3A_476 = arith.constant 1024 : i32
          %dma_start3A_477 = tpu.memref_slice %arg17[%dma_start3A_476] : memref<2048xi32, #tpu.memory_space<vmem>> -> memref<512xi32, #tpu.memory_space<vmem>>
          %dma_start3A_478 = arith.constant 0 : i32
          %dma_start3A_479 = tpu.memref_slice %arg2[%dma_start3A_478] : memref<8388608xf32, #tpu.memory_space<hbm>> -> memref<8388608xf32, #tpu.memory_space<hbm>>
          tpu.enqueue_indirect_dma source(%dma_start3A_479 : memref<8388608xf32, #tpu.memory_space<hbm>>) target(%dma_start3A_475 : memref<512xf32, #tpu.memory_space<vmem>>) offsets(%dma_start3A_477 : memref<512xi32, #tpu.memory_space<vmem>>) semaphore(%arg33 : memref<!tpu.dma_semaphore, #tpu.memory_space<semaphore_mem>>)
          %dma_start3A_480 = arith.constant 1536 : i32
          %dma_start3A_481 = tpu.memref_slice %arg25[%dma_start3A_480] : memref<2048xf32, #tpu.memory_space<vmem>> -> memref<512xf32, #tpu.memory_space<vmem>>
          %dma_start3A_482 = arith.constant 1536 : i32
          %dma_start3A_483 = tpu.memref_slice %arg17[%dma_start3A_482] : memref<2048xi32, #tpu.memory_space<vmem>> -> memref<512xi32, #tpu.memory_space<vmem>>
          %dma_start3A_484 = arith.constant 0 : i32
          %dma_start3A_485 = tpu.memref_slice %arg2[%dma_start3A_484] : memref<8388608xf32, #tpu.memory_space<hbm>> -> memref<8388608xf32, #tpu.memory_space<hbm>>
          tpu.enqueue_indirect_dma source(%dma_start3A_485 : memref<8388608xf32, #tpu.memory_space<hbm>>) target(%dma_start3A_481 : memref<512xf32, #tpu.memory_space<vmem>>) offsets(%dma_start3A_483 : memref<512xi32, #tpu.memory_space<vmem>>) semaphore(%arg33 : memref<!tpu.dma_semaphore, #tpu.memory_space<semaphore_mem>>)
        } else {
        }
        %mul3A_243 = arith.constant 2048 : i32
        %mul3A_244 = arith.muli %scan3A_225, %mul3A_243 : i32
        %add3A_245 = arith.addi %mul3A_2, %mul3A_244 : i32
        %dma_wait3A = arith.constant 0 : i32
        %dma_wait3A_246 = tpu.memref_slice %arg2[%dma_wait3A] : memref<8388608xf32, #tpu.memory_space<hbm>> -> memref<2048xf32, #tpu.memory_space<hbm>>
        %dma_wait3A_247 = arith.constant 0 : i32
        %dma_wait3A_248 = tpu.memref_slice %arg2[%dma_wait3A_247] : memref<8388608xf32, #tpu.memory_space<hbm>> -> memref<2048xf32, #tpu.memory_space<hbm>>
        tpu.wait_dma2 semaphore(%arg60 : memref<!tpu.dma_semaphore, #tpu.memory_space<semaphore_mem>>) src(%dma_wait3A_248 : memref<2048xf32, #tpu.memory_space<hbm>>) dst(%arg45 : memref<2048xf32, #tpu.memory_space<vmem>>)
        %dma_wait3A_249 = arith.constant 0 : i32
        %dma_wait3A_250 = tpu.memref_slice %arg2[%dma_wait3A_249] : memref<8388608xf32, #tpu.memory_space<hbm>> -> memref<2048xf32, #tpu.memory_space<hbm>>
        %dma_wait3A_251 = arith.constant 0 : i32
        %dma_wait3A_252 = tpu.memref_slice %arg2[%dma_wait3A_251] : memref<8388608xf32, #tpu.memory_space<hbm>> -> memref<2048xf32, #tpu.memory_space<hbm>>
        tpu.wait_dma2 semaphore(%arg60 : memref<!tpu.dma_semaphore, #tpu.memory_space<semaphore_mem>>) src(%dma_wait3A_252 : memref<2048xf32, #tpu.memory_space<hbm>>) dst(%arg46 : memref<2048xf32, #tpu.memory_space<vmem>>)
        %dma_wait3A_253 = arith.constant 0 : i32
        %dma_wait3A_254 = tpu.memref_slice %arg2[%dma_wait3A_253] : memref<8388608xf32, #tpu.memory_space<hbm>> -> memref<2048xf32, #tpu.memory_space<hbm>>
        %dma_wait3A_255 = arith.constant 0 : i32
        %dma_wait3A_256 = tpu.memref_slice %arg2[%dma_wait3A_255] : memref<8388608xf32, #tpu.memory_space<hbm>> -> memref<2048xf32, #tpu.memory_space<hbm>>
        tpu.wait_dma2 semaphore(%arg60 : memref<!tpu.dma_semaphore, #tpu.memory_space<semaphore_mem>>) src(%dma_wait3A_256 : memref<2048xf32, #tpu.memory_space<hbm>>) dst(%arg47 : memref<2048xf32, #tpu.memory_space<vmem>>)
        %dma_wait3A_257 = arith.constant 0 : i32
        %dma_wait3A_258 = tpu.memref_slice %arg2[%dma_wait3A_257] : memref<8388608xf32, #tpu.memory_space<hbm>> -> memref<2048xf32, #tpu.memory_space<hbm>>
        %dma_wait3A_259 = arith.constant 0 : i32
        %dma_wait3A_260 = tpu.memref_slice %arg2[%dma_wait3A_259] : memref<8388608xf32, #tpu.memory_space<hbm>> -> memref<2048xf32, #tpu.memory_space<hbm>>
        tpu.wait_dma2 semaphore(%arg60 : memref<!tpu.dma_semaphore, #tpu.memory_space<semaphore_mem>>) src(%dma_wait3A_260 : memref<2048xf32, #tpu.memory_space<hbm>>) dst(%arg48 : memref<2048xf32, #tpu.memory_space<vmem>>)
        %dma_wait3A_261 = arith.constant 0 : i32
        %dma_wait3A_262 = tpu.memref_slice %arg2[%dma_wait3A_261] : memref<8388608xf32, #tpu.memory_space<hbm>> -> memref<2048xf32, #tpu.memory_space<hbm>>
        %dma_wait3A_263 = arith.constant 0 : i32
        %dma_wait3A_264 = tpu.memref_slice %arg2[%dma_wait3A_263] : memref<8388608xf32, #tpu.memory_space<hbm>> -> memref<2048xf32, #tpu.memory_space<hbm>>
        tpu.wait_dma2 semaphore(%arg60 : memref<!tpu.dma_semaphore, #tpu.memory_space<semaphore_mem>>) src(%dma_wait3A_264 : memref<2048xf32, #tpu.memory_space<hbm>>) dst(%arg49 : memref<2048xf32, #tpu.memory_space<vmem>>)
        %dma_wait3A_265 = arith.constant 0 : i32
        %dma_wait3A_266 = tpu.memref_slice %arg2[%dma_wait3A_265] : memref<8388608xf32, #tpu.memory_space<hbm>> -> memref<2048xf32, #tpu.memory_space<hbm>>
        %dma_wait3A_267 = arith.constant 0 : i32
        %dma_wait3A_268 = tpu.memref_slice %arg2[%dma_wait3A_267] : memref<8388608xf32, #tpu.memory_space<hbm>> -> memref<2048xf32, #tpu.memory_space<hbm>>
        tpu.wait_dma2 semaphore(%arg60 : memref<!tpu.dma_semaphore, #tpu.memory_space<semaphore_mem>>) src(%dma_wait3A_268 : memref<2048xf32, #tpu.memory_space<hbm>>) dst(%arg50 : memref<2048xf32, #tpu.memory_space<vmem>>)
        %dma_wait3A_269 = arith.constant 0 : i32
        %dma_wait3A_270 = tpu.memref_slice %arg2[%dma_wait3A_269] : memref<8388608xf32, #tpu.memory_space<hbm>> -> memref<2048xf32, #tpu.memory_space<hbm>>
        %dma_wait3A_271 = arith.constant 0 : i32
        %dma_wait3A_272 = tpu.memref_slice %arg2[%dma_wait3A_271] : memref<8388608xf32, #tpu.memory_space<hbm>> -> memref<2048xf32, #tpu.memory_space<hbm>>
        tpu.wait_dma2 semaphore(%arg60 : memref<!tpu.dma_semaphore, #tpu.memory_space<semaphore_mem>>) src(%dma_wait3A_272 : memref<2048xf32, #tpu.memory_space<hbm>>) dst(%arg51 : memref<2048xf32, #tpu.memory_space<vmem>>)
        %dma_wait3A_273 = arith.constant 0 : i32
        %dma_wait3A_274 = tpu.memref_slice %arg2[%dma_wait3A_273] : memref<8388608xf32, #tpu.memory_space<hbm>> -> memref<2048xf32, #tpu.memory_space<hbm>>
        %dma_wait3A_275 = arith.constant 0 : i32
        %dma_wait3A_276 = tpu.memref_slice %arg2[%dma_wait3A_275] : memref<8388608xf32, #tpu.memory_space<hbm>> -> memref<2048xf32, #tpu.memory_space<hbm>>
        tpu.wait_dma2 semaphore(%arg60 : memref<!tpu.dma_semaphore, #tpu.memory_space<semaphore_mem>>) src(%dma_wait3A_276 : memref<2048xf32, #tpu.memory_space<hbm>>) dst(%arg52 : memref<2048xf32, #tpu.memory_space<vmem>>)
        %scan3A_277 = arith.constant 0 : i32
        %scan3A_278 = arith.constant 0 : i32
        %scan3A_279 = arith.constant 128 : i32
        %scan3A_280 = arith.addi %scan3A_278, %scan3A_279 : i32
        %scan3A_281 = arith.constant 1 : i32
        scf.for %scan3A_283 = %scan3A_278 to %scan3A_280 step %scan3A_281  : i32 {
          %mul3A_284 = arith.constant 16 : i32
          %mul3A_285 = arith.muli %scan3A_283, %mul3A_284 : i32
          %get3A = arith.index_cast %mul3A_285 : i32 to index
          %get3A_286 = tpu.vector_load %arg53[%get3A] {strides = array<i32>} : memref<2048xf32, #tpu.memory_space<vmem>>, vector<16xf32>,
          %get3A_287 = arith.index_cast %mul3A_285 : i32 to index
          %get3A_288 = tpu.vector_load %arg54[%get3A_287] {strides = array<i32>} : memref<2048xf32, #tpu.memory_space<vmem>>, vector<16xf32>,
          %get3A_289 = arith.index_cast %mul3A_285 : i32 to index
          %get3A_290 = tpu.vector_load %arg55[%get3A_289] {strides = array<i32>} : memref<2048xf32, #tpu.memory_space<vmem>>, vector<16xf32>,
          %get3A_291 = arith.index_cast %mul3A_285 : i32 to index
          %get3A_292 = tpu.vector_load %arg56[%get3A_291] {strides = array<i32>} : memref<2048xf32, #tpu.memory_space<vmem>>, vector<16xf32>,
          %get3A_293 = arith.index_cast %mul3A_285 : i32 to index
          %get3A_294 = tpu.vector_load %arg57[%get3A_293] {strides = array<i32>} : memref<2048xf32, #tpu.memory_space<vmem>>, vector<16xf32>,
          %get3A_295 = arith.index_cast %mul3A_285 : i32 to index
          %get3A_296 = tpu.vector_load %arg58[%get3A_295] {strides = array<i32>} : memref<2048xf32, #tpu.memory_space<vmem>>, vector<16xf32>,
          %get3A_297 = arith.index_cast %mul3A_285 : i32 to index
          %get3A_298 = tpu.vector_load %arg46[%get3A_297] {strides = array<i32>} : memref<2048xf32, #tpu.memory_space<vmem>>, vector<16xf32>,
          %mul3A_299 = arith.mulf %get3A_298, %get3A_286 : vector<16xf32>
          %get3A_300 = arith.index_cast %mul3A_285 : i32 to index
          %get3A_301 = tpu.vector_load %arg45[%get3A_300] {strides = array<i32>} : memref<2048xf32, #tpu.memory_space<vmem>>, vector<16xf32>,
          %mul3A_302 = arith.mulf %get3A_301, %get3A_288 : vector<16xf32>
          %add3A_303 = arith.addf %mul3A_299, %mul3A_302 : vector<16xf32>
          %get3A_304 = arith.index_cast %mul3A_285 : i32 to index
          %get3A_305 = tpu.vector_load %arg48[%get3A_304] {strides = array<i32>} : memref<2048xf32, #tpu.memory_space<vmem>>, vector<16xf32>,
          %mul3A_306 = arith.mulf %get3A_305, %get3A_286 : vector<16xf32>
          %get3A_307 = arith.index_cast %mul3A_285 : i32 to index
          %get3A_308 = tpu.vector_load %arg47[%get3A_307] {strides = array<i32>} : memref<2048xf32, #tpu.memory_space<vmem>>, vector<16xf32>,
          %mul3A_309 = arith.mulf %get3A_308, %get3A_288 : vector<16xf32>
          %add3A_310 = arith.addf %mul3A_306, %mul3A_309 : vector<16xf32>
          %mul3A_311 = arith.mulf %add3A_310, %get3A_290 : vector<16xf32>
          %mul3A_312 = arith.mulf %add3A_303, %get3A_292 : vector<16xf32>
          %add3A_313 = arith.addf %mul3A_311, %mul3A_312 : vector<16xf32>
          %get3A_314 = arith.index_cast %mul3A_285 : i32 to index
          %get3A_315 = tpu.vector_load %arg50[%get3A_314] {strides = array<i32>} : memref<2048xf32, #tpu.memory_space<vmem>>, vector<16xf32>,
          %mul3A_316 = arith.mulf %get3A_315, %get3A_286 : vector<16xf32>
          %get3A_317 = arith.index_cast %mul3A_285 : i32 to index
          %get3A_318 = tpu.vector_load %arg49[%get3A_317] {strides = array<i32>} : memref<2048xf32, #tpu.memory_space<vmem>>, vector<16xf32>,
          %mul3A_319 = arith.mulf %get3A_318, %get3A_288 : vector<16xf32>
          %add3A_320 = arith.addf %mul3A_316, %mul3A_319 : vector<16xf32>
          %get3A_321 = arith.index_cast %mul3A_285 : i32 to index
          %get3A_322 = tpu.vector_load %arg52[%get3A_321] {strides = array<i32>} : memref<2048xf32, #tpu.memory_space<vmem>>, vector<16xf32>,
          %mul3A_323 = arith.mulf %get3A_322, %get3A_286 : vector<16xf32>
          %get3A_324 = arith.index_cast %mul3A_285 : i32 to index
          %get3A_325 = tpu.vector_load %arg51[%get3A_324] {strides = array<i32>} : memref<2048xf32, #tpu.memory_space<vmem>>, vector<16xf32>,
          %mul3A_326 = arith.mulf %get3A_325, %get3A_288 : vector<16xf32>
          %add3A_327 = arith.addf %mul3A_323, %mul3A_326 : vector<16xf32>
          %mul3A_328 = arith.mulf %add3A_327, %get3A_290 : vector<16xf32>
          %mul3A_329 = arith.mulf %add3A_320, %get3A_292 : vector<16xf32>
          %add3A_330 = arith.addf %mul3A_328, %mul3A_329 : vector<16xf32>
          %mul3A_331 = arith.mulf %add3A_330, %get3A_294 : vector<16xf32>
          %mul3A_332 = arith.mulf %add3A_313, %get3A_296 : vector<16xf32>
          %add3A_333 = arith.addf %mul3A_331, %mul3A_332 : vector<16xf32>
          %swap3A = arith.index_cast %mul3A_285 : i32 to index
          %swap3A_334 = tpu.vector_load %arg59[%swap3A] {strides = array<i32>} : memref<2048xf32, #tpu.memory_space<vmem>>, vector<16xf32>,
          tpu.vector_store %arg59[%swap3A], %add3A_333 {strides = array<i32>} : memref<2048xf32, #tpu.memory_space<vmem>>, vector<16xf32>,
        }
        %scan3A_282 = arith.constant 128 : i32
        "tpu.region"() ({
          %run_scoped3A = tpu.sem_alloc : memref<!tpu.dma_semaphore, #tpu.memory_space<semaphore_mem>>
          %dma_start3A_283 = tpu.memref_slice %arg6[%add3A_245] : memref<1048576xf32, #tpu.memory_space<hbm>> -> memref<2048xf32, #tpu.memory_space<hbm>>
          %dma_start3A_284 = tpu.memref_slice %arg6[%add3A_245] : memref<1048576xf32, #tpu.memory_space<hbm>> -> memref<2048xf32, #tpu.memory_space<hbm>>
          tpu.enqueue_dma source(%arg59 : memref<2048xf32, #tpu.memory_space<vmem>>) target(%dma_start3A_284 : memref<2048xf32, #tpu.memory_space<hbm>>) target_semaphore(%run_scoped3A : memref<!tpu.dma_semaphore, #tpu.memory_space<semaphore_mem>>)
          %dma_wait3A_285 = tpu.memref_slice %arg6[%add3A_245] : memref<1048576xf32, #tpu.memory_space<hbm>> -> memref<2048xf32, #tpu.memory_space<hbm>>
          %dma_wait3A_286 = tpu.memref_slice %arg6[%add3A_245] : memref<1048576xf32, #tpu.memory_space<hbm>> -> memref<2048xf32, #tpu.memory_space<hbm>>
          tpu.wait_dma2 semaphore(%run_scoped3A : memref<!tpu.dma_semaphore, #tpu.memory_space<semaphore_mem>>) src(%arg59 : memref<2048xf32, #tpu.memory_space<vmem>>) dst(%dma_wait3A_286 : memref<2048xf32, #tpu.memory_space<hbm>>)
          tpu.yield
        }) : () -> ()
      } else {
      }
    }
    %scan3A_224 = arith.constant 16 : i32
    return
  }
}

</mosaic_0001>

<sc_bundles>
// kernel: kernel.3.cloned.1.call-start
scs
__scs_entry_jumppad:
0x0: {  	(pc) =	sbr.rel $0x88, $3  }
0x1: {  	(tag) =	ssettag $0x0;
	lr =	simm.s32 $0x1  }
0x2: {  	[smem:$0x3F9F] =	sst lr;
	_ =	strace $0xD0000000  }
0x3: {  	_ = 	snop  }
0x4: {  	_ = 	snop  }
0x5: {  	_ = 	snop  }
0x6: {  	_ = 	snop  }
0x7: {  	_ = 	snop  }
__scs_overlays_trampoline_lowered:
0x8: {  	[smem:$0x3FAE] =	sst s0  }
0x9: {  	[smem:$0x3FAF] =	sst s1  }
0xa: {  	[smem:$0x3FB0] =	sst s2  }
0xb: {  	[smem:$0x3FB1] =	sst s3  }
0xc: {  	[smem:$0x3FB2] =	sst s4  }
0xd: {  	[smem:$0x3FB3] =	sst s5  }
0xe: {  	[smem:$0x3FB4] =	sst s6  }
0xf: {  	[smem:$0x3FB5] =	sst s7  }
0x10: {  	[smem:$0x3FB6] =	sst s8  }
0x11: {  	[smem:$0x3FB7] =	sst s9;
	s0 =	simm.s32 @!p0 $0x0  }
0x12: {  	s1 =	sld [smem:$0x3F9D];
	s0 =	simm.s32 @p0 $0x1  }
0x13: {  	[smem:$0x3FB8] =	sst s0;
	s0 =	simm.s32 @!p1 $0x0  }
0x14: {  	s2 =	sld [smem:$0x3F9C];
	s0 =	simm.s32 @p1 $0x1  }
0x15: {  	[smem:$0x3FB9] =	sst s0;
	s0 =	simm.s32 @!p2 $0x0  }
0x16: {  	s3 =	sld [smem:$0x3FDB];
	s0 =	simm.s32 @p2 $0x1  }
0x17: {  	s4 =	simm.s32 $0x1BF5;
	[smem:$0x3FBB] =	sst s0  }
0x18: {  	s0 =	sld [smem:$0x3F9E];
	_ =	swait.ge [sflag:s4], $0x0  }
0x19: {  	s7 =	sld [smem:$0x3F9F]  }
0x1a: {  	s8 =	sadd.s32 $0xFFFFE003, lr  }
0x1b: {  	s9 =	sadd.s32 $0xFFFFFEF7, lr;
	s5 =	simm.s32 $0xFFFFFFFF;
	p2 =	slt.u32 s8, $0xFFFFF086  }
0x1c: {  	p1 =	slt.u32 s9, $0xF7A;
	s5 =	simm.s32 @!p2 $0x0  }
0x1d: {  	s5 =	simm.s32 @p1 $0x1;
	p0 =	seq.s32 s7, s2  }
0x1e: {  	s7 =	smul.u32 @!p0 $0xF7A, s2;
	p2 =	seq.s32 @!p0 s5, $0x0  }
0x1f: {  	s9 =	smul.u32 $0xF7A, s1;
	s8 =	simm.s32 @!p0 $0x1BF5;
	p2 =	por !p2, p0  }
0x20: {  	[sflag:s8] =	ssyncset.s32 @!p0 $0xFFFFF086;
	s6 =	sadd.s32 @!p0 s3, s7;
	s7 =	simm.s32 @!p0 $0x108  }
0x21: {  	s3 =	sadd.s32 s3, s9;
	s6 =	sadd.s32 @!p0 $0x88, s6;
	s7 =	simm.s32 @p2 $0x1082  }
0x22: {  	[simem:s7], [sflag:s8] =	dma.local @!p0 [hbm:s6], $0xF7A  }
0x23: {  	s9 =	sor.u32 $0xD0000000, s2;
	s6 =	simm.s32 $0x108;
	_ =	swait.ge @!p0 [sflag:s8], $0x0  }
0x24: {  	s3 =	sadd.s32 $0x88, s3;
	s6 =	simm.s32 @!p1 $0x1082;
	[sflag:s4] =	ssyncset.s32 $0xFFFFF086  }
0x25: {  	[simem:s6], [sflag:s4] =	dma.local [hbm:s3], $0xF7A  }
0x26: {  	[smem:$0x3F9F] =	sst s1;
	(tag) =	ssettag s2;
	_ =	strace s9  }
0x27: {  	s1 =	sld [smem:$0x3FAF]  }
0x28: {  	s2 =	sld [smem:$0x3FB0]  }
0x29: {  	s4 =	sld [smem:$0x3FB2]  }
0x2a: {  	p0 =	seq.s32 s5, $0x0;
	s5 =	sld [smem:$0x3FB3]  }
0x2b: {  	s6 =	sld [smem:$0x3FB4]  }
0x2c: {  	s7 =	sld [smem:$0x3FB5]  }
0x2d: {  	s3 =	simm.s32 $0x108;
	s8 =	sld [smem:$0x3FB6]  }
0x2e: {  	s3 =	simm.s32 @!p0 $0x1082;
	s9 =	sld [smem:$0x3FB7]  }
0x2f: {  	lr =	sadd.s32 s0, s3;
	s0 =	sld [smem:$0x3FAE]  }
0x30: {  	s3 =	sld [smem:$0x3FB1]  }
0x31: {  	[smem:$0x3FBA] =	sst s10  }
0x32: {  	s10 =	sld [smem:$0x3FB8];
	_ =	sdelay $0x3  }
0x33: {  	p0 =	seq.s32 s10, $0x1;
	s10 =	sld [smem:$0x3FBA];
	_ =	sdelay $0x3  }
0x34: {  	[smem:$0x3FBA] =	sst s10  }
0x35: {  	s10 =	sld [smem:$0x3FB9];
	_ =	sdelay $0x3  }
0x36: {  	p1 =	seq.s32 s10, $0x1;
	s10 =	sld [smem:$0x3FBA];
	_ =	sdelay $0x3  }
0x37: {  	[smem:$0x3FBA] =	sst s10  }
0x38: {  	s10 =	sld [smem:$0x3FBB]  }
0x39: {  	_ = 	snop;
	(pc) =	sbr.ind lr, $3  }
0x3a: {  	_ = 	snop  }
0x3b: {  	_ = 	snop  }
0x3c: {  	p2 =	seq.s32 s10, $0x1;
	s10 =	sld [smem:$0x3FBA]  }
0x3d: {  	_ =	shalt  }
0x3e: {  	_ =	shalt  }
0x3f: {  	_ =	shalt  }
0x40: {  	_ =	shalt  }
0x41: {  	_ =	shalt  }
0x42: {  	_ =	shalt  }
0x43: {  	_ =	shalt  }
0x44: {  	_ =	shalt  }
0x45: {  	_ =	shalt  }
0x46: {  	_ =	shalt  }
0x47: {  	_ =	shalt  }
0x48: {  	_ =	shalt  }
0x49: {  	_ =	shalt  }
0x4a: {  	_ =	shalt  }
0x4b: {  	_ =	shalt  }
0x4c: {  	_ =	shalt  }
0x4d: {  	_ =	shalt  }
0x4e: {  	_ =	shalt  }
0x4f: {  	_ =	shalt  }
0x50: {  	_ =	shalt  }
0x51: {  	_ =	shalt  }
0x52: {  	_ =	shalt  }
0x53: {  	_ =	shalt  }
0x54: {  	_ =	shalt  }
0x55: {  	_ =	shalt  }
0x56: {  	_ =	shalt  }
0x57: {  	_ =	shalt  }
0x58: {  	_ =	shalt  }
0x59: {  	_ =	shalt  }
0x5a: {  	_ =	shalt  }
0x5b: {  	_ =	shalt  }
0x5c: {  	_ =	shalt  }
0x5d: {  	_ =	shalt  }
0x5e: {  	_ =	shalt  }
0x5f: {  	_ =	shalt  }
0x60: {  	_ =	shalt  }
0x61: {  	_ =	shalt  }
0x62: {  	_ =	shalt  }
0x63: {  	_ =	shalt  }
0x64: {  	_ =	shalt  }
0x65: {  	_ =	shalt  }
0x66: {  	_ =	shalt  }
0x67: {  	_ =	shalt  }
0x68: {  	_ =	shalt  }
0x69: {  	_ =	shalt  }
0x6a: {  	_ =	shalt  }
0x6b: {  	_ =	shalt  }
0x6c: {  	_ =	shalt  }
0x6d: {  	_ =	shalt  }
0x6e: {  	_ =	shalt  }
0x6f: {  	_ =	shalt  }
0x70: {  	_ =	shalt  }
0x71: {  	_ =	shalt  }
0x72: {  	_ =	shalt  }
0x73: {  	_ =	shalt  }
0x74: {  	_ =	shalt  }
0x75: {  	_ =	shalt  }
0x76: {  	_ =	shalt  }
0x77: {  	_ =	shalt  }
0x78: {  	_ =	shalt  }
0x79: {  	_ =	shalt  }
0x7a: {  	_ =	shalt  }
0x7b: {  	_ =	shalt  }
0x7c: {  	_ =	shalt  }
0x7d: {  	_ =	shalt  }
0x7e: {  	_ =	shalt  }
0x7f: {  	_ =	shalt  }
0x80: {  	_ =	shalt  }
0x81: {  	_ =	shalt  }
0x82: {  	_ =	shalt  }
0x83: {  	_ =	shalt  }
0x84: {  	_ =	shalt  }
0x85: {  	_ =	shalt  }
0x86: {  	_ =	shalt  }
0x87: {  	_ =	shalt  }
.Lfunc_end0:
.L_simem_size_0:
called_computation_lowered:
.L_overlay_start_0:
0x88: {  	s2 =	sld [smem:$0x3FD9]  }
0x89: {  	s3 =	sld [smem:$0x3FFE];
	_ =	sdelay $0x1  }
0x8a: {  	s1 =	srdreg.scid  }
0x8b: {  	s0 =	sand.u32 $0x1, s1  }
0x8c: {  	s17 =	sshll.u32 s0, $0xA;
	s2 =	sadd.s32 s3, s2  }
0x8d: {  	s2 =	sadd.s32 s2, s17  }
0x8e: {  	[smem:$0x3FC6] =	sst s2  }
0x8f: {  	_ = 	snop  }
0x90: {  	s2 =	sld [smem:$0x3FC9]  }
0x91: {  	s18 =	sld [smem:$0x3FD0];
	(tm) =	ssettm $0x1  }
0x92: {  	s4 =	sld [smem:$0x3FFB];
	_ =	sdelay $0x3  }
0x93: {  	_ =	strace s4  }
0x94: {  	s4 =	sld [smem:$0x3FFC];
	_ =	sdelay $0x3  }
0x95: {  	_ =	strace s4  }
0x96: {  	s4 =	sld [smem:$0x3FFD];
	_ =	sdelay $0x3  }
0x97: {  	_ =	strace s4  }
0x98: {  	_ =	strace $0x8FFFFFFF  }
0x99: {  	s19 =	sld [smem:$0x3FDB];
	_ =	sdelay $0x1  }
0x9a: {  	s5 =	simm.s32 $_scs_section_size  }
0x9b: {  	s6 =	simm.s32 $_size__tile_overlayer_lowered;
	s7 =	simm.s32 $_tile_overlayer_lowered  }
0x9c: {  	s22 =	simm.s32 $0x1BFF;
	s21 =	sshll.u32 s7, $0x1;
	s4 =	sadd.s32 s5, s19  }
0x9d: {  	s8 =	simm.s32 $0x0;
	s20 =	sshll.u32 s6, $0x1;
	s6 =	sadd.s32 s21, s4  }
0x9e: {  	[timem:s8], [sflag:s22] =	dma.local [hbm:s6], s20  }
0x9f: {  	_ =	swait.ge [sflag:s22], s20  }
0xa0: {  	s5 =	ssub.s32 $0x0, s20;
	[sflag:s22] =	ssyncset.done $0x0  }
0xa1: {  	[sflag:s22] =	ssyncadd.s32 s5;
	_ =	sdelay $0x1  }
0xa2: {  	s23 =	simm.s32 $0x1B8B  }
0xa3: {  	_ =	swait.ge [sflag:s23], $0x1  }
0xa4: {  	[sflag:s23] =	ssyncset.done $0x0  }
0xa5: {  	s25 =	simm.s32 $0x1B8E;
	s24 =	sld [smem:$0x3FFE];
	[sflag:s23] =	ssyncadd.s32 $0xFFFFFFFF  }
0xa6: {  	s26 =	simm.s32 $execute0_lowered;
	[smem:$0x3FD2] =	sst s25  }
0xa7: {  	s6 =	sshll.u32 s26, $0x1;
	_ =	strace $0x80000046;
	[dreg:$0x1] =	wrdreg $0xFFFFFFFF  }
0xa8: {  	s28 =	simm.s32 $_size_execute0_lowered;
	s4 =	sadd.s32 s4, s6;
	[dreg:$0x0] =	wrdreg $0x0  }
0xa9: {  	s6 =	sshll.u32 s28, $0x1;
	[dreg:$0x2] =	wrdreg s4  }
0xaa: {  	[dreg:$0x3] =	wrdreg s6  }
0xab: {  	[dreg:$0x4] =	wrdreg $0xC0  }
0xac: {  	_ =	task [dreg:s8], $0x5FFFF  }
0xad: {  	[dreg:$0x1] =	wrdreg $0xFFFFFFFF  }
0xae: {  	[dreg:$0x0] =	wrdreg $0x60  }
0xaf: {  	[dreg:$0x2] =	wrdreg s2  }
0xb0: {  	[dreg:$0x3] =	wrdreg s24  }
0xb1: {  	[dreg:$0x4] =	wrdreg s18  }
0xb2: {  	[dreg:$0x5] =	wrdreg $0x9  }
0xb3: {  	_ =	task.clear_ibuf [dreg:s8], $0x6FFFF;
	_ =	strace $0x90000046  }
0xb4: {  	s29 =	simm.s32 $0x9;
	_ =	strace $0x80000048  }
0xb5: {  	_ =	swait.ge [sflag:s29], $0x1  }
0xb6: {  	[sflag:s29] =	ssyncadd.s32 $0xFFFFFFFF  }
0xb7: {  	_ =	strace $0x90000048  }
0xb8: {  	_ =	sfence  }
0xb9: {  	s30 =	sld [smem:$0x0];
	_ =	sdelay $0x2  }
0xba: {  	s31 =	sshll.u32 s1, $0xD;
	s1 =	sshrl.u32 s1, $0x2  }
0xbb: {  	s3 =	sand.u32 $0x4000, s31;
	s1 =	sadd.s32 s1, s30  }
0xbc: {  	s0 =	sor.u32 s3, s0;
	s1 =	sshll.u32 s1, $0x11  }
0xbd: {  	s0 =	sor.u32 s1, s0  }
0xbe: {  	s0 =	sadd.s32 $0x8F2B, s0  }
0xbf: {  	[sflag:s0] =	ssyncadd.remote.s32 $0x1  }
0xc0: {  	_ =	sfence.sel $0xFFFF  }
0xc1: {  	[dreg:$0x0] =	wrdreg $0xFFFFFFFF;
	(pc) =	sbr.abs _section_cstart, $3  }
0xc2: {  	[dreg:$0x1] =	wrdreg $0xFFFFFFFF  }
0xc3: {  	_ =	task.clear_ibuf [dreg:s8], $0x2FFFF;
	_ =	strace $0x9FFFFFFF  }
0xc4: {  	(tm) =	ssettm $0x7FFFFFFF  }
0xc5: {  	_ =	shalt  }
tec
execute0_lowered:
.L_overlay_start_1:
0x0: {  	(tag) =	ssettag $0x1  }
0x1: {  	s1 =	rddreg [dreg:$0x0]  }
0x2: {  	s0 =	rddreg [dreg:$0x1]  }
0x3: {  	s2 =	rddreg [dreg:$0x2]  }
0x4: {  	s3 =	simm.s32 $0x0;
	s4 =	srdreg.scid;
	s11 =	stileid.u32  }
0x5: {  	s17 =	simm.s32 $0x200;
	s16 =	simm.s32 $0x4;
	s29 =	simm.s32 $0x11C00  }
0x6: {  	s30 =	simm.s32 $0x15C00;
	s31 =	simm.s32 $0x11E00;
	s13 =	simm.s32 $0x12400  }
0x7: {  	s14 =	simm.s32 $0x16400;
	s12 =	simm.s32 $0x12600;
	s15 =	simm.s32 $0x16600  }
0x8: {  	s18 =	simm.s32 $0x1;
	s19 =	simm.s32 $0xC800;
	s21 =	simm.s32 $0x19800  }
0x9: {  	[smem:$0x7FF] =	sst s3;
	s4 =	sand.u32 $0x1, s4;
	s5 =	sadd.s32 $0x40600, s0  }
0xa: {  	s6 =	sadd.s32 $0x20600, s0;
	s10 =	sshll.u32 s11, $0x1;
	s7 =	sadd.s32 $0x600, s0  }
0xb: {  	s24 =	sshll.u32 s11, $0x13;
	s11 =	simm.s32 $0x16200;
	s8 =	ssub.s32 $0x2, s4  }
0xc: {  	_ =	strace $0x80000047;
	s4 =	sor.u32 s4, s10;
	s9 =	sshrl.u32 s8, $0x1  }
0xd: {  	s23 =	ssub.s32 s8, s9;
	s8 =	sshll.u32 s4, $0xF;
	s4 =	sshll.u32 s4, $0xC  }
0xe: {  	s20 =	sand.u32 $0x600000, s24;
	s10 =	simm.s32 $0x12200;
	s25 =	sadd.s32 s5, s4  }
.Ltmp0:
0xf: {  	s26 =	sadd.s32 s6, s4;
	[dreg:$0x4] =	wrdreg s25;
	(pc) =	sbr.rel .LBB2_1-.Ltmp0, $4  }
0x10: {  	v0 =	vmov s20;
	s20 =	simm.s32 $0x2;
	s4 =	sadd.s32 s7, s4;
	[dreg:$0x5] =	wrdreg s26  }
0x11: {  	s9 =	simm.s32 $0x16000;
	s28 =	sor.u32 $0x800, s8;
	[dreg:$0x6] =	wrdreg s4  }
0x12: {  	s0 =	smax.u32 s23, $0x1;
	s23 =	simm.s32 $0x0;
	[dreg:$0x7] =	wrdreg s28  }
0x13: {  	v1 =	vimm.f32 $0.0e+00;
	[dreg:$0x8] =	wrdreg s0;
	s0 =	simm.s32 $0x15E00;
	s4 =	simm.s32 $0x12000  }
.LBB2_18:
0x14: {  	s23 =	rddreg [dreg:$0x9]  }
0x15: {  	s22 =	rddreg [dreg:$0x8];
	s23 =	sadd.s32 $0x1, s23  }
0x16: {  	p0 =	sne.s32 s23, s22  }
.Ltmp1:
0x17: {  	_ = 	snop;
	(pc) =	sbr.rel @!p0 .LBB2_19-.Ltmp1, $1  }
0x18: {  	_ =	sdelay $0x3  }
.LBB2_1:
0x19: {  	[dreg:$0x9] =	wrdreg s23  }
0x1a: {  	s22 =	rddreg [dreg:$0x4];
	s23 =	simm.s32 $0x3  }
0x1b: {  	[tilespmem:s3], [sflag:$0x3] =	stream.linear.gather [hbm4b:s22+s3], $0x800, $0x38;
	[tilespmem:$0x1A000] =	vst v63  }
0x1c: {  	_ =	swait.ge [sflag:s23], $0x800  }
0x1d: {  	[sflag:s23] =	ssyncset.done $0x0  }
0x1e: {  	s24 =	simm.s32 $0x800;
	s25 =	rddreg [dreg:$0x5];
	[sflag:s23] =	ssyncadd.s32 $0xFFFFF800  }
0x1f: {  	[tilespmem:s24], [sflag:$0x3] =	stream.linear.gather [hbm4b:s25+s3], $0x800, $0x38;
	[tilespmem:$0x1A000] =	vst v63  }
0x20: {  	_ =	swait.ge [sflag:s23], $0x800  }
0x21: {  	[sflag:s23] =	ssyncset.done $0x0  }
0x22: {  	s28 =	simm.s32 $0x1000;
	s26 =	rddreg [dreg:$0x6];
	[sflag:s23] =	ssyncadd.s32 $0xFFFFF800  }
0x23: {  	[tilespmem:s28], [sflag:$0x3] =	stream.linear.gather [hbm4b:s26+s3], $0x800, $0x38;
	[tilespmem:$0x1A000] =	vst v63  }
0x24: {  	_ =	swait.ge [sflag:s23], $0x800  }
0x25: {  	[sflag:s23] =	ssyncset.done $0x0  }
0x26: {  	[sflag:s23] =	ssyncadd.s32 $0xFFFFF800;
	s23 =	simm.s32 $0x0  }
0x27: {  	v2 =	vld [tilespmem:s23+$0x1000]  }
0x28: {  	v3 =	vld [tilespmem:s23+$0x0]  }
0x29: {  	v4 =	vld [tilespmem:s23+$0x800];
	_ =	sdelay $0x2  }
0x2a: {  	v2 =	vmul.f32 $1.280000000e+02, v2  }
0x2b: {  	v3 =	vmul.f32 $1.280000000e+02, v3  }
0x2c: {  	v4 =	vmul.f32 $1.280000000e+02, v4;
	v2 =	vmax.f32 v2, $1.000000050e-03  }
0x2d: {  	v3 =	vmax.f32 v3, $1.000000050e-03;
	v5 =	vmin.f32 v2, $1.269990010e+02  }
0x2e: {  	v3 =	vmin.f32 v3, $1.269990010e+02;
	v2 =	vmax.f32 v4, $1.000000050e-03;
	v4 =	vtrunc.f32 v5  }
0x2f: {  	v6 =	vtrunc.f32 v3;
	v7 =	vmin.f32 v2, $1.269990010e+02;
	v2 =	vcvt.f32.s32 v4  }
0x30: {  	v4 =	vcvt.f32.s32 v6;
	v6 =	vtrunc.f32 v7  }
0x31: {  	v6 =	vcvt.f32.s32 v6  }
0x32: {  	v8 =	vcvt.s32.f32 v2;
	v9 =	vcvt.s32.f32 v4;
	v4 =	vshll.u32 v4, $0xE  }
0x33: {  	s22 =	simm.s32 $0x10;
	v10 =	vcvt.s32.f32 v6;
	v4 =	vadd.s32 v0, v4;
	v6 =	vshll.u32 v6, $0x7  }
0x34: {  	v12 =	vld [tilespmem:s22+$0x1000];
	v11 =	vsub.f32 v5, v8;
	v13 =	vsub.f32 v3, v9;
	v4 =	vadd.s32 v6, v4  }
0x35: {  	v14 =	vld [tilespmem:s22+$0x0];
	v15 =	vsub.f32 v7, v10;
	v2 =	vadd.s32 v2, v4  }
0x36: {  	v6 =	vld [tilespmem:s22+$0x800];
	vm0 =	vgt.f32 v11, $0.0e+00;
	vm1 =	vgt.f32 v13, $0.0e+00;
	[tilespmem:s23+$0x9800] =	vst v13;
	v13 =	vadd.s32 $0x4000, v2  }
0x37: {  	[tilespmem:s23+$0x1800] =	vst v2;
	v16 =	vsel vm0, $0x3F800000, v1;
	v4 =	vsel vm1, $0x3F800000, v1;
	vm15 =	vgt.f32 v15, $0.0e+00  }
0x38: {  	[tilespmem:s23+$0xB800] =	vst v11;
	v8 =	vadd.f32 v8, v16;
	v4 =	vadd.f32 v9, v4;
	v9 =	vsel vm15, $0x3F800000, v1  }
0x39: {  	v12 =	vmul.f32 $1.280000000e+02, v12;
	[tilespmem:s23+$0x2000] =	vst v13;
	v13 =	vadd.s32 $0x81, v2;
	v9 =	vadd.f32 v10, v9  }
0x3a: {  	[tilespmem:s23+$0xA800] =	vst v15;
	v10 =	vadd.s32 $0x80, v2;
	v5 =	vsub.f32 v8, v5;
	v8 =	vmul.f32 $1.280000000e+02, v14  }
0x3b: {  	[tilespmem:s23+$0x4800] =	vst v13;
	v3 =	vsub.f32 v4, v3;
	v4 =	vmul.f32 $1.280000000e+02, v6;
	v6 =	vmax.f32 v12, $1.000000050e-03  }
0x3c: {  	v7 =	vsub.f32 v9, v7;
	[tilespmem:s23+$0xC000] =	vst v5;
	v8 =	vmax.f32 v8, $1.000000050e-03;
	v5 =	vmin.f32 v6, $1.269990010e+02  }
0x3d: {  	[tilespmem:s23+$0xA000] =	vst v3;
	v4 =	vmax.f32 v4, $1.000000050e-03;
	v3 =	vmin.f32 v8, $1.269990010e+02;
	v8 =	vtrunc.f32 v5  }
0x3e: {  	[tilespmem:s23+$0xB000] =	vst v7;
	v4 =	vmin.f32 v4, $1.269990010e+02;
	v9 =	vtrunc.f32 v3;
	v7 =	vcvt.f32.s32 v8  }
0x3f: {  	[tilespmem:s23+$0x2800] =	vst v10;
	v6 =	vadd.s32 $0x4080, v2;
	v8 =	vtrunc.f32 v4;
	v10 =	vcvt.f32.s32 v9  }
0x40: {  	[tilespmem:s23+$0x3000] =	vst v6;
	v6 =	vadd.s32 $0x1, v2;
	v11 =	vcvt.f32.s32 v8;
	v8 =	vcvt.s32.f32 v7  }
0x41: {  	[tilespmem:s23+$0x3800] =	vst v6;
	v6 =	vadd.s32 $0x4001, v2;
	v9 =	vcvt.s32.f32 v10;
	v12 =	vshll.u32 v10, $0xE  }
0x42: {  	s24 =	simm.s32 $0x20;
	s25 =	simm.s32 $0xC0;
	[tilespmem:s23+$0x4000] =	vst v6;
	v10 =	vcvt.s32.f32 v11;
	v6 =	vsub.f32 v5, v8;
	v12 =	vadd.s32 v0, v12  }
.LBB2_2:
0x43: {  	p0 =	sne.s32 s25, $0x1FC0;
	v13 =	vld [tilespmem:s24+$0x1000];
	v14 =	vsub.f32 v3, v9;
	v11 =	vshll.u32 v11, $0x7;
	v2 =	vadd.s32 $0x4081, v2  }
0x44: {  	v15 =	vld [tilespmem:s24+$0x0];
	v16 =	vsub.f32 v4, v10;
	vm0 =	vgt.f32 v6, $0.0e+00;
	v11 =	vadd.s32 v11, v12;
	[tilespmem:s23+$0x5000] =	vst v2;
	s23 =	smov.u32 s22;
	s22 =	smov.u32 s24  }
0x45: {  	v12 =	vld [tilespmem:s22+$0x800];
	vm1 =	vgt.f32 v14, $0.0e+00;
	v17 =	vsel vm0, $0x3F800000, v1;
	v2 =	vadd.s32 v7, v11;
	[tilespmem:s23+$0x9800] =	vst v14  }
0x46: {  	v7 =	vsel vm1, $0x3F800000, v1;
	vm0 =	vgt.f32 v16, $0.0e+00;
	v8 =	vadd.f32 v8, v17;
	[tilespmem:s23+$0x1800] =	vst v2  }
0x47: {  	v11 =	vadd.s32 $0x4000, v2;
	v7 =	vadd.f32 v9, v7;
	v9 =	vsel vm0, $0x3F800000, v1;
	[tilespmem:s23+$0xA800] =	vst v16  }
0x48: {  	v13 =	vmul.f32 $1.280000000e+02, v13;
	v9 =	vadd.f32 v10, v9;
	v5 =	vsub.f32 v8, v5;
	[tilespmem:s23+$0x2000] =	vst v11  }
0x49: {  	v10 =	vadd.s32 $0x80, v2;
	v8 =	vmul.f32 $1.280000000e+02, v15;
	v3 =	vsub.f32 v7, v3;
	[tilespmem:s23+$0xB800] =	vst v6  }
0x4a: {  	v6 =	vmul.f32 $1.280000000e+02, v12;
	v7 =	vmax.f32 v13, $1.000000050e-03;
	v4 =	vsub.f32 v9, v4;
	[tilespmem:s23+$0xC000] =	vst v5  }
0x4b: {  	v9 =	vadd.s32 $0x4080, v2;
	v8 =	vmax.f32 v8, $1.000000050e-03;
	v5 =	vmin.f32 v7, $1.269990010e+02;
	[tilespmem:s23+$0xA000] =	vst v3  }
0x4c: {  	v3 =	vmin.f32 v8, $1.269990010e+02;
	v6 =	vmax.f32 v6, $1.000000050e-03;
	v7 =	vtrunc.f32 v5;
	[tilespmem:s23+$0xB000] =	vst v4  }
.Ltmp2:
0x4d: {  	v8 =	vtrunc.f32 v3;
	v4 =	vmin.f32 v6, $1.269990010e+02;
	v7 =	vcvt.f32.s32 v7;
	[tilespmem:s23+$0x2800] =	vst v10;
	(pc) =	sbr.rel @p0 .LBB2_2-.Ltmp2, $4  }
0x4e: {  	v6 =	vcvt.f32.s32 v8;
	v8 =	vtrunc.f32 v4;
	[tilespmem:s23+$0x3000] =	vst v9;
	v9 =	vadd.s32 $0x1, v2  }
0x4f: {  	v10 =	vadd.s32 $0x4001, v2;
	v11 =	vcvt.f32.s32 v8;
	v8 =	vcvt.s32.f32 v7;
	[tilespmem:s23+$0x3800] =	vst v9  }
0x50: {  	v13 =	vadd.s32 $0x81, v2;
	v9 =	vcvt.s32.f32 v6;
	v12 =	vshll.u32 v6, $0xE;
	[tilespmem:s23+$0x4000] =	vst v10  }
0x51: {  	s24 =	sshra.s32 s25, $0x2;
	s25 =	sadd.s32 $0x40, s25;
	v10 =	vcvt.s32.f32 v11;
	v6 =	vsub.f32 v5, v8;
	v12 =	vadd.s32 v0, v12;
	[tilespmem:s23+$0x4800] =	vst v13  }
0x52: {  	v13 =	vld [tilespmem:s24+$0x1000];
	v14 =	vsub.f32 v3, v9;
	v11 =	vshll.u32 v11, $0x7;
	v2 =	vadd.s32 $0x4081, v2  }
0x53: {  	v15 =	vld [tilespmem:s24+$0x0];
	[tilespmem:s23+$0x5000] =	vst v2;
	v2 =	vsub.f32 v4, v10;
	vm0 =	vgt.f32 v6, $0.0e+00;
	v11 =	vadd.s32 v11, v12  }
0x54: {  	vm1 =	vgt.f32 v14, $0.0e+00;
	v16 =	vsel vm0, $0x3F800000, v1;
	v7 =	vadd.s32 v7, v11  }
0x55: {  	v33 =	vld [tilespmem:s24+$0x800];
	[tilespmem:s22+$0x9800] =	vst v14;
	v34 =	vsel vm1, $0x3F800000, v1;
	vm12 =	vgt.f32 v2, $0.0e+00;
	v8 =	vadd.f32 v8, v16  }
0x56: {  	[tilespmem:s22+$0xB800] =	vst v6;
	v37 =	vadd.s32 $0x4000, v7;
	v40 =	vadd.s32 $0x80, v7;
	v44 =	vadd.s32 $0x4080, v7  }
0x57: {  	[tilespmem:s22+$0xA800] =	vst v2;
	v49 =	vadd.s32 $0x1, v7;
	v35 =	vadd.f32 v9, v34;
	v2 =	vmul.f32 $1.280000000e+02, v13  }
0x58: {  	[tilespmem:s22+$0x1800] =	vst v7;
	v52 =	vadd.s32 $0x4001, v7;
	v36 =	vsel vm12, $0x3F800000, v1;
	v39 =	vmul.f32 $1.280000000e+02, v15  }
0x59: {  	[tilespmem:s22+$0x2000] =	vst v37;
	v38 =	vadd.f32 v10, v36;
	v3 =	vsub.f32 v35, v3;
	v2 =	vmax.f32 v2, $1.000000050e-03  }
0x5a: {  	[tilespmem:s22+$0x2800] =	vst v40;
	v41 =	vmul.f32 $1.280000000e+02, v33;
	v43 =	vmax.f32 v39, $1.000000050e-03;
	v2 =	vmin.f32 v2, $1.269990010e+02  }
0x5b: {  	v5 =	vsub.f32 v8, v5;
	[tilespmem:s22+$0xA000] =	vst v3;
	v3 =	vmin.f32 v43, $1.269990010e+02;
	v46 =	vtrunc.f32 v2  }
0x5c: {  	[tilespmem:s22+$0x3000] =	vst v44;
	v45 =	vmax.f32 v41, $1.000000050e-03;
	v47 =	vtrunc.f32 v3;
	v6 =	vcvt.f32.s32 v46  }
0x5d: {  	v42 =	vsub.f32 v38, v4;
	[tilespmem:s22+$0xC000] =	vst v5;
	v5 =	vmin.f32 v45, $1.269990010e+02;
	v4 =	vcvt.f32.s32 v47  }
0x5e: {  	v54 =	vadd.s32 $0x81, v7;
	[tilespmem:s22+$0x3800] =	vst v49;
	v48 =	vtrunc.f32 v5;
	v51 =	vcvt.s32.f32 v6  }
0x5f: {  	[tilespmem:s22+$0x4000] =	vst v52;
	v50 =	vcvt.f32.s32 v48;
	v53 =	vcvt.s32.f32 v4;
	v4 =	vshll.u32 v4, $0xE  }
0x60: {  	v7 =	vadd.s32 $0x4081, v7;
	[tilespmem:s22+$0x4800] =	vst v54;
	v4 =	vadd.s32 v0, v4;
	v56 =	vsub.f32 v2, v51  }
0x61: {  	[tilespmem:s22+$0x5000] =	vst v7;
	v55 =	vcvt.s32.f32 v50;
	v57 =	vsub.f32 v3, v53;
	v8 =	vshll.u32 v50, $0x7  }
0x62: {  	[tilespmem:s22+$0xB000] =	vst v42;
	v4 =	vadd.s32 v8, v4;
	vm13 =	vgt.f32 v56, $0.0e+00  }
0x63: {  	v58 =	vsub.f32 v5, v55;
	vm14 =	vgt.f32 v57, $0.0e+00;
	[tilespmem:s24+$0x9800] =	vst v57;
	v59 =	vsel vm13, $0x3F800000, v1  }
0x64: {  	v4 =	vadd.s32 v6, v4;
	[tilespmem:s24+$0xB800] =	vst v56;
	v60 =	vsel vm14, $0x3F800000, v1;
	v8 =	vadd.f32 v51, v59  }
0x65: {  	[tilespmem:s24+$0x1800] =	vst v4;
	v6 =	vadd.f32 v53, v60  }
0x66: {  	v62 =	vadd.s32 $0x4000, v4;
	vm15 =	vgt.f32 v58, $0.0e+00;
	[tilespmem:s24+$0xA800] =	vst v58;
	v2 =	vsub.f32 v8, v2  }
0x67: {  	[tilespmem:s24+$0x2000] =	vst v62;
	v61 =	vsel vm15, $0x3F800000, v1;
	v3 =	vsub.f32 v6, v3  }
0x68: {  	v63 =	vadd.f32 v55, v61;
	[tilespmem:s24+$0xC000] =	vst v2  }
0x69: {  	[tilespmem:s24+$0xA000] =	vst v3;
	v2 =	vadd.s32 $0x80, v4  }
0x6a: {  	v5 =	vsub.f32 v63, v5;
	v3 =	vadd.s32 $0x4080, v4;
	[tilespmem:s24+$0x2800] =	vst v2  }
0x6b: {  	[tilespmem:s24+$0x3000] =	vst v3  }
0x6c: {  	v2 =	vadd.s32 $0x1, v4;
	[tilespmem:s24+$0xB000] =	vst v5  }
0x6d: {  	[tilespmem:s24+$0x3800] =	vst v2;
	v2 =	vadd.s32 $0x4001, v4  }
0x6e: {  	[tilespmem:s24+$0x4000] =	vst v2;
	v2 =	vadd.s32 $0x81, v4  }
0x6f: {  	[tilespmem:s24+$0x4800] =	vst v2;
	v2 =	vadd.s32 $0x4081, v4  }
0x70: {  	s25 =	simm.s32 $0x5800;
	[tilespmem:s24+$0x5000] =	vst v2;
	s24 =	simm.s32 $0x1800  }
0x71: {  	[tilespmem:s25], [sflag:$0x1] =	stream.indirect.gather [hbm4b:s1+s17], $0x1, s24, s17, $0xb8;
	[tilespmem:$0x1A000] =	vst v63  }
0x72: {  	s26 =	simm.s32 $0x1A00;
	s28 =	simm.s32 $0x5A00  }
0x73: {  	[tilespmem:s28], [sflag:$0x1] =	stream.indirect.gather [hbm4b:s1+s17], $0x1, s26, s17, $0xb8;
	[tilespmem:$0x1A000] =	vst v63  }
0x74: {  	s24 =	simm.s32 $0x1C00;
	s25 =	simm.s32 $0x5C00  }
0x75: {  	[tilespmem:s25], [sflag:$0x1] =	stream.indirect.gather [hbm4b:s1+s17], $0x1, s24, s17, $0xb8;
	[tilespmem:$0x1A000] =	vst v63  }
0x76: {  	s26 =	simm.s32 $0x1E00;
	s28 =	simm.s32 $0x5E00  }
0x77: {  	[tilespmem:s28], [sflag:$0x1] =	stream.indirect.gather [hbm4b:s1+s17], $0x1, s26, s17, $0xb8;
	[tilespmem:$0x1A000] =	vst v63  }
0x78: {  	s24 =	simm.s32 $0x2000;
	s25 =	simm.s32 $0x6000  }
0x79: {  	[tilespmem:s25], [sflag:$0x1] =	stream.indirect.gather [hbm4b:s1+s17], $0x1, s24, s17, $0xb8;
	[tilespmem:$0x1A000] =	vst v63  }
0x7a: {  	s26 =	simm.s32 $0x2200;
	s28 =	simm.s32 $0x6200  }
0x7b: {  	[tilespmem:s28], [sflag:$0x1] =	stream.indirect.gather [hbm4b:s1+s17], $0x1, s26, s17, $0xb8;
	[tilespmem:$0x1A000] =	vst v63  }
0x7c: {  	s24 =	simm.s32 $0x2400;
	s25 =	simm.s32 $0x6400  }
0x7d: {  	[tilespmem:s25], [sflag:$0x1] =	stream.indirect.gather [hbm4b:s1+s17], $0x1, s24, s17, $0xb8;
	[tilespmem:$0x1A000] =	vst v63  }
0x7e: {  	s26 =	simm.s32 $0x2600;
	s28 =	simm.s32 $0x6600  }
0x7f: {  	[tilespmem:s28], [sflag:$0x1] =	stream.indirect.gather [hbm4b:s1+s17], $0x1, s26, s17, $0xb8;
	[tilespmem:$0x1A000] =	vst v63  }
0x80: {  	s24 =	simm.s32 $0x2800;
	s25 =	simm.s32 $0x6800  }
0x81: {  	[tilespmem:s25], [sflag:$0x1] =	stream.indirect.gather [hbm4b:s1+s17], $0x1, s24, s17, $0xb8;
	[tilespmem:$0x1A000] =	vst v63  }
0x82: {  	s26 =	simm.s32 $0x2A00;
	s28 =	simm.s32 $0x6A00  }
0x83: {  	[tilespmem:s28], [sflag:$0x1] =	stream.indirect.gather [hbm4b:s1+s17], $0x1, s26, s17, $0xb8;
	[tilespmem:$0x1A000] =	vst v63  }
0x84: {  	s24 =	simm.s32 $0x2C00;
	s25 =	simm.s32 $0x6C00  }
0x85: {  	[tilespmem:s25], [sflag:$0x1] =	stream.indirect.gather [hbm4b:s1+s17], $0x1, s24, s17, $0xb8;
	[tilespmem:$0x1A000] =	vst v63  }
0x86: {  	s26 =	simm.s32 $0x2E00;
	s28 =	simm.s32 $0x6E00  }
0x87: {  	[tilespmem:s28], [sflag:$0x1] =	stream.indirect.gather [hbm4b:s1+s17], $0x1, s26, s17, $0xb8;
	[tilespmem:$0x1A000] =	vst v63  }
0x88: {  	s24 =	simm.s32 $0x3000;
	s25 =	simm.s32 $0x7000  }
0x89: {  	[tilespmem:s25], [sflag:$0x1] =	stream.indirect.gather [hbm4b:s1+s17], $0x1, s24, s17, $0xb8;
	[tilespmem:$0x1A000] =	vst v63  }
0x8a: {  	s26 =	simm.s32 $0x3200;
	s28 =	simm.s32 $0x7200  }
0x8b: {  	[tilespmem:s28], [sflag:$0x1] =	stream.indirect.gather [hbm4b:s1+s17], $0x1, s26, s17, $0xb8;
	[tilespmem:$0x1A000] =	vst v63  }
0x8c: {  	s24 =	simm.s32 $0x3400;
	s25 =	simm.s32 $0x7400  }
0x8d: {  	[tilespmem:s25], [sflag:$0x1] =	stream.indirect.gather [hbm4b:s1+s17], $0x1, s24, s17, $0xb8;
	[tilespmem:$0x1A000] =	vst v63  }
0x8e: {  	s26 =	simm.s32 $0x3600;
	s28 =	simm.s32 $0x7600  }
0x8f: {  	[tilespmem:s28], [sflag:$0x1] =	stream.indirect.gather [hbm4b:s1+s17], $0x1, s26, s17, $0xb8;
	[tilespmem:$0x1A000] =	vst v63  }
0x90: {  	s24 =	simm.s32 $0x3800;
	s25 =	simm.s32 $0x7800  }
0x91: {  	[tilespmem:s25], [sflag:$0x1] =	stream.indirect.gather [hbm4b:s1+s17], $0x1, s24, s17, $0xb8;
	[tilespmem:$0x1A000] =	vst v63  }
0x92: {  	s26 =	simm.s32 $0x3A00;
	s28 =	simm.s32 $0x7A00  }
0x93: {  	[tilespmem:s28], [sflag:$0x1] =	stream.indirect.gather [hbm4b:s1+s17], $0x1, s26, s17, $0xb8;
	[tilespmem:$0x1A000] =	vst v63  }
0x94: {  	s24 =	simm.s32 $0x3C00;
	s25 =	simm.s32 $0x7C00  }
0x95: {  	[tilespmem:s25], [sflag:$0x1] =	stream.indirect.gather [hbm4b:s1+s17], $0x1, s24, s17, $0xb8;
	[tilespmem:$0x1A000] =	vst v63  }
0x96: {  	s26 =	simm.s32 $0x3E00;
	s28 =	simm.s32 $0x7E00  }
0x97: {  	[tilespmem:s28], [sflag:$0x1] =	stream.indirect.gather [hbm4b:s1+s17], $0x1, s26, s17, $0xb8;
	[tilespmem:$0x1A000] =	vst v63  }
0x98: {  	s24 =	simm.s32 $0x4000;
	s25 =	simm.s32 $0x8000  }
0x99: {  	[tilespmem:s25], [sflag:$0x1] =	stream.indirect.gather [hbm4b:s1+s17], $0x1, s24, s17, $0xb8;
	[tilespmem:$0x1A000] =	vst v63  }
0x9a: {  	s26 =	simm.s32 $0x4200;
	s28 =	simm.s32 $0x8200  }
0x9b: {  	[tilespmem:s28], [sflag:$0x1] =	stream.indirect.gather [hbm4b:s1+s17], $0x1, s26, s17, $0xb8;
	[tilespmem:$0x1A000] =	vst v63  }
0x9c: {  	s24 =	simm.s32 $0x4400;
	s25 =	simm.s32 $0x8400  }
0x9d: {  	[tilespmem:s25], [sflag:$0x1] =	stream.indirect.gather [hbm4b:s1+s17], $0x1, s24, s17, $0xb8;
	[tilespmem:$0x1A000] =	vst v63  }
0x9e: {  	s26 =	simm.s32 $0x4600;
	s28 =	simm.s32 $0x8600  }
0x9f: {  	[tilespmem:s28], [sflag:$0x1] =	stream.indirect.gather [hbm4b:s1+s17], $0x1, s26, s17, $0xb8;
	[tilespmem:$0x1A000] =	vst v63  }
0xa0: {  	s24 =	simm.s32 $0x4800;
	s25 =	simm.s32 $0x8800  }
0xa1: {  	[tilespmem:s25], [sflag:$0x1] =	stream.indirect.gather [hbm4b:s1+s17], $0x1, s24, s17, $0xb8;
	[tilespmem:$0x1A000] =	vst v63  }
0xa2: {  	s26 =	simm.s32 $0x4A00;
	s28 =	simm.s32 $0x8A00  }
0xa3: {  	[tilespmem:s28], [sflag:$0x1] =	stream.indirect.gather [hbm4b:s1+s17], $0x1, s26, s17, $0xb8;
	[tilespmem:$0x1A000] =	vst v63  }
0xa4: {  	s24 =	simm.s32 $0x4C00;
	s25 =	simm.s32 $0x8C00  }
0xa5: {  	[tilespmem:s25], [sflag:$0x1] =	stream.indirect.gather [hbm4b:s1+s17], $0x1, s24, s17, $0xb8;
	[tilespmem:$0x1A000] =	vst v63  }
0xa6: {  	s26 =	simm.s32 $0x4E00;
	s28 =	simm.s32 $0x8E00  }
0xa7: {  	[tilespmem:s28], [sflag:$0x1] =	stream.indirect.gather [hbm4b:s1+s17], $0x1, s26, s17, $0xb8;
	[tilespmem:$0x1A000] =	vst v63  }
0xa8: {  	s24 =	simm.s32 $0x5000;
	s25 =	simm.s32 $0x9000  }
0xa9: {  	[tilespmem:s25], [sflag:$0x1] =	stream.indirect.gather [hbm4b:s1+s17], $0x1, s24, s17, $0xb8;
	[tilespmem:$0x1A000] =	vst v63  }
0xaa: {  	s26 =	simm.s32 $0x5200;
	s28 =	simm.s32 $0x9200  }
0xab: {  	[tilespmem:s28], [sflag:$0x1] =	stream.indirect.gather [hbm4b:s1+s17], $0x1, s26, s17, $0xb8;
	[tilespmem:$0x1A000] =	vst v63  }
.Ltmp3:
0xac: {  	_ = 	snop;
	(pc) =	sbr.rel .LBB2_4-.Ltmp3, $4  }
0xad: {  	s24 =	simm.s32 $0x5400;
	s25 =	simm.s32 $0x9400  }
0xae: {  	[tilespmem:s25], [sflag:$0x1] =	stream.indirect.gather [hbm4b:s1+s17], $0x1, s24, s17, $0xb8;
	[tilespmem:$0x1A000] =	vst v63  }
0xaf: {  	s22 =	simm.s32 $0x0;
	s26 =	simm.s32 $0x5600;
	s28 =	simm.s32 $0x9600  }
0xb0: {  	[tilespmem:s28], [sflag:$0x1] =	stream.indirect.gather [hbm4b:s1+s17], $0x1, s26, s17, $0xb8;
	[tilespmem:$0x1A000] =	vst v63  }
.LBB2_16:
0xb1: {  	v13 =	vld [tilespmem:s24+$0x15800];
	_ =	sdelay $0x1  }
0xb2: {  	v14 =	vld [tilespmem:s24+$0x17800];
	v4 =	vmul.f32 v4, v2;
	v5 =	vmul.f32 v5, v3  }
0xb3: {  	v15 =	vld [tilespmem:s24+$0x18000];
	v6 =	vmul.f32 v6, v2;
	v8 =	vmul.f32 v8, v3  }
0xb4: {  	v7 =	vmul.f32 v7, v2;
	v10 =	vmul.f32 v10, v3  }
0xb5: {  	v11 =	vadd.f32 v11, v12;
	v2 =	vmul.f32 v9, v2;
	v3 =	vmul.f32 v13, v3  }
0xb6: {  	v4 =	vadd.f32 v5, v4;
	v62 =	vadd.f32 v8, v6  }
0xb7: {  	v61 =	vld [tilespmem:s24+$0x18800];
	[tilespmem:s23+$0x19800] =	vst v11;
	v63 =	vadd.f32 v10, v7;
	v2 =	vadd.f32 v3, v2  }
0xb8: {  	v5 =	vmul.f32 v62, v14;
	v4 =	vmul.f32 v4, v15;
	v3 =	vld [tilespmem:s24+$0x19000]  }
0xb9: {  	v6 =	vmul.f32 v63, v15;
	v2 =	vmul.f32 v2, v14;
	_ =	sdelay $0x1  }
0xba: {  	v4 =	vadd.f32 v5, v4;
	v2 =	vadd.f32 v2, v6;
	_ =	sdelay $0x1  }
0xbb: {  	v3 =	vmul.f32 v4, v3;
	v2 =	vmul.f32 v2, v61  }
0xbc: {  	s28 =	sshll.u32 s22, $0xB  }
0xbd: {  	s23 =	sadd.s32 s8, s28;
	v2 =	vadd.f32 v2, v3  }
0xbe: {  	s23 =	sshrl.u32 s23, $0x3  }
0xbf: {  	s23 =	sadd.s32 s2, s23;
	[tilespmem:s24+$0x19800] =	vst v2  }
0xc0: {  	[hbm4b:s23+s3] =	stream.linear.scatter [tilespmem:s21], [sflag:$0x3], $0x800, $0x38;
	[tilespmem:$0x1A000] =	vst v63  }
0xc1: {  	s23 =	simm.s32 $0x3  }
.LBB2_17:
0xc2: {  	s22 =	sadd.s32 $0x1, s22  }
0xc3: {  	p0 =	sne.s32 s22, $0x10  }
.Ltmp4:
0xc4: {  	_ = 	snop;
	(pc) =	sbr.rel @!p0 .LBB2_18-.Ltmp4, $4  }
0xc5: {  	_ = 	snop  }
0xc6: {  	_ =	swait.ge [sflag:s23], $0x800  }
0xc7: {  	[sflag:s23] =	ssyncset.done $0x0  }
0xc8: {  	[sflag:s23] =	ssyncadd.s32 $0xFFFFF800  }
.LBB2_4:
0xc9: {  	s23 =	sand.u32 $0x1, s22  }
0xca: {  	p0 =	seq.s32 s23, $0x1  }
.Ltmp5:
0xcb: {  	_ = 	snop;
	(pc) =	sbr.rel @p0 .LBB2_10-.Ltmp5, $1  }
0xcc: {  	_ =	sdelay $0x3  }
0xcd: {  	s23 =	sshll.u32 s22, $0xB  }
0xce: {  	s23 =	sor.u32 s23, s8  }
0xcf: {  	s23 =	sshrl.u32 s23, $0x3  }
0xd0: {  	s24 =	sor.u32 $0x100, s23  }
0xd1: {  	s26 =	simm.s32 $0x0;
	s28 =	simm.s32 $0xD000;
	s25 =	sadd.s32 s5, s24  }
0xd2: {  	[tilespmem:s28], [sflag:$0x4] =	stream.linear.gather [hbm4b:s25+s26], $0x800, $0x38;
	[tilespmem:$0x1A000] =	vst v63  }
0xd3: {  	_ =	swait.ge [sflag:s16], $0x800  }
0xd4: {  	[sflag:s16] =	ssyncset.done $0x0  }
0xd5: {  	s25 =	sadd.s32 s6, s24;
	s28 =	simm.s32 $0xD800;
	[sflag:s16] =	ssyncadd.s32 $0xFFFFF800  }
0xd6: {  	[tilespmem:s28], [sflag:$0x4] =	stream.linear.gather [hbm4b:s25+s26], $0x800, $0x38;
	[tilespmem:$0x1A000] =	vst v63  }
0xd7: {  	_ =	swait.ge [sflag:s16], $0x800  }
0xd8: {  	[sflag:s16] =	ssyncset.done $0x0  }
0xd9: {  	s24 =	sadd.s32 s7, s24;
	s25 =	simm.s32 $0xE000;
	[sflag:s16] =	ssyncadd.s32 $0xFFFFF800  }
0xda: {  	[tilespmem:s25], [sflag:$0x4] =	stream.linear.gather [hbm4b:s24+s26], $0x800, $0x38;
	[tilespmem:$0x1A000] =	vst v63  }
0xdb: {  	_ =	swait.ge [sflag:s16], $0x800  }
0xdc: {  	[sflag:s16] =	ssyncset.done $0x0  }
0xdd: {  	s25 =	simm.s32 $0x0;
	[sflag:s16] =	ssyncadd.s32 $0xFFFFF800  }
0xde: {  	v2 =	vld [tilespmem:s25+$0xE000]  }
0xdf: {  	v3 =	vld [tilespmem:s25+$0xD000]  }
0xe0: {  	v4 =	vld [tilespmem:s25+$0xD800];
	_ =	sdelay $0x2  }
0xe1: {  	v2 =	vmul.f32 $1.280000000e+02, v2  }
0xe2: {  	v3 =	vmul.f32 $1.280000000e+02, v3  }
0xe3: {  	v4 =	vmul.f32 $1.280000000e+02, v4;
	v2 =	vmax.f32 v2, $1.000000050e-03  }
0xe4: {  	v3 =	vmax.f32 v3, $1.000000050e-03;
	v5 =	vmin.f32 v2, $1.269990010e+02  }
0xe5: {  	v3 =	vmin.f32 v3, $1.269990010e+02;
	v2 =	vmax.f32 v4, $1.000000050e-03;
	v4 =	vtrunc.f32 v5  }
0xe6: {  	v6 =	vtrunc.f32 v3;
	v7 =	vmin.f32 v2, $1.269990010e+02;
	v2 =	vcvt.f32.s32 v4  }
0xe7: {  	v4 =	vcvt.f32.s32 v6;
	v6 =	vtrunc.f32 v7  }
0xe8: {  	v6 =	vcvt.f32.s32 v6  }
0xe9: {  	v8 =	vcvt.s32.f32 v2;
	v9 =	vcvt.s32.f32 v4;
	v4 =	vshll.u32 v4, $0xE  }
0xea: {  	s24 =	simm.s32 $0x10;
	v10 =	vcvt.s32.f32 v6;
	v4 =	vadd.s32 v0, v4;
	v6 =	vshll.u32 v6, $0x7  }
0xeb: {  	v12 =	vld [tilespmem:s24+$0xE000];
	v11 =	vsub.f32 v5, v8;
	v13 =	vsub.f32 v3, v9;
	v4 =	vadd.s32 v6, v4  }
0xec: {  	v14 =	vld [tilespmem:s24+$0xD000];
	v15 =	vsub.f32 v7, v10;
	v2 =	vadd.s32 v2, v4  }
0xed: {  	v6 =	vld [tilespmem:s24+$0xD800];
	vm0 =	vgt.f32 v11, $0.0e+00;
	vm1 =	vgt.f32 v13, $0.0e+00;
	[tilespmem:s25+$0x16800] =	vst v13;
	v13 =	vadd.s32 $0x4000, v2  }
0xee: {  	[tilespmem:s25+$0xE800] =	vst v2;
	v16 =	vsel vm0, $0x3F800000, v1;
	v4 =	vsel vm1, $0x3F800000, v1;
	vm15 =	vgt.f32 v15, $0.0e+00  }
0xef: {  	[tilespmem:s25+$0x18800] =	vst v11;
	v8 =	vadd.f32 v8, v16;
	v4 =	vadd.f32 v9, v4;
	v9 =	vsel vm15, $0x3F800000, v1  }
0xf0: {  	v12 =	vmul.f32 $1.280000000e+02, v12;
	[tilespmem:s25+$0xF000] =	vst v13;
	v13 =	vadd.s32 $0x81, v2;
	v9 =	vadd.f32 v10, v9  }
0xf1: {  	[tilespmem:s25+$0x17800] =	vst v15;
	v10 =	vadd.s32 $0x80, v2;
	v5 =	vsub.f32 v8, v5;
	v8 =	vmul.f32 $1.280000000e+02, v14  }
0xf2: {  	[tilespmem:s25+$0x11800] =	vst v13;
	v3 =	vsub.f32 v4, v3;
	v4 =	vmul.f32 $1.280000000e+02, v6;
	v6 =	vmax.f32 v12, $1.000000050e-03  }
0xf3: {  	v7 =	vsub.f32 v9, v7;
	[tilespmem:s25+$0x19000] =	vst v5;
	v8 =	vmax.f32 v8, $1.000000050e-03;
	v5 =	vmin.f32 v6, $1.269990010e+02  }
0xf4: {  	[tilespmem:s25+$0x17000] =	vst v3;
	v4 =	vmax.f32 v4, $1.000000050e-03;
	v3 =	vmin.f32 v8, $1.269990010e+02;
	v8 =	vtrunc.f32 v5  }
0xf5: {  	[tilespmem:s25+$0x18000] =	vst v7;
	v4 =	vmin.f32 v4, $1.269990010e+02;
	v9 =	vtrunc.f32 v3;
	v7 =	vcvt.f32.s32 v8  }
0xf6: {  	[tilespmem:s25+$0xF800] =	vst v10;
	v6 =	vadd.s32 $0x4080, v2;
	v8 =	vtrunc.f32 v4;
	v10 =	vcvt.f32.s32 v9  }
0xf7: {  	[tilespmem:s25+$0x10000] =	vst v6;
	v6 =	vadd.s32 $0x1, v2;
	v11 =	vcvt.f32.s32 v8;
	v8 =	vcvt.s32.f32 v7  }
0xf8: {  	[tilespmem:s25+$0x10800] =	vst v6;
	v6 =	vadd.s32 $0x4001, v2;
	v9 =	vcvt.s32.f32 v10;
	v12 =	vshll.u32 v10, $0xE  }
0xf9: {  	s28 =	simm.s32 $0xC0;
	s26 =	simm.s32 $0x20;
	[tilespmem:s25+$0x11000] =	vst v6;
	v10 =	vcvt.s32.f32 v11;
	v6 =	vsub.f32 v5, v8;
	v12 =	vadd.s32 v0, v12  }
.LBB2_6:
0xfa: {  	p0 =	sne.s32 s28, $0x1FC0;
	v13 =	vld [tilespmem:s26+$0xE000];
	v14 =	vsub.f32 v3, v9;
	v11 =	vshll.u32 v11, $0x7;
	v2 =	vadd.s32 $0x4081, v2  }
0xfb: {  	v15 =	vld [tilespmem:s26+$0xD000];
	v16 =	vsub.f32 v4, v10;
	vm0 =	vgt.f32 v6, $0.0e+00;
	v11 =	vadd.s32 v11, v12;
	[tilespmem:s25+$0x12000] =	vst v2;
	s25 =	smov.u32 s24;
	s24 =	smov.u32 s26  }
0xfc: {  	v12 =	vld [tilespmem:s24+$0xD800];
	vm1 =	vgt.f32 v14, $0.0e+00;
	v17 =	vsel vm0, $0x3F800000, v1;
	v2 =	vadd.s32 v7, v11;
	[tilespmem:s25+$0x16800] =	vst v14  }
0xfd: {  	v7 =	vsel vm1, $0x3F800000, v1;
	vm0 =	vgt.f32 v16, $0.0e+00;
	v8 =	vadd.f32 v8, v17;
	[tilespmem:s25+$0xE800] =	vst v2  }
0xfe: {  	v11 =	vadd.s32 $0x4000, v2;
	v7 =	vadd.f32 v9, v7;
	v9 =	vsel vm0, $0x3F800000, v1;
	[tilespmem:s25+$0x17800] =	vst v16  }
0xff: {  	v13 =	vmul.f32 $1.280000000e+02, v13;
	v9 =	vadd.f32 v10, v9;
	v5 =	vsub.f32 v8, v5;
	[tilespmem:s25+$0xF000] =	vst v11  }
0x100: {  	v10 =	vadd.s32 $0x80, v2;
	v8 =	vmul.f32 $1.280000000e+02, v15;
	v3 =	vsub.f32 v7, v3;
	[tilespmem:s25+$0x18800] =	vst v6  }
0x101: {  	v6 =	vmul.f32 $1.280000000e+02, v12;
	v7 =	vmax.f32 v13, $1.000000050e-03;
	v4 =	vsub.f32 v9, v4;
	[tilespmem:s25+$0x19000] =	vst v5  }
0x102: {  	v9 =	vadd.s32 $0x4080, v2;
	v8 =	vmax.f32 v8, $1.000000050e-03;
	v5 =	vmin.f32 v7, $1.269990010e+02;
	[tilespmem:s25+$0x17000] =	vst v3  }
0x103: {  	v3 =	vmin.f32 v8, $1.269990010e+02;
	v6 =	vmax.f32 v6, $1.000000050e-03;
	v7 =	vtrunc.f32 v5;
	[tilespmem:s25+$0x18000] =	vst v4  }
.Ltmp6:
0x104: {  	v8 =	vtrunc.f32 v3;
	v4 =	vmin.f32 v6, $1.269990010e+02;
	v7 =	vcvt.f32.s32 v7;
	[tilespmem:s25+$0xF800] =	vst v10;
	(pc) =	sbr.rel @p0 .LBB2_6-.Ltmp6, $4  }
0x105: {  	v6 =	vcvt.f32.s32 v8;
	v8 =	vtrunc.f32 v4;
	[tilespmem:s25+$0x10000] =	vst v9;
	v9 =	vadd.s32 $0x1, v2  }
0x106: {  	v10 =	vadd.s32 $0x4001, v2;
	v11 =	vcvt.f32.s32 v8;
	v8 =	vcvt.s32.f32 v7;
	[tilespmem:s25+$0x10800] =	vst v9  }
0x107: {  	v13 =	vadd.s32 $0x81, v2;
	v9 =	vcvt.s32.f32 v6;
	v12 =	vshll.u32 v6, $0xE;
	[tilespmem:s25+$0x11000] =	vst v10  }
0x108: {  	s26 =	sshra.s32 s28, $0x2;
	s28 =	sadd.s32 $0x40, s28;
	v10 =	vcvt.s32.f32 v11;
	v6 =	vsub.f32 v5, v8;
	v12 =	vadd.s32 v0, v12;
	[tilespmem:s25+$0x11800] =	vst v13  }
0x109: {  	v13 =	vld [tilespmem:s26+$0xE000];
	v14 =	vsub.f32 v3, v9;
	v11 =	vshll.u32 v11, $0x7;
	v2 =	vadd.s32 $0x4081, v2  }
0x10a: {  	v15 =	vld [tilespmem:s26+$0xD000];
	v16 =	vsub.f32 v4, v10;
	vm0 =	vgt.f32 v6, $0.0e+00;
	v11 =	vadd.s32 v11, v12;
	[tilespmem:s25+$0x12000] =	vst v2  }
0x10b: {  	v2 =	vld [tilespmem:s26+$0xD800];
	vm1 =	vgt.f32 v14, $0.0e+00;
	v12 =	vsel vm0, $0x3F800000, v1;
	v7 =	vadd.s32 v7, v11  }
0x10c: {  	[tilespmem:s24+$0x16800] =	vst v14;
	v11 =	vsel vm1, $0x3F800000, v1;
	vm12 =	vgt.f32 v16, $0.0e+00;
	v8 =	vadd.f32 v8, v12  }
0x10d: {  	[tilespmem:s24+$0x18800] =	vst v6;
	v12 =	vadd.s32 $0x4000, v7;
	v9 =	vadd.f32 v9, v11;
	v11 =	vsel vm12, $0x3F800000, v1  }
0x10e: {  	[tilespmem:s24+$0xF000] =	vst v12;
	v12 =	vadd.s32 $0x81, v7;
	v13 =	vmul.f32 $1.280000000e+02, v13;
	v10 =	vadd.f32 v10, v11  }
0x10f: {  	[tilespmem:s24+$0xE800] =	vst v7;
	v5 =	vsub.f32 v8, v5;
	v8 =	vmul.f32 $1.280000000e+02, v15;
	v3 =	vsub.f32 v9, v3  }
0x110: {  	[tilespmem:s24+$0x17800] =	vst v16;
	v9 =	vadd.s32 $0x80, v7;
	v2 =	vmul.f32 $1.280000000e+02, v2;
	v6 =	vmax.f32 v13, $1.000000050e-03  }
0x111: {  	v4 =	vsub.f32 v10, v4;
	[tilespmem:s24+$0x19000] =	vst v5;
	v5 =	vmax.f32 v8, $1.000000050e-03;
	v6 =	vmin.f32 v6, $1.269990010e+02  }
0x112: {  	[tilespmem:s24+$0x17000] =	vst v3;
	v3 =	vmin.f32 v5, $1.269990010e+02;
	v2 =	vmax.f32 v2, $1.000000050e-03;
	v5 =	vtrunc.f32 v6  }
0x113: {  	[tilespmem:s24+$0x18000] =	vst v4;
	v4 =	vtrunc.f32 v3;
	v2 =	vmin.f32 v2, $1.269990010e+02;
	v5 =	vcvt.f32.s32 v5  }
0x114: {  	v8 =	vadd.s32 $0x4080, v7;
	[tilespmem:s24+$0xF800] =	vst v9;
	v4 =	vcvt.f32.s32 v4;
	v9 =	vtrunc.f32 v2  }
0x115: {  	v10 =	vadd.s32 $0x1, v7;
	[tilespmem:s24+$0x10000] =	vst v8;
	v8 =	vcvt.f32.s32 v9;
	v9 =	vcvt.s32.f32 v5  }
0x116: {  	v11 =	vadd.s32 $0x4001, v7;
	[tilespmem:s24+$0x10800] =	vst v10;
	v10 =	vcvt.s32.f32 v4;
	v4 =	vshll.u32 v4, $0xE  }
0x117: {  	[tilespmem:s24+$0x11800] =	vst v12;
	v7 =	vadd.s32 $0x4081, v7;
	v4 =	vadd.s32 v0, v4;
	v13 =	vsub.f32 v6, v9  }
0x118: {  	[tilespmem:s24+$0x11000] =	vst v11;
	v11 =	vcvt.s32.f32 v8;
	v12 =	vsub.f32 v3, v10;
	v8 =	vshll.u32 v8, $0x7  }
0x119: {  	[tilespmem:s24+$0x12000] =	vst v7;
	v4 =	vadd.s32 v8, v4;
	vm13 =	vgt.f32 v13, $0.0e+00  }
0x11a: {  	v14 =	vsub.f32 v2, v11;
	vm14 =	vgt.f32 v12, $0.0e+00;
	[tilespmem:s26+$0x16800] =	vst v12;
	v7 =	vsel vm13, $0x3F800000, v1  }
0x11b: {  	v4 =	vadd.s32 v5, v4;
	[tilespmem:s26+$0x18800] =	vst v13;
	v5 =	vsel vm14, $0x3F800000, v1;
	v7 =	vadd.f32 v9, v7  }
0x11c: {  	[tilespmem:s26+$0xE800] =	vst v4;
	vm15 =	vgt.f32 v14, $0.0e+00;
	v5 =	vadd.f32 v10, v5  }
0x11d: {  	v9 =	vadd.s32 $0x4000, v4;
	[tilespmem:s26+$0x17800] =	vst v14;
	v8 =	vsel vm15, $0x3F800000, v1;
	v6 =	vsub.f32 v7, v6  }
0x11e: {  	[tilespmem:s26+$0xF000] =	vst v9;
	v8 =	vadd.f32 v11, v8;
	v3 =	vsub.f32 v5, v3  }
0x11f: {  	[tilespmem:s26+$0x19000] =	vst v6  }
0x120: {  	v2 =	vsub.f32 v8, v2;
	[tilespmem:s26+$0x17000] =	vst v3;
	v3 =	vadd.s32 $0x80, v4  }
0x121: {  	[tilespmem:s26+$0xF800] =	vst v3  }
0x122: {  	[tilespmem:s26+$0x18000] =	vst v2;
	v2 =	vadd.s32 $0x4080, v4  }
0x123: {  	[tilespmem:s26+$0x10000] =	vst v2;
	v2 =	vadd.s32 $0x1, v4  }
0x124: {  	[tilespmem:s26+$0x10800] =	vst v2;
	v2 =	vadd.s32 $0x4001, v4  }
0x125: {  	[tilespmem:s26+$0x11000] =	vst v2;
	v2 =	vadd.s32 $0x81, v4  }
0x126: {  	[tilespmem:s26+$0x11800] =	vst v2;
	v2 =	vadd.s32 $0x4081, v4  }
0x127: {  	s28 =	simm.s32 $0x12800;
	[tilespmem:s26+$0x12000] =	vst v2;
	s26 =	simm.s32 $0xE800  }
0x128: {  	[tilespmem:s28], [sflag:$0x2] =	stream.indirect.gather [hbm4b:s1+s17], $0x1, s26, s17, $0xb8;
	[tilespmem:$0x1A000] =	vst v63  }
0x129: {  	s26 =	simm.s32 $0xEA00;
	s28 =	simm.s32 $0x12A00  }
0x12a: {  	[tilespmem:s28], [sflag:$0x2] =	stream.indirect.gather [hbm4b:s1+s17], $0x1, s26, s17, $0xb8;
	[tilespmem:$0x1A000] =	vst v63  }
0x12b: {  	s26 =	simm.s32 $0xEC00;
	s28 =	simm.s32 $0x12C00  }
0x12c: {  	[tilespmem:s28], [sflag:$0x2] =	stream.indirect.gather [hbm4b:s1+s17], $0x1, s26, s17, $0xb8;
	[tilespmem:$0x1A000] =	vst v63  }
0x12d: {  	s26 =	simm.s32 $0xEE00;
	s28 =	simm.s32 $0x12E00  }
0x12e: {  	[tilespmem:s28], [sflag:$0x2] =	stream.indirect.gather [hbm4b:s1+s17], $0x1, s26, s17, $0xb8;
	[tilespmem:$0x1A000] =	vst v63  }
0x12f: {  	s26 =	simm.s32 $0xF000;
	s28 =	simm.s32 $0x13000  }
0x130: {  	[tilespmem:s28], [sflag:$0x2] =	stream.indirect.gather [hbm4b:s1+s17], $0x1, s26, s17, $0xb8;
	[tilespmem:$0x1A000] =	vst v63  }
0x131: {  	s26 =	simm.s32 $0xF200;
	s28 =	simm.s32 $0x13200  }
0x132: {  	[tilespmem:s28], [sflag:$0x2] =	stream.indirect.gather [hbm4b:s1+s17], $0x1, s26, s17, $0xb8;
	[tilespmem:$0x1A000] =	vst v63  }
0x133: {  	s26 =	simm.s32 $0xF400;
	s28 =	simm.s32 $0x13400  }
0x134: {  	[tilespmem:s28], [sflag:$0x2] =	stream.indirect.gather [hbm4b:s1+s17], $0x1, s26, s17, $0xb8;
	[tilespmem:$0x1A000] =	vst v63  }
0x135: {  	s26 =	simm.s32 $0xF600;
	s28 =	simm.s32 $0x13600  }
0x136: {  	[tilespmem:s28], [sflag:$0x2] =	stream.indirect.gather [hbm4b:s1+s17], $0x1, s26, s17, $0xb8;
	[tilespmem:$0x1A000] =	vst v63  }
0x137: {  	s26 =	simm.s32 $0xF800;
	s28 =	simm.s32 $0x13800  }
0x138: {  	[tilespmem:s28], [sflag:$0x2] =	stream.indirect.gather [hbm4b:s1+s17], $0x1, s26, s17, $0xb8;
	[tilespmem:$0x1A000] =	vst v63  }
0x139: {  	s26 =	simm.s32 $0xFA00;
	s28 =	simm.s32 $0x13A00  }
0x13a: {  	[tilespmem:s28], [sflag:$0x2] =	stream.indirect.gather [hbm4b:s1+s17], $0x1, s26, s17, $0xb8;
	[tilespmem:$0x1A000] =	vst v63  }
0x13b: {  	s26 =	simm.s32 $0xFC00;
	s28 =	simm.s32 $0x13C00  }
0x13c: {  	[tilespmem:s28], [sflag:$0x2] =	stream.indirect.gather [hbm4b:s1+s17], $0x1, s26, s17, $0xb8;
	[tilespmem:$0x1A000] =	vst v63  }
0x13d: {  	s26 =	simm.s32 $0xFE00;
	s28 =	simm.s32 $0x13E00  }
0x13e: {  	[tilespmem:s28], [sflag:$0x2] =	stream.indirect.gather [hbm4b:s1+s17], $0x1, s26, s17, $0xb8;
	[tilespmem:$0x1A000] =	vst v63  }
0x13f: {  	s26 =	simm.s32 $0x10000;
	s28 =	simm.s32 $0x14000  }
0x140: {  	[tilespmem:s28], [sflag:$0x2] =	stream.indirect.gather [hbm4b:s1+s17], $0x1, s26, s17, $0xb8;
	[tilespmem:$0x1A000] =	vst v63  }
0x141: {  	s26 =	simm.s32 $0x10200;
	s28 =	simm.s32 $0x14200  }
0x142: {  	[tilespmem:s28], [sflag:$0x2] =	stream.indirect.gather [hbm4b:s1+s17], $0x1, s26, s17, $0xb8;
	[tilespmem:$0x1A000] =	vst v63  }
0x143: {  	s26 =	simm.s32 $0x10400;
	s28 =	simm.s32 $0x14400  }
0x144: {  	[tilespmem:s28], [sflag:$0x2] =	stream.indirect.gather [hbm4b:s1+s17], $0x1, s26, s17, $0xb8;
	[tilespmem:$0x1A000] =	vst v63  }
0x145: {  	s26 =	simm.s32 $0x10600;
	s28 =	simm.s32 $0x14600  }
0x146: {  	[tilespmem:s28], [sflag:$0x2] =	stream.indirect.gather [hbm4b:s1+s17], $0x1, s26, s17, $0xb8;
	[tilespmem:$0x1A000] =	vst v63  }
0x147: {  	s26 =	simm.s32 $0x10800;
	s28 =	simm.s32 $0x14800  }
0x148: {  	[tilespmem:s28], [sflag:$0x2] =	stream.indirect.gather [hbm4b:s1+s17], $0x1, s26, s17, $0xb8;
	[tilespmem:$0x1A000] =	vst v63  }
0x149: {  	s26 =	simm.s32 $0x10A00;
	s28 =	simm.s32 $0x14A00  }
0x14a: {  	[tilespmem:s28], [sflag:$0x2] =	stream.indirect.gather [hbm4b:s1+s17], $0x1, s26, s17, $0xb8;
	[tilespmem:$0x1A000] =	vst v63  }
0x14b: {  	s26 =	simm.s32 $0x10C00;
	s28 =	simm.s32 $0x14C00  }
0x14c: {  	[tilespmem:s28], [sflag:$0x2] =	stream.indirect.gather [hbm4b:s1+s17], $0x1, s26, s17, $0xb8;
	[tilespmem:$0x1A000] =	vst v63  }
0x14d: {  	s26 =	simm.s32 $0x10E00;
	s28 =	simm.s32 $0x14E00  }
0x14e: {  	[tilespmem:s28], [sflag:$0x2] =	stream.indirect.gather [hbm4b:s1+s17], $0x1, s26, s17, $0xb8;
	[tilespmem:$0x1A000] =	vst v63  }
0x14f: {  	s26 =	simm.s32 $0x11000;
	s28 =	simm.s32 $0x15000  }
0x150: {  	[tilespmem:s28], [sflag:$0x2] =	stream.indirect.gather [hbm4b:s1+s17], $0x1, s26, s17, $0xb8;
	[tilespmem:$0x1A000] =	vst v63  }
0x151: {  	s26 =	simm.s32 $0x11200;
	s28 =	simm.s32 $0x15200  }
0x152: {  	[tilespmem:s28], [sflag:$0x2] =	stream.indirect.gather [hbm4b:s1+s17], $0x1, s26, s17, $0xb8;
	[tilespmem:$0x1A000] =	vst v63  }
0x153: {  	s26 =	simm.s32 $0x11400;
	s28 =	simm.s32 $0x15400  }
0x154: {  	[tilespmem:s28], [sflag:$0x2] =	stream.indirect.gather [hbm4b:s1+s17], $0x1, s26, s17, $0xb8;
	[tilespmem:$0x1A000] =	vst v63  }
0x155: {  	s26 =	simm.s32 $0x11600;
	s28 =	simm.s32 $0x15600  }
0x156: {  	[tilespmem:s28], [sflag:$0x2] =	stream.indirect.gather [hbm4b:s1+s17], $0x1, s26, s17, $0xb8;
	[tilespmem:$0x1A000] =	vst v63  }
0x157: {  	s26 =	simm.s32 $0x11800;
	s28 =	simm.s32 $0x15800  }
0x158: {  	[tilespmem:s28], [sflag:$0x2] =	stream.indirect.gather [hbm4b:s1+s17], $0x1, s26, s17, $0xb8;
	[tilespmem:$0x1A000] =	vst v63  }
0x159: {  	s26 =	simm.s32 $0x11A00;
	s28 =	simm.s32 $0x15A00  }
0x15a: {  	[tilespmem:s28], [sflag:$0x2] =	stream.indirect.gather [hbm4b:s1+s17], $0x1, s26, s17, $0xb8;
	[tilespmem:$0x1A000] =	vst v63  }
0x15b: {  	_ = 	snop  }
0x15c: {  	[tilespmem:s30], [sflag:$0x2] =	stream.indirect.gather [hbm4b:s1+s17], $0x1, s29, s17, $0xb8;
	[tilespmem:$0x1A000] =	vst v63  }
0x15d: {  	_ = 	snop  }
0x15e: {  	[tilespmem:s0], [sflag:$0x2] =	stream.indirect.gather [hbm4b:s1+s17], $0x1, s31, s17, $0xb8;
	[tilespmem:$0x1A000] =	vst v63  }
0x15f: {  	_ = 	snop  }
0x160: {  	[tilespmem:s9], [sflag:$0x2] =	stream.indirect.gather [hbm4b:s1+s17], $0x1, s4, s17, $0xb8;
	[tilespmem:$0x1A000] =	vst v63  }
0x161: {  	_ = 	snop  }
0x162: {  	[tilespmem:s11], [sflag:$0x2] =	stream.indirect.gather [hbm4b:s1+s17], $0x1, s10, s17, $0xb8;
	[tilespmem:$0x1A000] =	vst v63  }
0x163: {  	_ = 	snop  }
0x164: {  	[tilespmem:s14], [sflag:$0x2] =	stream.indirect.gather [hbm4b:s1+s17], $0x1, s13, s17, $0xb8;
	[tilespmem:$0x1A000] =	vst v63  }
0x165: {  	_ = 	snop  }
0x166: {  	[tilespmem:s15], [sflag:$0x2] =	stream.indirect.gather [hbm4b:s1+s17], $0x1, s12, s17, $0xb8;
	[tilespmem:$0x1A000] =	vst v63  }
0x167: {  	_ =	swait.ge [sflag:s18], $0x800  }
0x168: {  	[sflag:s18] =	ssyncset.done $0x0  }
0x169: {  	[sflag:s18] =	ssyncadd.s32 $0xFFFFF800  }
0x16a: {  	_ =	swait.ge [sflag:s18], $0x800  }
0x16b: {  	[sflag:s18] =	ssyncset.done $0x0  }
0x16c: {  	[sflag:s18] =	ssyncadd.s32 $0xFFFFF800  }
0x16d: {  	_ =	swait.ge [sflag:s18], $0x800  }
0x16e: {  	[sflag:s18] =	ssyncset.done $0x0  }
0x16f: {  	[sflag:s18] =	ssyncadd.s32 $0xFFFFF800  }
0x170: {  	_ =	swait.ge [sflag:s18], $0x800  }
0x171: {  	[sflag:s18] =	ssyncset.done $0x0  }
0x172: {  	[sflag:s18] =	ssyncadd.s32 $0xFFFFF800  }
0x173: {  	_ =	swait.ge [sflag:s18], $0x800  }
0x174: {  	[sflag:s18] =	ssyncset.done $0x0  }
0x175: {  	[sflag:s18] =	ssyncadd.s32 $0xFFFFF800  }
0x176: {  	_ =	swait.ge [sflag:s18], $0x800  }
0x177: {  	[sflag:s18] =	ssyncset.done $0x0  }
0x178: {  	[sflag:s18] =	ssyncadd.s32 $0xFFFFF800  }
0x179: {  	_ =	swait.ge [sflag:s18], $0x800  }
0x17a: {  	[sflag:s18] =	ssyncset.done $0x0  }
0x17b: {  	[sflag:s18] =	ssyncadd.s32 $0xFFFFF800  }
0x17c: {  	_ =	swait.ge [sflag:s18], $0x800  }
0x17d: {  	[sflag:s18] =	ssyncset.done $0x0  }
0x17e: {  	s24 =	simm.s32 $0x0;
	[sflag:s18] =	ssyncadd.s32 $0xFFFFF800  }
0x17f: {  	v3 =	vld [tilespmem:s24+$0x9800]  }
0x180: {  	v4 =	vld [tilespmem:s24+$0xA000]  }
0x181: {  	v2 =	vld [tilespmem:s24+$0x6000]  }
0x182: {  	v5 =	vld [tilespmem:s24+$0x5800]  }
0x183: {  	v6 =	vld [tilespmem:s24+$0x7000]  }
0x184: {  	v7 =	vld [tilespmem:s24+$0x6800]  }
0x185: {  	v8 =	vld [tilespmem:s24+$0x8000]  }
0x186: {  	v9 =	vld [tilespmem:s24+$0x7800]  }
0x187: {  	v10 =	vld [tilespmem:s24+$0x9000]  }
0x188: {  	v11 =	vld [tilespmem:s24+$0x8800]  }
0x189: {  	v12 =	vld [tilespmem:s24+$0xB800]  }
0x18a: {  	v13 =	vld [tilespmem:s24+$0xA800];
	v14 =	vmul.f32 v2, v3;
	v5 =	vmul.f32 v5, v4  }
0x18b: {  	v15 =	vld [tilespmem:s24+$0xB000];
	v6 =	vmul.f32 v6, v3;
	v7 =	vmul.f32 v7, v4  }
0x18c: {  	s25 =	simm.s32 $0x10;
	v63 =	vld [tilespmem:s24+$0xC000];
	v8 =	vmul.f32 v8, v3;
	v9 =	vmul.f32 v9, v4  }
0x18d: {  	v2 =	vld [tilespmem:s25+$0x9800];
	v10 =	vmul.f32 v10, v3;
	v11 =	vmul.f32 v11, v4  }
0x18e: {  	v3 =	vld [tilespmem:s25+$0xA000];
	v14 =	vadd.f32 v5, v14;
	v6 =	vadd.f32 v7, v6  }
0x18f: {  	v4 =	vld [tilespmem:s25+$0x6000];
	v7 =	vadd.f32 v9, v8;
	v8 =	vadd.f32 v11, v10  }
0x190: {  	v5 =	vld [tilespmem:s25+$0x5800];
	v9 =	vmul.f32 v6, v13;
	v10 =	vmul.f32 v14, v15  }
0x191: {  	v6 =	vld [tilespmem:s25+$0x7000];
	v11 =	vmul.f32 v8, v13;
	v13 =	vmul.f32 v7, v15  }
0x192: {  	v8 =	vld [tilespmem:s25+$0x6800]  }
0x193: {  	v7 =	vld [tilespmem:s25+$0x8000];
	v14 =	vadd.f32 v9, v10;
	v11 =	vadd.f32 v11, v13  }
0x194: {  	v10 =	vld [tilespmem:s25+$0x7800]  }
0x195: {  	s26 =	simm.s32 $0x80;
	v9 =	vld [tilespmem:s25+$0x9000];
	v11 =	vmul.f32 v11, v12;
	v12 =	vmul.f32 v14, v63  }
.LBB2_8:
0x196: {  	p0 =	sne.s32 s26, $0x1FC0;
	v13 =	vld [tilespmem:s25+$0x8800]  }
0x197: {  	v14 =	vld [tilespmem:s25+$0xB800];
	v11 =	vadd.f32 v11, v12  }
0x198: {  	v4 =	vmul.f32 v4, v2;
	v5 =	vmul.f32 v5, v3;
	v12 =	vld [tilespmem:s25+$0xA800]  }
0x199: {  	v6 =	vmul.f32 v6, v2;
	v8 =	vmul.f32 v8, v3;
	v15 =	vld [tilespmem:s25+$0xB000];
	[tilespmem:s24+$0xC800] =	vst v11;
	s24 =	smov.u32 s25  }
0x19a: {  	v7 =	vmul.f32 v7, v2;
	s25 =	sshra.s32 s26, $0x2;
	v10 =	vmul.f32 v10, v3;
	v16 =	vld [tilespmem:s24+$0xC000]  }
0x19b: {  	v9 =	vmul.f32 v9, v2;
	v2 =	vld [tilespmem:s25+$0x9800];
	v11 =	vmul.f32 v13, v3  }
0x19c: {  	v6 =	vadd.f32 v8, v6;
	v13 =	vadd.f32 v5, v4;
	v3 =	vld [tilespmem:s25+$0xA000]  }
0x19d: {  	v7 =	vadd.f32 v10, v7;
	v4 =	vld [tilespmem:s25+$0x6000];
	v8 =	vadd.f32 v11, v9  }
0x19e: {  	v9 =	vmul.f32 v6, v12;
	v5 =	vld [tilespmem:s25+$0x5800];
	v10 =	vmul.f32 v13, v15  }
.Ltmp7:
0x19f: {  	v6 =	vld [tilespmem:s25+$0x7000];
	v11 =	vmul.f32 v8, v12;
	v12 =	vmul.f32 v7, v15;
	(pc) =	sbr.rel @p0 .LBB2_8-.Ltmp7, $4  }
0x1a0: {  	v8 =	vld [tilespmem:s25+$0x6800]  }
0x1a1: {  	v13 =	vadd.f32 v9, v10;
	v7 =	vld [tilespmem:s25+$0x8000];
	v11 =	vadd.f32 v11, v12  }
0x1a2: {  	v10 =	vld [tilespmem:s25+$0x7800]  }
0x1a3: {  	s26 =	sadd.s32 $0x40, s26;
	v12 =	vmul.f32 v13, v16;
	v9 =	vld [tilespmem:s25+$0x9000];
	v11 =	vmul.f32 v11, v14  }
0x1a4: {  	v13 =	vld [tilespmem:s25+$0x8800];
	_ =	sdelay $0x1  }
0x1a5: {  	v14 =	vld [tilespmem:s25+$0xA800];
	v4 =	vmul.f32 v4, v2;
	v5 =	vmul.f32 v5, v3  }
0x1a6: {  	v15 =	vld [tilespmem:s25+$0xB000];
	v6 =	vmul.f32 v6, v2;
	v8 =	vmul.f32 v8, v3  }
0x1a7: {  	v7 =	vmul.f32 v7, v2;
	v10 =	vmul.f32 v10, v3  }
0x1a8: {  	v11 =	vadd.f32 v11, v12;
	v2 =	vmul.f32 v9, v2;
	v3 =	vmul.f32 v13, v3  }
0x1a9: {  	v4 =	vadd.f32 v5, v4;
	v62 =	vadd.f32 v8, v6  }
0x1aa: {  	v61 =	vld [tilespmem:s25+$0xB800];
	[tilespmem:s24+$0xC800] =	vst v11;
	v63 =	vadd.f32 v10, v7;
	v2 =	vadd.f32 v3, v2  }
0x1ab: {  	v5 =	vmul.f32 v62, v14;
	v4 =	vmul.f32 v4, v15;
	v3 =	vld [tilespmem:s25+$0xC000]  }
0x1ac: {  	v6 =	vmul.f32 v63, v15;
	v2 =	vmul.f32 v2, v14;
	_ =	sdelay $0x1  }
0x1ad: {  	v4 =	vadd.f32 v5, v4;
	v2 =	vadd.f32 v2, v6;
	_ =	sdelay $0x1  }
0x1ae: {  	v3 =	vmul.f32 v4, v3;
	v2 =	vmul.f32 v2, v61;
	_ =	sdelay $0x1  }
.Ltmp8:
0x1af: {  	v2 =	vadd.f32 v2, v3;
	(pc) =	sbr.rel .LBB2_17-.Ltmp8, $4  }
0x1b0: {  	_ = 	snop  }
0x1b1: {  	s23 =	sadd.s32 s2, s23;
	[tilespmem:s25+$0xC800] =	vst v2  }
0x1b2: {  	[hbm4b:s23+s3] =	stream.linear.scatter [tilespmem:s19], [sflag:$0x4], $0x800, $0x38;
	[tilespmem:$0x1A000] =	vst v63  }
0x1b3: {  	s23 =	simm.s32 $0x4  }
.LBB2_10:
0x1b4: {  	p0 =	seq.s32 s22, $0xF  }
.Ltmp9:
0x1b5: {  	_ = 	snop;
	(pc) =	sbr.rel @p0 .LBB2_14-.Ltmp9, $1  }
0x1b6: {  	_ =	sdelay $0x3  }
0x1b7: {  	s23 =	sshll.u32 s22, $0xB;
	s24 =	rddreg [dreg:$0x7]  }
0x1b8: {  	s23 =	sadd.s32 s23, s24  }
0x1b9: {  	s23 =	sshrl.u32 s23, $0x3  }
0x1ba: {  	s25 =	simm.s32 $0x0;
	s26 =	sadd.s32 s5, s23  }
0x1bb: {  	[tilespmem:s25], [sflag:$0x4] =	stream.linear.gather [hbm4b:s26+s25], $0x800, $0x38;
	[tilespmem:$0x1A000] =	vst v63  }
0x1bc: {  	_ =	swait.ge [sflag:s16], $0x800  }
0x1bd: {  	[sflag:s16] =	ssyncset.done $0x0  }
0x1be: {  	s28 =	sadd.s32 s6, s23;
	s26 =	simm.s32 $0x800;
	[sflag:s16] =	ssyncadd.s32 $0xFFFFF800  }
0x1bf: {  	[tilespmem:s26], [sflag:$0x4] =	stream.linear.gather [hbm4b:s28+s25], $0x800, $0x38;
	[tilespmem:$0x1A000] =	vst v63  }
0x1c0: {  	_ =	swait.ge [sflag:s16], $0x800  }
0x1c1: {  	[sflag:s16] =	ssyncset.done $0x0  }
0x1c2: {  	s23 =	sadd.s32 s7, s23;
	s28 =	simm.s32 $0x1000;
	[sflag:s16] =	ssyncadd.s32 $0xFFFFF800  }
0x1c3: {  	[tilespmem:s28], [sflag:$0x4] =	stream.linear.gather [hbm4b:s23+s25], $0x800, $0x38;
	[tilespmem:$0x1A000] =	vst v63  }
0x1c4: {  	_ =	swait.ge [sflag:s16], $0x800  }
0x1c5: {  	[sflag:s16] =	ssyncset.done $0x0  }
0x1c6: {  	s24 =	simm.s32 $0x0;
	[sflag:s16] =	ssyncadd.s32 $0xFFFFF800  }
0x1c7: {  	v2 =	vld [tilespmem:s24+$0x1000]  }
0x1c8: {  	v3 =	vld [tilespmem:s24+$0x0]  }
0x1c9: {  	v4 =	vld [tilespmem:s24+$0x800];
	_ =	sdelay $0x2  }
0x1ca: {  	v2 =	vmul.f32 $1.280000000e+02, v2  }
0x1cb: {  	v3 =	vmul.f32 $1.280000000e+02, v3  }
0x1cc: {  	v4 =	vmul.f32 $1.280000000e+02, v4;
	v2 =	vmax.f32 v2, $1.000000050e-03  }
0x1cd: {  	v3 =	vmax.f32 v3, $1.000000050e-03;
	v5 =	vmin.f32 v2, $1.269990010e+02  }
0x1ce: {  	v3 =	vmin.f32 v3, $1.269990010e+02;
	v2 =	vmax.f32 v4, $1.000000050e-03;
	v4 =	vtrunc.f32 v5  }
0x1cf: {  	v6 =	vtrunc.f32 v3;
	v7 =	vmin.f32 v2, $1.269990010e+02;
	v2 =	vcvt.f32.s32 v4  }
0x1d0: {  	v4 =	vcvt.f32.s32 v6;
	v6 =	vtrunc.f32 v7  }
0x1d1: {  	v6 =	vcvt.f32.s32 v6  }
0x1d2: {  	v8 =	vcvt.s32.f32 v2;
	v9 =	vcvt.s32.f32 v4;
	v4 =	vshll.u32 v4, $0xE  }
0x1d3: {  	s23 =	simm.s32 $0x10;
	v10 =	vcvt.s32.f32 v6;
	v4 =	vadd.s32 v0, v4;
	v6 =	vshll.u32 v6, $0x7  }
0x1d4: {  	v12 =	vld [tilespmem:s23+$0x1000];
	v11 =	vsub.f32 v5, v8;
	v13 =	vsub.f32 v3, v9;
	v4 =	vadd.s32 v6, v4  }
0x1d5: {  	v14 =	vld [tilespmem:s23+$0x0];
	v15 =	vsub.f32 v7, v10;
	v2 =	vadd.s32 v2, v4  }
0x1d6: {  	v6 =	vld [tilespmem:s23+$0x800];
	vm0 =	vgt.f32 v11, $0.0e+00;
	vm1 =	vgt.f32 v13, $0.0e+00;
	[tilespmem:s24+$0x9800] =	vst v13;
	v13 =	vadd.s32 $0x4000, v2  }
0x1d7: {  	[tilespmem:s24+$0x1800] =	vst v2;
	v16 =	vsel vm0, $0x3F800000, v1;
	v4 =	vsel vm1, $0x3F800000, v1;
	vm15 =	vgt.f32 v15, $0.0e+00  }
0x1d8: {  	[tilespmem:s24+$0xB800] =	vst v11;
	v8 =	vadd.f32 v8, v16;
	v4 =	vadd.f32 v9, v4;
	v9 =	vsel vm15, $0x3F800000, v1  }
0x1d9: {  	v12 =	vmul.f32 $1.280000000e+02, v12;
	[tilespmem:s24+$0x2000] =	vst v13;
	v13 =	vadd.s32 $0x81, v2;
	v9 =	vadd.f32 v10, v9  }
0x1da: {  	[tilespmem:s24+$0xA800] =	vst v15;
	v10 =	vadd.s32 $0x80, v2;
	v5 =	vsub.f32 v8, v5;
	v8 =	vmul.f32 $1.280000000e+02, v14  }
0x1db: {  	[tilespmem:s24+$0x4800] =	vst v13;
	v3 =	vsub.f32 v4, v3;
	v4 =	vmul.f32 $1.280000000e+02, v6;
	v6 =	vmax.f32 v12, $1.000000050e-03  }
0x1dc: {  	v7 =	vsub.f32 v9, v7;
	[tilespmem:s24+$0xC000] =	vst v5;
	v8 =	vmax.f32 v8, $1.000000050e-03;
	v5 =	vmin.f32 v6, $1.269990010e+02  }
0x1dd: {  	[tilespmem:s24+$0xA000] =	vst v3;
	v4 =	vmax.f32 v4, $1.000000050e-03;
	v3 =	vmin.f32 v8, $1.269990010e+02;
	v8 =	vtrunc.f32 v5  }
0x1de: {  	[tilespmem:s24+$0xB000] =	vst v7;
	v4 =	vmin.f32 v4, $1.269990010e+02;
	v9 =	vtrunc.f32 v3;
	v7 =	vcvt.f32.s32 v8  }
0x1df: {  	[tilespmem:s24+$0x2800] =	vst v10;
	v6 =	vadd.s32 $0x4080, v2;
	v8 =	vtrunc.f32 v4;
	v10 =	vcvt.f32.s32 v9  }
0x1e0: {  	[tilespmem:s24+$0x3000] =	vst v6;
	v6 =	vadd.s32 $0x1, v2;
	v11 =	vcvt.f32.s32 v8;
	v8 =	vcvt.s32.f32 v7  }
0x1e1: {  	[tilespmem:s24+$0x3800] =	vst v6;
	v6 =	vadd.s32 $0x4001, v2;
	v9 =	vcvt.s32.f32 v10;
	v12 =	vshll.u32 v10, $0xE  }
0x1e2: {  	s26 =	simm.s32 $0xC0;
	s25 =	simm.s32 $0x20;
	[tilespmem:s24+$0x4000] =	vst v6;
	v10 =	vcvt.s32.f32 v11;
	v6 =	vsub.f32 v5, v8;
	v12 =	vadd.s32 v0, v12  }
.LBB2_12:
0x1e3: {  	p0 =	sne.s32 s26, $0x1FC0;
	v13 =	vld [tilespmem:s25+$0x1000];
	v14 =	vsub.f32 v3, v9;
	v11 =	vshll.u32 v11, $0x7;
	v2 =	vadd.s32 $0x4081, v2  }
0x1e4: {  	v15 =	vld [tilespmem:s25+$0x0];
	v16 =	vsub.f32 v4, v10;
	vm0 =	vgt.f32 v6, $0.0e+00;
	v11 =	vadd.s32 v11, v12;
	[tilespmem:s24+$0x5000] =	vst v2;
	s24 =	smov.u32 s23;
	s23 =	smov.u32 s25  }
0x1e5: {  	v12 =	vld [tilespmem:s23+$0x800];
	vm1 =	vgt.f32 v14, $0.0e+00;
	v17 =	vsel vm0, $0x3F800000, v1;
	v2 =	vadd.s32 v7, v11;
	[tilespmem:s24+$0x9800] =	vst v14  }
0x1e6: {  	v7 =	vsel vm1, $0x3F800000, v1;
	vm0 =	vgt.f32 v16, $0.0e+00;
	v8 =	vadd.f32 v8, v17;
	[tilespmem:s24+$0x1800] =	vst v2  }
0x1e7: {  	v11 =	vadd.s32 $0x4000, v2;
	v7 =	vadd.f32 v9, v7;
	v9 =	vsel vm0, $0x3F800000, v1;
	[tilespmem:s24+$0xA800] =	vst v16  }
0x1e8: {  	v13 =	vmul.f32 $1.280000000e+02, v13;
	v9 =	vadd.f32 v10, v9;
	v5 =	vsub.f32 v8, v5;
	[tilespmem:s24+$0x2000] =	vst v11  }
0x1e9: {  	v10 =	vadd.s32 $0x80, v2;
	v8 =	vmul.f32 $1.280000000e+02, v15;
	v3 =	vsub.f32 v7, v3;
	[tilespmem:s24+$0xB800] =	vst v6  }
0x1ea: {  	v6 =	vmul.f32 $1.280000000e+02, v12;
	v7 =	vmax.f32 v13, $1.000000050e-03;
	v4 =	vsub.f32 v9, v4;
	[tilespmem:s24+$0xC000] =	vst v5  }
0x1eb: {  	v9 =	vadd.s32 $0x4080, v2;
	v8 =	vmax.f32 v8, $1.000000050e-03;
	v5 =	vmin.f32 v7, $1.269990010e+02;
	[tilespmem:s24+$0xA000] =	vst v3  }
0x1ec: {  	v3 =	vmin.f32 v8, $1.269990010e+02;
	v6 =	vmax.f32 v6, $1.000000050e-03;
	v7 =	vtrunc.f32 v5;
	[tilespmem:s24+$0xB000] =	vst v4  }
.Ltmp10:
0x1ed: {  	v8 =	vtrunc.f32 v3;
	v4 =	vmin.f32 v6, $1.269990010e+02;
	v7 =	vcvt.f32.s32 v7;
	[tilespmem:s24+$0x2800] =	vst v10;
	(pc) =	sbr.rel @p0 .LBB2_12-.Ltmp10, $4  }
0x1ee: {  	v6 =	vcvt.f32.s32 v8;
	v8 =	vtrunc.f32 v4;
	[tilespmem:s24+$0x3000] =	vst v9;
	v9 =	vadd.s32 $0x1, v2  }
0x1ef: {  	v10 =	vadd.s32 $0x4001, v2;
	v11 =	vcvt.f32.s32 v8;
	v8 =	vcvt.s32.f32 v7;
	[tilespmem:s24+$0x3800] =	vst v9  }
0x1f0: {  	v13 =	vadd.s32 $0x81, v2;
	v9 =	vcvt.s32.f32 v6;
	v12 =	vshll.u32 v6, $0xE;
	[tilespmem:s24+$0x4000] =	vst v10  }
0x1f1: {  	s25 =	sshra.s32 s26, $0x2;
	s26 =	sadd.s32 $0x40, s26;
	v10 =	vcvt.s32.f32 v11;
	v6 =	vsub.f32 v5, v8;
	v12 =	vadd.s32 v0, v12;
	[tilespmem:s24+$0x4800] =	vst v13  }
0x1f2: {  	v13 =	vld [tilespmem:s25+$0x1000];
	v14 =	vsub.f32 v3, v9;
	v11 =	vshll.u32 v11, $0x7;
	v2 =	vadd.s32 $0x4081, v2  }
0x1f3: {  	v15 =	vld [tilespmem:s25+$0x0];
	[tilespmem:s24+$0x5000] =	vst v2;
	v2 =	vsub.f32 v4, v10;
	vm0 =	vgt.f32 v6, $0.0e+00;
	v11 =	vadd.s32 v11, v12  }
0x1f4: {  	vm1 =	vgt.f32 v14, $0.0e+00;
	v16 =	vsel vm0, $0x3F800000, v1;
	v7 =	vadd.s32 v7, v11  }
0x1f5: {  	v33 =	vld [tilespmem:s25+$0x800];
	[tilespmem:s23+$0x9800] =	vst v14;
	v34 =	vsel vm1, $0x3F800000, v1;
	vm12 =	vgt.f32 v2, $0.0e+00;
	v8 =	vadd.f32 v8, v16  }
0x1f6: {  	[tilespmem:s23+$0xB800] =	vst v6;
	v37 =	vadd.s32 $0x4000, v7;
	v40 =	vadd.s32 $0x80, v7;
	v44 =	vadd.s32 $0x4080, v7  }
0x1f7: {  	[tilespmem:s23+$0xA800] =	vst v2;
	v49 =	vadd.s32 $0x1, v7;
	v35 =	vadd.f32 v9, v34;
	v2 =	vmul.f32 $1.280000000e+02, v13  }
0x1f8: {  	[tilespmem:s23+$0x1800] =	vst v7;
	v52 =	vadd.s32 $0x4001, v7;
	v36 =	vsel vm12, $0x3F800000, v1;
	v39 =	vmul.f32 $1.280000000e+02, v15  }
0x1f9: {  	[tilespmem:s23+$0x2000] =	vst v37;
	v38 =	vadd.f32 v10, v36;
	v3 =	vsub.f32 v35, v3;
	v2 =	vmax.f32 v2, $1.000000050e-03  }
0x1fa: {  	[tilespmem:s23+$0x2800] =	vst v40;
	v41 =	vmul.f32 $1.280000000e+02, v33;
	v43 =	vmax.f32 v39, $1.000000050e-03;
	v2 =	vmin.f32 v2, $1.269990010e+02  }
0x1fb: {  	v5 =	vsub.f32 v8, v5;
	[tilespmem:s23+$0xA000] =	vst v3;
	v3 =	vmin.f32 v43, $1.269990010e+02;
	v46 =	vtrunc.f32 v2  }
0x1fc: {  	[tilespmem:s23+$0x3000] =	vst v44;
	v45 =	vmax.f32 v41, $1.000000050e-03;
	v47 =	vtrunc.f32 v3;
	v6 =	vcvt.f32.s32 v46  }
0x1fd: {  	v42 =	vsub.f32 v38, v4;
	[tilespmem:s23+$0xC000] =	vst v5;
	v5 =	vmin.f32 v45, $1.269990010e+02;
	v4 =	vcvt.f32.s32 v47  }
0x1fe: {  	v54 =	vadd.s32 $0x81, v7;
	[tilespmem:s23+$0x3800] =	vst v49;
	v48 =	vtrunc.f32 v5;
	v51 =	vcvt.s32.f32 v6  }
0x1ff: {  	[tilespmem:s23+$0x4000] =	vst v52;
	v50 =	vcvt.f32.s32 v48;
	v53 =	vcvt.s32.f32 v4;
	v4 =	vshll.u32 v4, $0xE  }
0x200: {  	v7 =	vadd.s32 $0x4081, v7;
	[tilespmem:s23+$0x4800] =	vst v54;
	v4 =	vadd.s32 v0, v4;
	v56 =	vsub.f32 v2, v51  }
0x201: {  	[tilespmem:s23+$0x5000] =	vst v7;
	v55 =	vcvt.s32.f32 v50;
	v57 =	vsub.f32 v3, v53;
	v8 =	vshll.u32 v50, $0x7  }
0x202: {  	[tilespmem:s23+$0xB000] =	vst v42;
	v4 =	vadd.s32 v8, v4;
	vm13 =	vgt.f32 v56, $0.0e+00  }
0x203: {  	v58 =	vsub.f32 v5, v55;
	vm14 =	vgt.f32 v57, $0.0e+00;
	[tilespmem:s25+$0x9800] =	vst v57;
	v59 =	vsel vm13, $0x3F800000, v1  }
0x204: {  	v4 =	vadd.s32 v6, v4;
	[tilespmem:s25+$0xB800] =	vst v56;
	v60 =	vsel vm14, $0x3F800000, v1;
	v8 =	vadd.f32 v51, v59  }
0x205: {  	[tilespmem:s25+$0x1800] =	vst v4;
	v6 =	vadd.f32 v53, v60  }
0x206: {  	v62 =	vadd.s32 $0x4000, v4;
	vm15 =	vgt.f32 v58, $0.0e+00;
	[tilespmem:s25+$0xA800] =	vst v58;
	v2 =	vsub.f32 v8, v2  }
0x207: {  	[tilespmem:s25+$0x2000] =	vst v62;
	v61 =	vsel vm15, $0x3F800000, v1;
	v3 =	vsub.f32 v6, v3  }
0x208: {  	v63 =	vadd.f32 v55, v61;
	[tilespmem:s25+$0xC000] =	vst v2  }
0x209: {  	[tilespmem:s25+$0xA000] =	vst v3;
	v2 =	vadd.s32 $0x80, v4  }
0x20a: {  	v5 =	vsub.f32 v63, v5;
	v3 =	vadd.s32 $0x4080, v4;
	[tilespmem:s25+$0x2800] =	vst v2  }
0x20b: {  	[tilespmem:s25+$0x3000] =	vst v3  }
0x20c: {  	v2 =	vadd.s32 $0x1, v4;
	[tilespmem:s25+$0xB000] =	vst v5  }
0x20d: {  	[tilespmem:s25+$0x3800] =	vst v2;
	v2 =	vadd.s32 $0x4001, v4  }
0x20e: {  	[tilespmem:s25+$0x4000] =	vst v2;
	v2 =	vadd.s32 $0x81, v4  }
0x20f: {  	[tilespmem:s25+$0x4800] =	vst v2;
	v2 =	vadd.s32 $0x4081, v4  }
0x210: {  	s24 =	simm.s32 $0x1800;
	[tilespmem:s25+$0x5000] =	vst v2;
	s25 =	simm.s32 $0x5800  }
0x211: {  	[tilespmem:s25], [sflag:$0x1] =	stream.indirect.gather [hbm4b:s1+s17], $0x1, s24, s17, $0xb8;
	[tilespmem:$0x1A000] =	vst v63  }
0x212: {  	s26 =	simm.s32 $0x1A00;
	s28 =	simm.s32 $0x5A00  }
0x213: {  	[tilespmem:s28], [sflag:$0x1] =	stream.indirect.gather [hbm4b:s1+s17], $0x1, s26, s17, $0xb8;
	[tilespmem:$0x1A000] =	vst v63  }
0x214: {  	s24 =	simm.s32 $0x1C00;
	s25 =	simm.s32 $0x5C00  }
0x215: {  	[tilespmem:s25], [sflag:$0x1] =	stream.indirect.gather [hbm4b:s1+s17], $0x1, s24, s17, $0xb8;
	[tilespmem:$0x1A000] =	vst v63  }
0x216: {  	s26 =	simm.s32 $0x1E00;
	s28 =	simm.s32 $0x5E00  }
0x217: {  	[tilespmem:s28], [sflag:$0x1] =	stream.indirect.gather [hbm4b:s1+s17], $0x1, s26, s17, $0xb8;
	[tilespmem:$0x1A000] =	vst v63  }
0x218: {  	s24 =	simm.s32 $0x2000;
	s25 =	simm.s32 $0x6000  }
0x219: {  	[tilespmem:s25], [sflag:$0x1] =	stream.indirect.gather [hbm4b:s1+s17], $0x1, s24, s17, $0xb8;
	[tilespmem:$0x1A000] =	vst v63  }
0x21a: {  	s26 =	simm.s32 $0x2200;
	s28 =	simm.s32 $0x6200  }
0x21b: {  	[tilespmem:s28], [sflag:$0x1] =	stream.indirect.gather [hbm4b:s1+s17], $0x1, s26, s17, $0xb8;
	[tilespmem:$0x1A000] =	vst v63  }
0x21c: {  	s24 =	simm.s32 $0x2400;
	s25 =	simm.s32 $0x6400  }
0x21d: {  	[tilespmem:s25], [sflag:$0x1] =	stream.indirect.gather [hbm4b:s1+s17], $0x1, s24, s17, $0xb8;
	[tilespmem:$0x1A000] =	vst v63  }
0x21e: {  	s26 =	simm.s32 $0x2600;
	s28 =	simm.s32 $0x6600  }
0x21f: {  	[tilespmem:s28], [sflag:$0x1] =	stream.indirect.gather [hbm4b:s1+s17], $0x1, s26, s17, $0xb8;
	[tilespmem:$0x1A000] =	vst v63  }
0x220: {  	s24 =	simm.s32 $0x2800;
	s25 =	simm.s32 $0x6800  }
0x221: {  	[tilespmem:s25], [sflag:$0x1] =	stream.indirect.gather [hbm4b:s1+s17], $0x1, s24, s17, $0xb8;
	[tilespmem:$0x1A000] =	vst v63  }
0x222: {  	s26 =	simm.s32 $0x2A00;
	s28 =	simm.s32 $0x6A00  }
0x223: {  	[tilespmem:s28], [sflag:$0x1] =	stream.indirect.gather [hbm4b:s1+s17], $0x1, s26, s17, $0xb8;
	[tilespmem:$0x1A000] =	vst v63  }
0x224: {  	s24 =	simm.s32 $0x2C00;
	s25 =	simm.s32 $0x6C00  }
0x225: {  	[tilespmem:s25], [sflag:$0x1] =	stream.indirect.gather [hbm4b:s1+s17], $0x1, s24, s17, $0xb8;
	[tilespmem:$0x1A000] =	vst v63  }
0x226: {  	s26 =	simm.s32 $0x2E00;
	s28 =	simm.s32 $0x6E00  }
0x227: {  	[tilespmem:s28], [sflag:$0x1] =	stream.indirect.gather [hbm4b:s1+s17], $0x1, s26, s17, $0xb8;
	[tilespmem:$0x1A000] =	vst v63  }
0x228: {  	s24 =	simm.s32 $0x3000;
	s25 =	simm.s32 $0x7000  }
0x229: {  	[tilespmem:s25], [sflag:$0x1] =	stream.indirect.gather [hbm4b:s1+s17], $0x1, s24, s17, $0xb8;
	[tilespmem:$0x1A000] =	vst v63  }
0x22a: {  	s26 =	simm.s32 $0x3200;
	s28 =	simm.s32 $0x7200  }
0x22b: {  	[tilespmem:s28], [sflag:$0x1] =	stream.indirect.gather [hbm4b:s1+s17], $0x1, s26, s17, $0xb8;
	[tilespmem:$0x1A000] =	vst v63  }
0x22c: {  	s24 =	simm.s32 $0x3400;
	s25 =	simm.s32 $0x7400  }
0x22d: {  	[tilespmem:s25], [sflag:$0x1] =	stream.indirect.gather [hbm4b:s1+s17], $0x1, s24, s17, $0xb8;
	[tilespmem:$0x1A000] =	vst v63  }
0x22e: {  	s26 =	simm.s32 $0x3600;
	s28 =	simm.s32 $0x7600  }
0x22f: {  	[tilespmem:s28], [sflag:$0x1] =	stream.indirect.gather [hbm4b:s1+s17], $0x1, s26, s17, $0xb8;
	[tilespmem:$0x1A000] =	vst v63  }
0x230: {  	s24 =	simm.s32 $0x3800;
	s25 =	simm.s32 $0x7800  }
0x231: {  	[tilespmem:s25], [sflag:$0x1] =	stream.indirect.gather [hbm4b:s1+s17], $0x1, s24, s17, $0xb8;
	[tilespmem:$0x1A000] =	vst v63  }
0x232: {  	s26 =	simm.s32 $0x3A00;
	s28 =	simm.s32 $0x7A00  }
0x233: {  	[tilespmem:s28], [sflag:$0x1] =	stream.indirect.gather [hbm4b:s1+s17], $0x1, s26, s17, $0xb8;
	[tilespmem:$0x1A000] =	vst v63  }
0x234: {  	s24 =	simm.s32 $0x3C00;
	s25 =	simm.s32 $0x7C00  }
0x235: {  	[tilespmem:s25], [sflag:$0x1] =	stream.indirect.gather [hbm4b:s1+s17], $0x1, s24, s17, $0xb8;
	[tilespmem:$0x1A000] =	vst v63  }
0x236: {  	s26 =	simm.s32 $0x3E00;
	s28 =	simm.s32 $0x7E00  }
0x237: {  	[tilespmem:s28], [sflag:$0x1] =	stream.indirect.gather [hbm4b:s1+s17], $0x1, s26, s17, $0xb8;
	[tilespmem:$0x1A000] =	vst v63  }
0x238: {  	s24 =	simm.s32 $0x4000;
	s25 =	simm.s32 $0x8000  }
0x239: {  	[tilespmem:s25], [sflag:$0x1] =	stream.indirect.gather [hbm4b:s1+s17], $0x1, s24, s17, $0xb8;
	[tilespmem:$0x1A000] =	vst v63  }
0x23a: {  	s26 =	simm.s32 $0x4200;
	s28 =	simm.s32 $0x8200  }
0x23b: {  	[tilespmem:s28], [sflag:$0x1] =	stream.indirect.gather [hbm4b:s1+s17], $0x1, s26, s17, $0xb8;
	[tilespmem:$0x1A000] =	vst v63  }
0x23c: {  	s24 =	simm.s32 $0x4400;
	s25 =	simm.s32 $0x8400  }
0x23d: {  	[tilespmem:s25], [sflag:$0x1] =	stream.indirect.gather [hbm4b:s1+s17], $0x1, s24, s17, $0xb8;
	[tilespmem:$0x1A000] =	vst v63  }
0x23e: {  	s26 =	simm.s32 $0x4600;
	s28 =	simm.s32 $0x8600  }
0x23f: {  	[tilespmem:s28], [sflag:$0x1] =	stream.indirect.gather [hbm4b:s1+s17], $0x1, s26, s17, $0xb8;
	[tilespmem:$0x1A000] =	vst v63  }
0x240: {  	s24 =	simm.s32 $0x4800;
	s25 =	simm.s32 $0x8800  }
0x241: {  	[tilespmem:s25], [sflag:$0x1] =	stream.indirect.gather [hbm4b:s1+s17], $0x1, s24, s17, $0xb8;
	[tilespmem:$0x1A000] =	vst v63  }
0x242: {  	s26 =	simm.s32 $0x4A00;
	s28 =	simm.s32 $0x8A00  }
0x243: {  	[tilespmem:s28], [sflag:$0x1] =	stream.indirect.gather [hbm4b:s1+s17], $0x1, s26, s17, $0xb8;
	[tilespmem:$0x1A000] =	vst v63  }
0x244: {  	s24 =	simm.s32 $0x4C00;
	s25 =	simm.s32 $0x8C00  }
0x245: {  	[tilespmem:s25], [sflag:$0x1] =	stream.indirect.gather [hbm4b:s1+s17], $0x1, s24, s17, $0xb8;
	[tilespmem:$0x1A000] =	vst v63  }
0x246: {  	s26 =	simm.s32 $0x4E00;
	s28 =	simm.s32 $0x8E00  }
0x247: {  	[tilespmem:s28], [sflag:$0x1] =	stream.indirect.gather [hbm4b:s1+s17], $0x1, s26, s17, $0xb8;
	[tilespmem:$0x1A000] =	vst v63  }
0x248: {  	s24 =	simm.s32 $0x5000;
	s25 =	simm.s32 $0x9000  }
0x249: {  	[tilespmem:s25], [sflag:$0x1] =	stream.indirect.gather [hbm4b:s1+s17], $0x1, s24, s17, $0xb8;
	[tilespmem:$0x1A000] =	vst v63  }
0x24a: {  	s26 =	simm.s32 $0x5200;
	s28 =	simm.s32 $0x9200  }
0x24b: {  	[tilespmem:s28], [sflag:$0x1] =	stream.indirect.gather [hbm4b:s1+s17], $0x1, s26, s17, $0xb8;
	[tilespmem:$0x1A000] =	vst v63  }
0x24c: {  	s24 =	simm.s32 $0x5400;
	s25 =	simm.s32 $0x9400  }
0x24d: {  	[tilespmem:s25], [sflag:$0x1] =	stream.indirect.gather [hbm4b:s1+s17], $0x1, s24, s17, $0xb8;
	[tilespmem:$0x1A000] =	vst v63  }
0x24e: {  	s26 =	simm.s32 $0x5600;
	s28 =	simm.s32 $0x9600  }
0x24f: {  	[tilespmem:s28], [sflag:$0x1] =	stream.indirect.gather [hbm4b:s1+s17], $0x1, s26, s17, $0xb8;
	[tilespmem:$0x1A000] =	vst v63  }
.LBB2_14:
0x250: {  	_ =	swait.ge [sflag:s20], $0x800  }
0x251: {  	[sflag:s20] =	ssyncset.done $0x0  }
0x252: {  	[sflag:s20] =	ssyncadd.s32 $0xFFFFF800  }
0x253: {  	_ =	swait.ge [sflag:s20], $0x800  }
0x254: {  	[sflag:s20] =	ssyncset.done $0x0  }
0x255: {  	[sflag:s20] =	ssyncadd.s32 $0xFFFFF800  }
0x256: {  	_ =	swait.ge [sflag:s20], $0x800  }
0x257: {  	[sflag:s20] =	ssyncset.done $0x0  }
0x258: {  	[sflag:s20] =	ssyncadd.s32 $0xFFFFF800  }
0x259: {  	_ =	swait.ge [sflag:s20], $0x800  }
0x25a: {  	[sflag:s20] =	ssyncset.done $0x0  }
0x25b: {  	[sflag:s20] =	ssyncadd.s32 $0xFFFFF800  }
0x25c: {  	_ =	swait.ge [sflag:s20], $0x800  }
0x25d: {  	[sflag:s20] =	ssyncset.done $0x0  }
0x25e: {  	[sflag:s20] =	ssyncadd.s32 $0xFFFFF800  }
0x25f: {  	_ =	swait.ge [sflag:s20], $0x800  }
0x260: {  	[sflag:s20] =	ssyncset.done $0x0  }
0x261: {  	[sflag:s20] =	ssyncadd.s32 $0xFFFFF800  }
0x262: {  	_ =	swait.ge [sflag:s20], $0x800  }
0x263: {  	[sflag:s20] =	ssyncset.done $0x0  }
0x264: {  	[sflag:s20] =	ssyncadd.s32 $0xFFFFF800  }
0x265: {  	_ =	swait.ge [sflag:s20], $0x800  }
0x266: {  	[sflag:s20] =	ssyncset.done $0x0  }
0x267: {  	s23 =	simm.s32 $0x0;
	[sflag:s20] =	ssyncadd.s32 $0xFFFFF800  }
0x268: {  	v3 =	vld [tilespmem:s23+$0x16800]  }
0x269: {  	v4 =	vld [tilespmem:s23+$0x17000]  }
0x26a: {  	v2 =	vld [tilespmem:s23+$0x13000]  }
0x26b: {  	v5 =	vld [tilespmem:s23+$0x12800]  }
0x26c: {  	v6 =	vld [tilespmem:s23+$0x14000]  }
0x26d: {  	v7 =	vld [tilespmem:s23+$0x13800]  }
0x26e: {  	v8 =	vld [tilespmem:s23+$0x15000]  }
0x26f: {  	v9 =	vld [tilespmem:s23+$0x14800]  }
0x270: {  	v10 =	vld [tilespmem:s23+$0x16000]  }
0x271: {  	v11 =	vld [tilespmem:s23+$0x15800]  }
0x272: {  	v12 =	vld [tilespmem:s23+$0x18800]  }
0x273: {  	v13 =	vld [tilespmem:s23+$0x17800];
	v14 =	vmul.f32 v2, v3;
	v5 =	vmul.f32 v5, v4  }
0x274: {  	v15 =	vld [tilespmem:s23+$0x18000];
	v6 =	vmul.f32 v6, v3;
	v7 =	vmul.f32 v7, v4  }
0x275: {  	s24 =	simm.s32 $0x10;
	v16 =	vld [tilespmem:s23+$0x19000];
	v8 =	vmul.f32 v8, v3;
	v9 =	vmul.f32 v9, v4  }
0x276: {  	v2 =	vld [tilespmem:s24+$0x16800];
	v10 =	vmul.f32 v10, v3;
	v11 =	vmul.f32 v11, v4  }
0x277: {  	v3 =	vld [tilespmem:s24+$0x17000];
	v14 =	vadd.f32 v5, v14;
	v6 =	vadd.f32 v7, v6  }
0x278: {  	v4 =	vld [tilespmem:s24+$0x13000];
	v7 =	vadd.f32 v9, v8;
	v8 =	vadd.f32 v11, v10  }
0x279: {  	v5 =	vld [tilespmem:s24+$0x12800];
	v9 =	vmul.f32 v6, v13;
	v10 =	vmul.f32 v14, v15  }
0x27a: {  	v6 =	vld [tilespmem:s24+$0x14000];
	v11 =	vmul.f32 v8, v13;
	v13 =	vmul.f32 v7, v15  }
0x27b: {  	v8 =	vld [tilespmem:s24+$0x13800]  }
0x27c: {  	v7 =	vld [tilespmem:s24+$0x15000];
	v14 =	vadd.f32 v9, v10;
	v11 =	vadd.f32 v11, v13  }
0x27d: {  	v10 =	vld [tilespmem:s24+$0x14800]  }
0x27e: {  	s25 =	simm.s32 $0x80;
	v9 =	vld [tilespmem:s24+$0x16000];
	v11 =	vmul.f32 v11, v12;
	v12 =	vmul.f32 v14, v16  }
.LBB2_15:
0x27f: {  	p0 =	sne.s32 s25, $0x1FC0;
	v13 =	vld [tilespmem:s24+$0x15800]  }
0x280: {  	v11 =	vadd.f32 v11, v12;
	v14 =	vld [tilespmem:s24+$0x18800]  }
0x281: {  	v4 =	vmul.f32 v4, v2;
	v5 =	vmul.f32 v5, v3;
	v12 =	vld [tilespmem:s24+$0x17800]  }
0x282: {  	v6 =	vmul.f32 v6, v2;
	v8 =	vmul.f32 v8, v3;
	v15 =	vld [tilespmem:s24+$0x18000];
	[tilespmem:s23+$0x19800] =	vst v11;
	s23 =	smov.u32 s24  }
0x283: {  	v7 =	vmul.f32 v7, v2;
	v10 =	vmul.f32 v10, v3;
	s24 =	sshra.s32 s25, $0x2;
	v16 =	vld [tilespmem:s23+$0x19000]  }
0x284: {  	v9 =	vmul.f32 v9, v2;
	v2 =	vld [tilespmem:s24+$0x16800];
	v11 =	vmul.f32 v13, v3  }
0x285: {  	v6 =	vadd.f32 v8, v6;
	v13 =	vadd.f32 v5, v4;
	v3 =	vld [tilespmem:s24+$0x17000]  }
0x286: {  	v7 =	vadd.f32 v10, v7;
	v4 =	vld [tilespmem:s24+$0x13000];
	v8 =	vadd.f32 v11, v9  }
0x287: {  	v9 =	vmul.f32 v6, v12;
	v5 =	vld [tilespmem:s24+$0x12800];
	v10 =	vmul.f32 v13, v15  }
.Ltmp11:
0x288: {  	v6 =	vld [tilespmem:s24+$0x14000];
	v11 =	vmul.f32 v8, v12;
	v12 =	vmul.f32 v7, v15;
	(pc) =	sbr.rel @p0 .LBB2_15-.Ltmp11, $4  }
0x289: {  	v8 =	vld [tilespmem:s24+$0x13800]  }
0x28a: {  	v13 =	vadd.f32 v9, v10;
	v7 =	vld [tilespmem:s24+$0x15000];
	v11 =	vadd.f32 v11, v12  }
0x28b: {  	v10 =	vld [tilespmem:s24+$0x14800]  }
0x28c: {  	s25 =	sadd.s32 $0x40, s25;
	v12 =	vmul.f32 v13, v16;
	v9 =	vld [tilespmem:s24+$0x16000];
	v11 =	vmul.f32 v11, v14  }
.Ltmp12:
0x28d: {  	_ = 	snop;
	(pc) =	sbr.rel .LBB2_16-.Ltmp12, $1  }
0x28e: {  	_ =	sdelay $0x3  }
.LBB2_19:
0x28f: {  	_ =	sfence.sel $0x180000  }
0x290: {  	[bflag:$0x0] =	sbarrier.arrive $0xFFFF  }
0x291: {  	_ =	strace $0x90000047  }
0x292: {  	s0 =	stileid.u32;
	[bflag:$0x2] =	sbarrier.arrive $0xFFFF  }
0x293: {  	p0 =	sne.s32 s0, $0x0;
	s0 =	rddreg [dreg:$0x3]  }
0x294: {  	s0 =	sadd.s32 @!p0 $0x100000, s0  }
0x295: {  	[sflag:s0] =	ssyncadd.tile.s32 @!p0 $0x1;
	_ =	shalt  }
.Lfunc_end2:
_tile_overlayer_lowered:
.L_overlay_start_2:
0x296: {  	(tag) =	ssettag $0x2  }
0x297: {  	s0 =	rddreg [dreg:$0x0];
	s2 =	stileid.u32  }
0x298: {  	s1 =	rddreg [dreg:$0x1];
	p0 =	sne.s32 s2, $0x0  }
0x299: {  	s3 =	rddreg [dreg:$0x2];
	[bflag:$0x3] =	sbarrier.arrive $0xFFFF;
	s2 =	simm.s32 @!p0 $0x1C03  }
0x29a: {  	[timem:s3], [sflag:s2] =	dma.local @!p0 [hbm:s0], s1  }
0x29b: {  	s0 =	simm.s32 @!p0 $0x3  }
0x29c: {  	_ =	swait.ge @!p0 [sflag:s0], s1  }
0x29d: {  	s1 =	ssub.s32 @!p0 $0x0, s1;
	[sflag:s0] =	ssyncset.done @!p0 $0x0  }
0x29e: {  	[sflag:s0] =	ssyncadd.s32 @!p0 s1  }
0x29f: {  	[bflag:$0x3] =	sbarrier.arrive $0xFFFF  }
0x2a0: {  	_ =	shalt  }

</sc_bundles>
